<compile_context>
chip_gen: v7x
topology: tpu7x:2x2x1
jax: 0.10.2.dev20260603
libtpu: 0.0.44.dev20260713+nightly
codegen_flags: <defaults>
</compile_context>

<pallas_src>
import functools

import jax
import jax.numpy as jnp
from jax import lax
from jax.experimental import pallas as pl
from jax.experimental.pallas import tpu as pltpu
from jax.experimental.pallas import tpu_sc as plsc

_BATCH = 4096
_SEQ = 200
_D = 64
_V = 1000000
_NW = 32
_CH = 128
_TW = 8192


def _tc_relayout(tT):
    grid = (_V + _TW - 1) // _TW

    def body(in_ref, out_ref):
        b = in_ref[...].T
        out_ref[...] = jnp.concatenate([b, b], axis=1)

    return pl.pallas_call(
        body,
        grid=(grid,),
        in_specs=[pl.BlockSpec((_D, _TW), lambda i: (0, i))],
        out_specs=pl.BlockSpec((_TW, 2 * _D), lambda i: (i, 0)),
        out_shape=jax.ShapeDtypeStruct((_V, 2 * _D), jnp.float32),
    )(tT)


def _emb_call(xt, table):
    mesh = plsc.VectorSubcoreMesh(core_axis_name="c", subcore_axis_name="s")

    @functools.partial(
        pl.kernel,
        mesh=mesh,
        out_type=jax.ShapeDtypeStruct((_SEQ, 8, _NW, 8, _CH), jnp.float32),
        scratch_types=[
            pltpu.VMEM((_SEQ, _CH), jnp.int32),
            pltpu.VMEM((2, _CH, 2 * _D), jnp.float32),
            pltpu.VMEM((_D, _CH + 1), jnp.float32),
            pltpu.VMEM((_D, _CH + 1), jnp.float32),
            pltpu.SemaphoreType.DMA,
            pltpu.SemaphoreType.DMA,
            pltpu.SemaphoreType.DMA,
            pltpu.SemaphoreType.DMA,
        ],
        compiler_params=pltpu.CompilerParams(
            use_tc_tiling_on_sc=False, needs_layout_passes=False
        ),
    )
    def k(xt_hbm, table_hbm, out_hbm, idx_v, gbuf, tb0, tb1, g0, g1, w0, w1):
        wid = lax.axis_index("s") * 2 + lax.axis_index("c")
        pltpu.sync_copy(xt_hbm.at[:, wid], idx_v)

        ci = lax.iota(jnp.int32, 16)
        cvec = [16 * kk + ci for kk in range(4)]

        pltpu.async_copy(table_hbm.at[idx_v.at[0]], gbuf.at[0], g0)
        pltpu.async_copy(table_hbm.at[idx_v.at[1]], gbuf.at[1], g1)

        def transpose_block(gb, tb):
            def tgroup(tt, carry):
                for dt in range(8):
                    t = tt * 8 + dt
                    tspl = jnp.full((16,), 0, jnp.int32) + t
                    for kk in range(4):
                        vals = gb[t, pl.ds(16 * kk, 16)]
                        plsc.store_scatter(tb, [cvec[kk], tspl], vals)
                return carry

            lax.fori_loop(0, _CH // 8, tgroup, 0)

        def pair(i, carry):
            for p, gsem, wsem in ((0, g0, w0), (1, g1, w1)):
                s = 2 * i + p
                pltpu.make_async_copy(
                    table_hbm.at[idx_v.at[s]], gbuf.at[p], gsem
                ).wait()

                tb = tb0 if p == 0 else tb1

                @pl.when(s >= 2)
                def _():
                    for tr in range(8):
                        pltpu.make_async_copy(
                            tb.at[pl.ds(tr * 8, 8), pl.ds(0, _CH)],
                            out_hbm.at[s, tr, wid],
                            wsem,
                        ).wait()

                transpose_block(gbuf.at[p], tb0 if p == 0 else tb1)

                @pl.when(s + 2 < _SEQ)
                def _():
                    pltpu.async_copy(
                        table_hbm.at[idx_v.at[s + 2]], gbuf.at[p], gsem
                    )

                for tr in range(8):
                    pltpu.async_copy(
                        tb.at[pl.ds(tr * 8, 8), pl.ds(0, _CH)],
                        out_hbm.at[s, tr, wid],
                        wsem,
                    )
            return carry

        lax.fori_loop(0, _SEQ // 2, pair, 0)

        for p, tb, wsem in ((0, tb0, w0), (1, tb1, w1)):
            for tr in range(8):
                pltpu.make_async_copy(
                    tb.at[pl.ds(tr * 8, 8), pl.ds(0, _CH)],
                    out_hbm.at[_SEQ - 2 + p, tr, wid],
                    wsem,
                ).wait()

    return k(xt, table)


def kernel(x, table):
    xt = jnp.transpose(x).reshape(_SEQ, _NW, _CH).astype(jnp.int32)
    trows = _tc_relayout(jnp.transpose(table))
    out5 = _emb_call(xt, trows)
    return lax.reshape(out5, (_BATCH, _SEQ, _D), dimensions=(2, 4, 0, 1, 3))

# --- scband reference (transcript-rebuilt; emitter-appended) ---
"""Pipeline reference for scband-embeddings-50826642981540 (READ-ONLY COPY).

The authoritative reference and input builder live on the scoring server;
editing this copy changes nothing except your own understanding.
"""

import jax, jax.numpy as jnp
import numpy as np

VOCAB = 1000000
EMBED_DIM = 64
BATCH = 4096
SEQ = 200

def setup_inputs(seed: int = 0) -> dict:
    key = jax.random.key(seed)
    k_idx, k_tab = jax.random.split(key)
    x = jax.random.randint(k_idx, (BATCH, SEQ), 0, VOCAB)
    table = jax.random.normal(k_tab, (VOCAB, EMBED_DIM), dtype=jnp.float32) * 0.02
    return {"x": x, "table": table}

def reference(x, table):
    # nn.Embedding lookup; ape_class is falsy so no positional embedding.
    # Dropout p=0.0 -> identity. Final .float() cast.
    emb = jnp.take(table, x, axis=0)
    return emb.astype(jnp.float32)

if __name__ == "__main__":
    import jax
    _d = setup_inputs()
    print(jax.jit(kernel)(*tuple(_d.values())))

</pallas_src>

<mosaic_0001>
#map = affine_map<(d0, d1) -> (0, 0, 0)>
#map1 = affine_map<(d0, d1) -> (0, 0)>
#map2 = affine_map<(d0, d1) -> (0, 0, 0, 0, 0)>
module attributes {stable_mosaic.version = 14 : i64} {
  func.func @k(%arg0: i32, %arg1: i32, %arg2: memref<200x32x128xi32, #tpu.memory_space<hbm>>, %arg3: memref<1000000x128xf32, #tpu.memory_space<hbm>>, %arg4: memref<200x8x32x8x128xf32, #tpu.memory_space<hbm>>, %arg5: memref<200x128xi32, #tpu.memory_space<vmem>>, %arg6: memref<2x128x128xf32, #tpu.memory_space<vmem>>, %arg7: memref<64x129xf32, #tpu.memory_space<vmem>>, %arg8: memref<64x129xf32, #tpu.memory_space<vmem>>, %arg9: memref<!tpu.dma_semaphore, #tpu.memory_space<semaphore_mem>>, %arg10: memref<!tpu.dma_semaphore, #tpu.memory_space<semaphore_mem>>, %arg11: memref<!tpu.dma_semaphore, #tpu.memory_space<semaphore_mem>>, %arg12: memref<!tpu.dma_semaphore, #tpu.memory_space<semaphore_mem>>) attributes {dimension_semantics = [#tpu.dimension_semantics<core_parallel>, #tpu.dimension_semantics<subcore_parallel>], iteration_bounds = array<i64: 2, 16>, scalar_prefetch = 0 : i64, scratch_operands = 8 : i64, tpu.core_type = #tpu.core_type<sc_vector_subcore>, window_params = [{transform_indices = #map}, {transform_indices = #map1}, {transform_indices = #map2}]} {
    %mul3A = arith.constant 2 : i32
    %mul3A_0 = arith.muli %arg1, %mul3A : i32
    %add3A = arith.addi %mul3A_0, %arg0 : i32
    "tpu.region"() ({
      %run_scoped3A = tpu.sem_alloc : memref<!tpu.dma_semaphore, #tpu.memory_space<semaphore_mem>>
      %dma_start3A_296 = arith.constant 0 : i32
      %dma_start3A_297 = arith.constant 0 : i32
      %dma_start3A_298 = tpu.memref_slice %arg2[%dma_start3A_296, %add3A, %dma_start3A_297] : memref<200x32x128xi32, #tpu.memory_space<hbm>> -> memref<200x1x128xi32, #tpu.memory_space<hbm>>
      %dma_start3A_299 = tpu.memref_squeeze %dma_start3A_298 : memref<200x1x128xi32, #tpu.memory_space<hbm>> -> memref<200x128xi32, #tpu.memory_space<hbm>>
      %dma_start3A_300 = arith.constant 0 : i32
      %dma_start3A_301 = arith.constant 0 : i32
      %dma_start3A_302 = tpu.memref_slice %arg2[%dma_start3A_300, %add3A, %dma_start3A_301] : memref<200x32x128xi32, #tpu.memory_space<hbm>> -> memref<200x1x128xi32, #tpu.memory_space<hbm>>
      %dma_start3A_303 = tpu.memref_squeeze %dma_start3A_302 : memref<200x1x128xi32, #tpu.memory_space<hbm>> -> memref<200x128xi32, #tpu.memory_space<hbm>>
      tpu.enqueue_dma source(%dma_start3A_303 : memref<200x128xi32, #tpu.memory_space<hbm>>) target(%arg5 : memref<200x128xi32, #tpu.memory_space<vmem>>) target_semaphore(%run_scoped3A : memref<!tpu.dma_semaphore, #tpu.memory_space<semaphore_mem>>)
      %dma_wait3A_304 = arith.constant 0 : i32
      %dma_wait3A_305 = arith.constant 0 : i32
      %dma_wait3A_306 = tpu.memref_slice %arg2[%dma_wait3A_304, %add3A, %dma_wait3A_305] : memref<200x32x128xi32, #tpu.memory_space<hbm>> -> memref<200x1x128xi32, #tpu.memory_space<hbm>>
      %dma_wait3A_307 = tpu.memref_squeeze %dma_wait3A_306 : memref<200x1x128xi32, #tpu.memory_space<hbm>> -> memref<200x128xi32, #tpu.memory_space<hbm>>
      %dma_wait3A_308 = arith.constant 0 : i32
      %dma_wait3A_309 = arith.constant 0 : i32
      %dma_wait3A_310 = tpu.memref_slice %arg2[%dma_wait3A_308, %add3A, %dma_wait3A_309] : memref<200x32x128xi32, #tpu.memory_space<hbm>> -> memref<200x1x128xi32, #tpu.memory_space<hbm>>
      %dma_wait3A_311 = tpu.memref_squeeze %dma_wait3A_310 : memref<200x1x128xi32, #tpu.memory_space<hbm>> -> memref<200x128xi32, #tpu.memory_space<hbm>>
      tpu.wait_dma2 semaphore(%run_scoped3A : memref<!tpu.dma_semaphore, #tpu.memory_space<semaphore_mem>>) src(%dma_wait3A_311 : memref<200x128xi32, #tpu.memory_space<hbm>>) dst(%arg5 : memref<200x128xi32, #tpu.memory_space<vmem>>)
      tpu.yield
    }) : () -> ()
    %iota3A = tpu.iota {dimensions = array<i32: 0>} : vector<16xi32>
    %add3A_1 = arith.constant 0 : i32
    %add3A_2 = vector.broadcast %add3A_1 : i32 to vector<16xi32>
    %add3A_3 = arith.addi %add3A_2, %iota3A : vector<16xi32>
    %add3A_4 = arith.constant 16 : i32
    %add3A_5 = vector.broadcast %add3A_4 : i32 to vector<16xi32>
    %add3A_6 = arith.addi %add3A_5, %iota3A : vector<16xi32>
    %add3A_7 = arith.constant 32 : i32
    %add3A_8 = vector.broadcast %add3A_7 : i32 to vector<16xi32>
    %add3A_9 = arith.addi %add3A_8, %iota3A : vector<16xi32>
    %add3A_10 = arith.constant 48 : i32
    %add3A_11 = vector.broadcast %add3A_10 : i32 to vector<16xi32>
    %add3A_12 = arith.addi %add3A_11, %iota3A : vector<16xi32>
    %dma_start3A = arith.constant 0 : i32
    %dma_start3A_13 = arith.constant 0 : i32
    %dma_start3A_14 = arith.constant 0 : i32
    %dma_start3A_15 = arith.constant 0 : i32
    %dma_start3A_16 = tpu.memref_slice %arg6[%dma_start3A_13, %dma_start3A_14, %dma_start3A_15] : memref<2x128x128xf32, #tpu.memory_space<vmem>> -> memref<1x128x128xf32, #tpu.memory_space<vmem>>
    %dma_start3A_17 = tpu.memref_squeeze %dma_start3A_16 : memref<1x128x128xf32, #tpu.memory_space<vmem>> -> memref<128x128xf32, #tpu.memory_space<vmem>>
    %dma_start3A_18 = arith.constant 0 : i32
    %dma_start3A_19 = tpu.memref_slice %arg5[%dma_start3A, %dma_start3A_18] : memref<200x128xi32, #tpu.memory_space<vmem>> -> memref<1x128xi32, #tpu.memory_space<vmem>>
    %dma_start3A_20 = tpu.memref_squeeze %dma_start3A_19 : memref<1x128xi32, #tpu.memory_space<vmem>> -> memref<128xi32, #tpu.memory_space<vmem>>
    %dma_start3A_21 = arith.constant 0 : i32
    %dma_start3A_22 = arith.constant 0 : i32
    %dma_start3A_23 = tpu.memref_slice %arg3[%dma_start3A_21, %dma_start3A_22] : memref<1000000x128xf32, #tpu.memory_space<hbm>> -> memref<1000000x128xf32, #tpu.memory_space<hbm>>
    tpu.enqueue_indirect_dma source(%dma_start3A_23 : memref<1000000x128xf32, #tpu.memory_space<hbm>>) target(%dma_start3A_17 : memref<128x128xf32, #tpu.memory_space<vmem>>) offsets(%dma_start3A_20 : memref<128xi32, #tpu.memory_space<vmem>>) semaphore(%arg9 : memref<!tpu.dma_semaphore, #tpu.memory_space<semaphore_mem>>)
    %dma_start3A_24 = arith.constant 1 : i32
    %dma_start3A_25 = arith.constant 1 : i32
    %dma_start3A_26 = arith.constant 0 : i32
    %dma_start3A_27 = arith.constant 0 : i32
    %dma_start3A_28 = tpu.memref_slice %arg6[%dma_start3A_25, %dma_start3A_26, %dma_start3A_27] : memref<2x128x128xf32, #tpu.memory_space<vmem>> -> memref<1x128x128xf32, #tpu.memory_space<vmem>>
    %dma_start3A_29 = tpu.memref_squeeze %dma_start3A_28 : memref<1x128x128xf32, #tpu.memory_space<vmem>> -> memref<128x128xf32, #tpu.memory_space<vmem>>
    %dma_start3A_30 = arith.constant 0 : i32
    %dma_start3A_31 = tpu.memref_slice %arg5[%dma_start3A_24, %dma_start3A_30] : memref<200x128xi32, #tpu.memory_space<vmem>> -> memref<1x128xi32, #tpu.memory_space<vmem>>
    %dma_start3A_32 = tpu.memref_squeeze %dma_start3A_31 : memref<1x128xi32, #tpu.memory_space<vmem>> -> memref<128xi32, #tpu.memory_space<vmem>>
    %dma_start3A_33 = arith.constant 0 : i32
    %dma_start3A_34 = arith.constant 0 : i32
    %dma_start3A_35 = tpu.memref_slice %arg3[%dma_start3A_33, %dma_start3A_34] : memref<1000000x128xf32, #tpu.memory_space<hbm>> -> memref<1000000x128xf32, #tpu.memory_space<hbm>>
    tpu.enqueue_indirect_dma source(%dma_start3A_35 : memref<1000000x128xf32, #tpu.memory_space<hbm>>) target(%dma_start3A_29 : memref<128x128xf32, #tpu.memory_space<vmem>>) offsets(%dma_start3A_32 : memref<128xi32, #tpu.memory_space<vmem>>) semaphore(%arg10 : memref<!tpu.dma_semaphore, #tpu.memory_space<semaphore_mem>>)
    %scan3A = arith.constant 0 : i32
    %scan3A_36 = arith.constant 0 : i32
    %scan3A_37 = arith.constant 100 : i32
    %scan3A_38 = arith.addi %scan3A_36, %scan3A_37 : i32
    %scan3A_39 = arith.constant 1 : i32
    scf.for %scan3A_296 = %scan3A_36 to %scan3A_38 step %scan3A_39  : i32 {
      %mul3A_297 = arith.constant 2 : i32
      %mul3A_298 = arith.muli %mul3A_297, %scan3A_296 : i32
      %add3A_299 = arith.constant 0 : i32
      %add3A_300 = arith.addi %mul3A_298, %add3A_299 : i32
      %dma_wait3A_301 = arith.constant 0 : i32
      %dma_wait3A_302 = arith.constant 0 : i32
      %dma_wait3A_303 = arith.constant 0 : i32
      %dma_wait3A_304 = tpu.memref_slice %arg6[%dma_wait3A_301, %dma_wait3A_302, %dma_wait3A_303] : memref<2x128x128xf32, #tpu.memory_space<vmem>> -> memref<1x128x128xf32, #tpu.memory_space<vmem>>
      %dma_wait3A_305 = tpu.memref_squeeze %dma_wait3A_304 : memref<1x128x128xf32, #tpu.memory_space<vmem>> -> memref<128x128xf32, #tpu.memory_space<vmem>>
      %dma_wait3A_306 = arith.constant 0 : i32
      %dma_wait3A_307 = tpu.memref_slice %arg5[%add3A_300, %dma_wait3A_306] : memref<200x128xi32, #tpu.memory_space<vmem>> -> memref<1x128xi32, #tpu.memory_space<vmem>>
      %dma_wait3A_308 = tpu.memref_squeeze %dma_wait3A_307 : memref<1x128xi32, #tpu.memory_space<vmem>> -> memref<128xi32, #tpu.memory_space<vmem>>
      %dma_wait3A_309 = arith.constant 0 : i32
      %dma_wait3A_310 = arith.constant 0 : i32
      %dma_wait3A_311 = tpu.memref_slice %arg3[%dma_wait3A_309, %dma_wait3A_310] : memref<1000000x128xf32, #tpu.memory_space<hbm>> -> memref<1000000x128xf32, #tpu.memory_space<hbm>>
      tpu.wait_indirect_dma semaphore(%arg9 : memref<!tpu.dma_semaphore, #tpu.memory_space<semaphore_mem>>) src(%dma_wait3A_311 : memref<1000000x128xf32, #tpu.memory_space<hbm>>) dst(%dma_wait3A_305 : memref<128x128xf32, #tpu.memory_space<vmem>>)
      %ge3A = arith.constant 2 : i32
      %ge3A_312 = arith.cmpi sge, %add3A_300, %ge3A : i32
      %convert_element_type3A = arith.extui %ge3A_312 : i1 to i32
      %cond3A = arith.constant 0 : i32
      %cond3A_313 = arith.cmpi ne, %convert_element_type3A, %cond3A : i32
      scf.if %cond3A_313 {
        %dma_wait3A_601 = arith.constant 0 : i32
        %dma_wait3A_602 = arith.constant 0 : i32
        %dma_wait3A_603 = arith.constant 0 : i32
        %dma_wait3A_604 = tpu.memref_slice %arg7[%dma_wait3A_602, %dma_wait3A_603] : memref<64x129xf32, #tpu.memory_space<vmem>> -> memref<8x128xf32, #tpu.memory_space<vmem>>
        %dma_wait3A_605 = arith.constant 0 : i32
        %dma_wait3A_606 = arith.constant 0 : i32
        %dma_wait3A_607 = tpu.memref_slice %arg4[%add3A_300, %dma_wait3A_601, %add3A, %dma_wait3A_605, %dma_wait3A_606] : memref<200x8x32x8x128xf32, #tpu.memory_space<hbm>> -> memref<1x1x1x8x128xf32, #tpu.memory_space<hbm>>
        %dma_wait3A_608 = tpu.memref_squeeze %dma_wait3A_607 : memref<1x1x1x8x128xf32, #tpu.memory_space<hbm>> -> memref<8x128xf32, #tpu.memory_space<hbm>>
        %dma_wait3A_609 = arith.constant 0 : i32
        %dma_wait3A_610 = arith.constant 0 : i32
        %dma_wait3A_611 = tpu.memref_slice %arg4[%add3A_300, %dma_wait3A_601, %add3A, %dma_wait3A_609, %dma_wait3A_610] : memref<200x8x32x8x128xf32, #tpu.memory_space<hbm>> -> memref<1x1x1x8x128xf32, #tpu.memory_space<hbm>>
        %dma_wait3A_612 = tpu.memref_squeeze %dma_wait3A_611 : memref<1x1x1x8x128xf32, #tpu.memory_space<hbm>> -> memref<8x128xf32, #tpu.memory_space<hbm>>
        %dma_wait3A_613 = arith.constant 0 : i32
        %dma_wait3A_614 = arith.constant 0 : i32
        %dma_wait3A_615 = tpu.memref_slice %arg7[%dma_wait3A_613, %dma_wait3A_614] : memref<64x129xf32, #tpu.memory_space<vmem>> -> memref<8x128xf32, #tpu.memory_space<vmem>>
        tpu.wait_dma2 semaphore(%arg11 : memref<!tpu.dma_semaphore, #tpu.memory_space<semaphore_mem>>) src(%dma_wait3A_615 : memref<8x128xf32, #tpu.memory_space<vmem>>) dst(%dma_wait3A_612 : memref<8x128xf32, #tpu.memory_space<hbm>>)
        %dma_wait3A_616 = arith.constant 1 : i32
        %dma_wait3A_617 = arith.constant 8 : i32
        %dma_wait3A_618 = arith.constant 0 : i32
        %dma_wait3A_619 = tpu.memref_slice %arg7[%dma_wait3A_617, %dma_wait3A_618] : memref<64x129xf32, #tpu.memory_space<vmem>> -> memref<8x128xf32, #tpu.memory_space<vmem>>
        %dma_wait3A_620 = arith.constant 0 : i32
        %dma_wait3A_621 = arith.constant 0 : i32
        %dma_wait3A_622 = tpu.memref_slice %arg4[%add3A_300, %dma_wait3A_616, %add3A, %dma_wait3A_620, %dma_wait3A_621] : memref<200x8x32x8x128xf32, #tpu.memory_space<hbm>> -> memref<1x1x1x8x128xf32, #tpu.memory_space<hbm>>
        %dma_wait3A_623 = tpu.memref_squeeze %dma_wait3A_622 : memref<1x1x1x8x128xf32, #tpu.memory_space<hbm>> -> memref<8x128xf32, #tpu.memory_space<hbm>>
        %dma_wait3A_624 = arith.constant 0 : i32
        %dma_wait3A_625 = arith.constant 0 : i32
        %dma_wait3A_626 = tpu.memref_slice %arg4[%add3A_300, %dma_wait3A_616, %add3A, %dma_wait3A_624, %dma_wait3A_625] : memref<200x8x32x8x128xf32, #tpu.memory_space<hbm>> -> memref<1x1x1x8x128xf32, #tpu.memory_space<hbm>>
        %dma_wait3A_627 = tpu.memref_squeeze %dma_wait3A_626 : memref<1x1x1x8x128xf32, #tpu.memory_space<hbm>> -> memref<8x128xf32, #tpu.memory_space<hbm>>
        %dma_wait3A_628 = arith.constant 8 : i32
        %dma_wait3A_629 = arith.constant 0 : i32
        %dma_wait3A_630 = tpu.memref_slice %arg7[%dma_wait3A_628, %dma_wait3A_629] : memref<64x129xf32, #tpu.memory_space<vmem>> -> memref<8x128xf32, #tpu.memory_space<vmem>>
        tpu.wait_dma2 semaphore(%arg11 : memref<!tpu.dma_semaphore, #tpu.memory_space<semaphore_mem>>) src(%dma_wait3A_630 : memref<8x128xf32, #tpu.memory_space<vmem>>) dst(%dma_wait3A_627 : memref<8x128xf32, #tpu.memory_space<hbm>>)
        %dma_wait3A_631 = arith.constant 2 : i32
        %dma_wait3A_632 = arith.constant 16 : i32
        %dma_wait3A_633 = arith.constant 0 : i32
        %dma_wait3A_634 = tpu.memref_slice %arg7[%dma_wait3A_632, %dma_wait3A_633] : memref<64x129xf32, #tpu.memory_space<vmem>> -> memref<8x128xf32, #tpu.memory_space<vmem>>
        %dma_wait3A_635 = arith.constant 0 : i32
        %dma_wait3A_636 = arith.constant 0 : i32
        %dma_wait3A_637 = tpu.memref_slice %arg4[%add3A_300, %dma_wait3A_631, %add3A, %dma_wait3A_635, %dma_wait3A_636] : memref<200x8x32x8x128xf32, #tpu.memory_space<hbm>> -> memref<1x1x1x8x128xf32, #tpu.memory_space<hbm>>
        %dma_wait3A_638 = tpu.memref_squeeze %dma_wait3A_637 : memref<1x1x1x8x128xf32, #tpu.memory_space<hbm>> -> memref<8x128xf32, #tpu.memory_space<hbm>>
        %dma_wait3A_639 = arith.constant 0 : i32
        %dma_wait3A_640 = arith.constant 0 : i32
        %dma_wait3A_641 = tpu.memref_slice %arg4[%add3A_300, %dma_wait3A_631, %add3A, %dma_wait3A_639, %dma_wait3A_640] : memref<200x8x32x8x128xf32, #tpu.memory_space<hbm>> -> memref<1x1x1x8x128xf32, #tpu.memory_space<hbm>>
        %dma_wait3A_642 = tpu.memref_squeeze %dma_wait3A_641 : memref<1x1x1x8x128xf32, #tpu.memory_space<hbm>> -> memref<8x128xf32, #tpu.memory_space<hbm>>
        %dma_wait3A_643 = arith.constant 16 : i32
        %dma_wait3A_644 = arith.constant 0 : i32
        %dma_wait3A_645 = tpu.memref_slice %arg7[%dma_wait3A_643, %dma_wait3A_644] : memref<64x129xf32, #tpu.memory_space<vmem>> -> memref<8x128xf32, #tpu.memory_space<vmem>>
        tpu.wait_dma2 semaphore(%arg11 : memref<!tpu.dma_semaphore, #tpu.memory_space<semaphore_mem>>) src(%dma_wait3A_645 : memref<8x128xf32, #tpu.memory_space<vmem>>) dst(%dma_wait3A_642 : memref<8x128xf32, #tpu.memory_space<hbm>>)
        %dma_wait3A_646 = arith.constant 3 : i32
        %dma_wait3A_647 = arith.constant 24 : i32
        %dma_wait3A_648 = arith.constant 0 : i32
        %dma_wait3A_649 = tpu.memref_slice %arg7[%dma_wait3A_647, %dma_wait3A_648] : memref<64x129xf32, #tpu.memory_space<vmem>> -> memref<8x128xf32, #tpu.memory_space<vmem>>
        %dma_wait3A_650 = arith.constant 0 : i32
        %dma_wait3A_651 = arith.constant 0 : i32
        %dma_wait3A_652 = tpu.memref_slice %arg4[%add3A_300, %dma_wait3A_646, %add3A, %dma_wait3A_650, %dma_wait3A_651] : memref<200x8x32x8x128xf32, #tpu.memory_space<hbm>> -> memref<1x1x1x8x128xf32, #tpu.memory_space<hbm>>
        %dma_wait3A_653 = tpu.memref_squeeze %dma_wait3A_652 : memref<1x1x1x8x128xf32, #tpu.memory_space<hbm>> -> memref<8x128xf32, #tpu.memory_space<hbm>>
        %dma_wait3A_654 = arith.constant 0 : i32
        %dma_wait3A_655 = arith.constant 0 : i32
        %dma_wait3A_656 = tpu.memref_slice %arg4[%add3A_300, %dma_wait3A_646, %add3A, %dma_wait3A_654, %dma_wait3A_655] : memref<200x8x32x8x128xf32, #tpu.memory_space<hbm>> -> memref<1x1x1x8x128xf32, #tpu.memory_space<hbm>>
        %dma_wait3A_657 = tpu.memref_squeeze %dma_wait3A_656 : memref<1x1x1x8x128xf32, #tpu.memory_space<hbm>> -> memref<8x128xf32, #tpu.memory_space<hbm>>
        %dma_wait3A_658 = arith.constant 24 : i32
        %dma_wait3A_659 = arith.constant 0 : i32
        %dma_wait3A_660 = tpu.memref_slice %arg7[%dma_wait3A_658, %dma_wait3A_659] : memref<64x129xf32, #tpu.memory_space<vmem>> -> memref<8x128xf32, #tpu.memory_space<vmem>>
        tpu.wait_dma2 semaphore(%arg11 : memref<!tpu.dma_semaphore, #tpu.memory_space<semaphore_mem>>) src(%dma_wait3A_660 : memref<8x128xf32, #tpu.memory_space<vmem>>) dst(%dma_wait3A_657 : memref<8x128xf32, #tpu.memory_space<hbm>>)
        %dma_wait3A_661 = arith.constant 4 : i32
        %dma_wait3A_662 = arith.constant 32 : i32
        %dma_wait3A_663 = arith.constant 0 : i32
        %dma_wait3A_664 = tpu.memref_slice %arg7[%dma_wait3A_662, %dma_wait3A_663] : memref<64x129xf32, #tpu.memory_space<vmem>> -> memref<8x128xf32, #tpu.memory_space<vmem>>
        %dma_wait3A_665 = arith.constant 0 : i32
        %dma_wait3A_666 = arith.constant 0 : i32
        %dma_wait3A_667 = tpu.memref_slice %arg4[%add3A_300, %dma_wait3A_661, %add3A, %dma_wait3A_665, %dma_wait3A_666] : memref<200x8x32x8x128xf32, #tpu.memory_space<hbm>> -> memref<1x1x1x8x128xf32, #tpu.memory_space<hbm>>
        %dma_wait3A_668 = tpu.memref_squeeze %dma_wait3A_667 : memref<1x1x1x8x128xf32, #tpu.memory_space<hbm>> -> memref<8x128xf32, #tpu.memory_space<hbm>>
        %dma_wait3A_669 = arith.constant 0 : i32
        %dma_wait3A_670 = arith.constant 0 : i32
        %dma_wait3A_671 = tpu.memref_slice %arg4[%add3A_300, %dma_wait3A_661, %add3A, %dma_wait3A_669, %dma_wait3A_670] : memref<200x8x32x8x128xf32, #tpu.memory_space<hbm>> -> memref<1x1x1x8x128xf32, #tpu.memory_space<hbm>>
        %dma_wait3A_672 = tpu.memref_squeeze %dma_wait3A_671 : memref<1x1x1x8x128xf32, #tpu.memory_space<hbm>> -> memref<8x128xf32, #tpu.memory_space<hbm>>
        %dma_wait3A_673 = arith.constant 32 : i32
        %dma_wait3A_674 = arith.constant 0 : i32
        %dma_wait3A_675 = tpu.memref_slice %arg7[%dma_wait3A_673, %dma_wait3A_674] : memref<64x129xf32, #tpu.memory_space<vmem>> -> memref<8x128xf32, #tpu.memory_space<vmem>>
        tpu.wait_dma2 semaphore(%arg11 : memref<!tpu.dma_semaphore, #tpu.memory_space<semaphore_mem>>) src(%dma_wait3A_675 : memref<8x128xf32, #tpu.memory_space<vmem>>) dst(%dma_wait3A_672 : memref<8x128xf32, #tpu.memory_space<hbm>>)
        %dma_wait3A_676 = arith.constant 5 : i32
        %dma_wait3A_677 = arith.constant 40 : i32
        %dma_wait3A_678 = arith.constant 0 : i32
        %dma_wait3A_679 = tpu.memref_slice %arg7[%dma_wait3A_677, %dma_wait3A_678] : memref<64x129xf32, #tpu.memory_space<vmem>> -> memref<8x128xf32, #tpu.memory_space<vmem>>
        %dma_wait3A_680 = arith.constant 0 : i32
        %dma_wait3A_681 = arith.constant 0 : i32
        %dma_wait3A_682 = tpu.memref_slice %arg4[%add3A_300, %dma_wait3A_676, %add3A, %dma_wait3A_680, %dma_wait3A_681] : memref<200x8x32x8x128xf32, #tpu.memory_space<hbm>> -> memref<1x1x1x8x128xf32, #tpu.memory_space<hbm>>
        %dma_wait3A_683 = tpu.memref_squeeze %dma_wait3A_682 : memref<1x1x1x8x128xf32, #tpu.memory_space<hbm>> -> memref<8x128xf32, #tpu.memory_space<hbm>>
        %dma_wait3A_684 = arith.constant 0 : i32
        %dma_wait3A_685 = arith.constant 0 : i32
        %dma_wait3A_686 = tpu.memref_slice %arg4[%add3A_300, %dma_wait3A_676, %add3A, %dma_wait3A_684, %dma_wait3A_685] : memref<200x8x32x8x128xf32, #tpu.memory_space<hbm>> -> memref<1x1x1x8x128xf32, #tpu.memory_space<hbm>>
        %dma_wait3A_687 = tpu.memref_squeeze %dma_wait3A_686 : memref<1x1x1x8x128xf32, #tpu.memory_space<hbm>> -> memref<8x128xf32, #tpu.memory_space<hbm>>
        %dma_wait3A_688 = arith.constant 40 : i32
        %dma_wait3A_689 = arith.constant 0 : i32
        %dma_wait3A_690 = tpu.memref_slice %arg7[%dma_wait3A_688, %dma_wait3A_689] : memref<64x129xf32, #tpu.memory_space<vmem>> -> memref<8x128xf32, #tpu.memory_space<vmem>>
        tpu.wait_dma2 semaphore(%arg11 : memref<!tpu.dma_semaphore, #tpu.memory_space<semaphore_mem>>) src(%dma_wait3A_690 : memref<8x128xf32, #tpu.memory_space<vmem>>) dst(%dma_wait3A_687 : memref<8x128xf32, #tpu.memory_space<hbm>>)
        %dma_wait3A_691 = arith.constant 6 : i32
        %dma_wait3A_692 = arith.constant 48 : i32
        %dma_wait3A_693 = arith.constant 0 : i32
        %dma_wait3A_694 = tpu.memref_slice %arg7[%dma_wait3A_692, %dma_wait3A_693] : memref<64x129xf32, #tpu.memory_space<vmem>> -> memref<8x128xf32, #tpu.memory_space<vmem>>
        %dma_wait3A_695 = arith.constant 0 : i32
        %dma_wait3A_696 = arith.constant 0 : i32
        %dma_wait3A_697 = tpu.memref_slice %arg4[%add3A_300, %dma_wait3A_691, %add3A, %dma_wait3A_695, %dma_wait3A_696] : memref<200x8x32x8x128xf32, #tpu.memory_space<hbm>> -> memref<1x1x1x8x128xf32, #tpu.memory_space<hbm>>
        %dma_wait3A_698 = tpu.memref_squeeze %dma_wait3A_697 : memref<1x1x1x8x128xf32, #tpu.memory_space<hbm>> -> memref<8x128xf32, #tpu.memory_space<hbm>>
        %dma_wait3A_699 = arith.constant 0 : i32
        %dma_wait3A_700 = arith.constant 0 : i32
        %dma_wait3A_701 = tpu.memref_slice %arg4[%add3A_300, %dma_wait3A_691, %add3A, %dma_wait3A_699, %dma_wait3A_700] : memref<200x8x32x8x128xf32, #tpu.memory_space<hbm>> -> memref<1x1x1x8x128xf32, #tpu.memory_space<hbm>>
        %dma_wait3A_702 = tpu.memref_squeeze %dma_wait3A_701 : memref<1x1x1x8x128xf32, #tpu.memory_space<hbm>> -> memref<8x128xf32, #tpu.memory_space<hbm>>
        %dma_wait3A_703 = arith.constant 48 : i32
        %dma_wait3A_704 = arith.constant 0 : i32
        %dma_wait3A_705 = tpu.memref_slice %arg7[%dma_wait3A_703, %dma_wait3A_704] : memref<64x129xf32, #tpu.memory_space<vmem>> -> memref<8x128xf32, #tpu.memory_space<vmem>>
        tpu.wait_dma2 semaphore(%arg11 : memref<!tpu.dma_semaphore, #tpu.memory_space<semaphore_mem>>) src(%dma_wait3A_705 : memref<8x128xf32, #tpu.memory_space<vmem>>) dst(%dma_wait3A_702 : memref<8x128xf32, #tpu.memory_space<hbm>>)
        %dma_wait3A_706 = arith.constant 7 : i32
        %dma_wait3A_707 = arith.constant 56 : i32
        %dma_wait3A_708 = arith.constant 0 : i32
        %dma_wait3A_709 = tpu.memref_slice %arg7[%dma_wait3A_707, %dma_wait3A_708] : memref<64x129xf32, #tpu.memory_space<vmem>> -> memref<8x128xf32, #tpu.memory_space<vmem>>
        %dma_wait3A_710 = arith.constant 0 : i32
        %dma_wait3A_711 = arith.constant 0 : i32
        %dma_wait3A_712 = tpu.memref_slice %arg4[%add3A_300, %dma_wait3A_706, %add3A, %dma_wait3A_710, %dma_wait3A_711] : memref<200x8x32x8x128xf32, #tpu.memory_space<hbm>> -> memref<1x1x1x8x128xf32, #tpu.memory_space<hbm>>
        %dma_wait3A_713 = tpu.memref_squeeze %dma_wait3A_712 : memref<1x1x1x8x128xf32, #tpu.memory_space<hbm>> -> memref<8x128xf32, #tpu.memory_space<hbm>>
        %dma_wait3A_714 = arith.constant 0 : i32
        %dma_wait3A_715 = arith.constant 0 : i32
        %dma_wait3A_716 = tpu.memref_slice %arg4[%add3A_300, %dma_wait3A_706, %add3A, %dma_wait3A_714, %dma_wait3A_715] : memref<200x8x32x8x128xf32, #tpu.memory_space<hbm>> -> memref<1x1x1x8x128xf32, #tpu.memory_space<hbm>>
        %dma_wait3A_717 = tpu.memref_squeeze %dma_wait3A_716 : memref<1x1x1x8x128xf32, #tpu.memory_space<hbm>> -> memref<8x128xf32, #tpu.memory_space<hbm>>
        %dma_wait3A_718 = arith.constant 56 : i32
        %dma_wait3A_719 = arith.constant 0 : i32
        %dma_wait3A_720 = tpu.memref_slice %arg7[%dma_wait3A_718, %dma_wait3A_719] : memref<64x129xf32, #tpu.memory_space<vmem>> -> memref<8x128xf32, #tpu.memory_space<vmem>>
        tpu.wait_dma2 semaphore(%arg11 : memref<!tpu.dma_semaphore, #tpu.memory_space<semaphore_mem>>) src(%dma_wait3A_720 : memref<8x128xf32, #tpu.memory_space<vmem>>) dst(%dma_wait3A_717 : memref<8x128xf32, #tpu.memory_space<hbm>>)
      } else {
      }
      %scan3A_314 = arith.constant 0 : i32
      %scan3A_315 = arith.constant 0 : i32
      %scan3A_316 = arith.constant 0 : i32
      %scan3A_317 = arith.constant 16 : i32
      %scan3A_318 = arith.addi %scan3A_316, %scan3A_317 : i32
      %scan3A_319 = arith.constant 1 : i32
      scf.for %scan3A_601 = %scan3A_316 to %scan3A_318 step %scan3A_319  : i32 {
        %mul3A_602 = arith.constant 8 : i32
        %mul3A_603 = arith.muli %scan3A_601, %mul3A_602 : i32
        %add3A_604 = arith.constant 0 : i32
        %add3A_605 = arith.addi %mul3A_603, %add3A_604 : i32
        %broadcast_in_dim3A = arith.constant 0 : i32
        %broadcast_in_dim3A_606 = vector.broadcast %broadcast_in_dim3A : i32 to vector<16xi32>
        %add3A_607 = vector.broadcast %add3A_605 : i32 to vector<16xi32>
        %add3A_608 = arith.addi %broadcast_in_dim3A_606, %add3A_607 : vector<16xi32>
        %get3A = arith.constant 0 : i32
        %get3A_609 = arith.constant 0 : i32
        %get3A_610 = tpu.memref_slice %arg6[%scan3A_315, %get3A, %get3A_609] : memref<2x128x128xf32, #tpu.memory_space<vmem>> -> memref<1x128x128xf32, #tpu.memory_space<vmem>>
        %get3A_611 = tpu.memref_squeeze %get3A_610 : memref<1x128x128xf32, #tpu.memory_space<vmem>> -> memref<128x128xf32, #tpu.memory_space<vmem>>
        %get3A_612 = arith.index_cast %add3A_605 : i32 to index
        %get3A_613 = arith.constant 0 : index
        %get3A_614 = tpu.vector_load %get3A_611[%get3A_612, %get3A_613] {strides = array<i32>} : memref<128x128xf32, #tpu.memory_space<vmem>>, vector<16xf32>,
        tpu.vector_store_idx %arg7[%add3A_3, %add3A_608], %get3A_614 : memref<64x129xf32, #tpu.memory_space<vmem>>[vector<16xi32>, vector<16xi32>], vector<16xf32>,
        %get3A_615 = arith.constant 0 : i32
        %get3A_616 = arith.constant 0 : i32
        %get3A_617 = tpu.memref_slice %arg6[%scan3A_315, %get3A_615, %get3A_616] : memref<2x128x128xf32, #tpu.memory_space<vmem>> -> memref<1x128x128xf32, #tpu.memory_space<vmem>>
        %get3A_618 = tpu.memref_squeeze %get3A_617 : memref<1x128x128xf32, #tpu.memory_space<vmem>> -> memref<128x128xf32, #tpu.memory_space<vmem>>
        %get3A_619 = arith.index_cast %add3A_605 : i32 to index
        %get3A_620 = arith.constant 16 : index
        %get3A_621 = tpu.vector_load %get3A_618[%get3A_619, %get3A_620] {strides = array<i32>} : memref<128x128xf32, #tpu.memory_space<vmem>>, vector<16xf32>,
        tpu.vector_store_idx %arg7[%add3A_6, %add3A_608], %get3A_621 : memref<64x129xf32, #tpu.memory_space<vmem>>[vector<16xi32>, vector<16xi32>], vector<16xf32>,
        %get3A_622 = arith.constant 0 : i32
        %get3A_623 = arith.constant 0 : i32
        %get3A_624 = tpu.memref_slice %arg6[%scan3A_315, %get3A_622, %get3A_623] : memref<2x128x128xf32, #tpu.memory_space<vmem>> -> memref<1x128x128xf32, #tpu.memory_space<vmem>>
        %get3A_625 = tpu.memref_squeeze %get3A_624 : memref<1x128x128xf32, #tpu.memory_space<vmem>> -> memref<128x128xf32, #tpu.memory_space<vmem>>
        %get3A_626 = arith.index_cast %add3A_605 : i32 to index
        %get3A_627 = arith.constant 32 : index
        %get3A_628 = tpu.vector_load %get3A_625[%get3A_626, %get3A_627] {strides = array<i32>} : memref<128x128xf32, #tpu.memory_space<vmem>>, vector<16xf32>,
        tpu.vector_store_idx %arg7[%add3A_9, %add3A_608], %get3A_628 : memref<64x129xf32, #tpu.memory_space<vmem>>[vector<16xi32>, vector<16xi32>], vector<16xf32>,
        %get3A_629 = arith.constant 0 : i32
        %get3A_630 = arith.constant 0 : i32
        %get3A_631 = tpu.memref_slice %arg6[%scan3A_315, %get3A_629, %get3A_630] : memref<2x128x128xf32, #tpu.memory_space<vmem>> -> memref<1x128x128xf32, #tpu.memory_space<vmem>>
        %get3A_632 = tpu.memref_squeeze %get3A_631 : memref<1x128x128xf32, #tpu.memory_space<vmem>> -> memref<128x128xf32, #tpu.memory_space<vmem>>
        %get3A_633 = arith.index_cast %add3A_605 : i32 to index
        %get3A_634 = arith.constant 48 : index
        %get3A_635 = tpu.vector_load %get3A_632[%get3A_633, %get3A_634] {strides = array<i32>} : memref<128x128xf32, #tpu.memory_space<vmem>>, vector<16xf32>,
        tpu.vector_store_idx %arg7[%add3A_12, %add3A_608], %get3A_635 : memref<64x129xf32, #tpu.memory_space<vmem>>[vector<16xi32>, vector<16xi32>], vector<16xf32>,
        %mul3A_636 = arith.constant 8 : i32
        %mul3A_637 = arith.muli %scan3A_601, %mul3A_636 : i32
        %add3A_638 = arith.constant 1 : i32
        %add3A_639 = arith.addi %mul3A_637, %add3A_638 : i32
        %broadcast_in_dim3A_640 = arith.constant 0 : i32
        %broadcast_in_dim3A_641 = vector.broadcast %broadcast_in_dim3A_640 : i32 to vector<16xi32>
        %add3A_642 = vector.broadcast %add3A_639 : i32 to vector<16xi32>
        %add3A_643 = arith.addi %broadcast_in_dim3A_641, %add3A_642 : vector<16xi32>
        %get3A_644 = arith.constant 0 : i32
        %get3A_645 = arith.constant 0 : i32
        %get3A_646 = tpu.memref_slice %arg6[%scan3A_315, %get3A_644, %get3A_645] : memref<2x128x128xf32, #tpu.memory_space<vmem>> -> memref<1x128x128xf32, #tpu.memory_space<vmem>>
        %get3A_647 = tpu.memref_squeeze %get3A_646 : memref<1x128x128xf32, #tpu.memory_space<vmem>> -> memref<128x128xf32, #tpu.memory_space<vmem>>
        %get3A_648 = arith.index_cast %add3A_639 : i32 to index
        %get3A_649 = arith.constant 0 : index
        %get3A_650 = tpu.vector_load %get3A_647[%get3A_648, %get3A_649] {strides = array<i32>} : memref<128x128xf32, #tpu.memory_space<vmem>>, vector<16xf32>,
        tpu.vector_store_idx %arg7[%add3A_3, %add3A_643], %get3A_650 : memref<64x129xf32, #tpu.memory_space<vmem>>[vector<16xi32>, vector<16xi32>], vector<16xf32>,
        %get3A_651 = arith.constant 0 : i32
        %get3A_652 = arith.constant 0 : i32
        %get3A_653 = tpu.memref_slice %arg6[%scan3A_315, %get3A_651, %get3A_652] : memref<2x128x128xf32, #tpu.memory_space<vmem>> -> memref<1x128x128xf32, #tpu.memory_space<vmem>>
        %get3A_654 = tpu.memref_squeeze %get3A_653 : memref<1x128x128xf32, #tpu.memory_space<vmem>> -> memref<128x128xf32, #tpu.memory_space<vmem>>
        %get3A_655 = arith.index_cast %add3A_639 : i32 to index
        %get3A_656 = arith.constant 16 : index
        %get3A_657 = tpu.vector_load %get3A_654[%get3A_655, %get3A_656] {strides = array<i32>} : memref<128x128xf32, #tpu.memory_space<vmem>>, vector<16xf32>,
        tpu.vector_store_idx %arg7[%add3A_6, %add3A_643], %get3A_657 : memref<64x129xf32, #tpu.memory_space<vmem>>[vector<16xi32>, vector<16xi32>], vector<16xf32>,
        %get3A_658 = arith.constant 0 : i32
        %get3A_659 = arith.constant 0 : i32
        %get3A_660 = tpu.memref_slice %arg6[%scan3A_315, %get3A_658, %get3A_659] : memref<2x128x128xf32, #tpu.memory_space<vmem>> -> memref<1x128x128xf32, #tpu.memory_space<vmem>>
        %get3A_661 = tpu.memref_squeeze %get3A_660 : memref<1x128x128xf32, #tpu.memory_space<vmem>> -> memref<128x128xf32, #tpu.memory_space<vmem>>
        %get3A_662 = arith.index_cast %add3A_639 : i32 to index
        %get3A_663 = arith.constant 32 : index
        %get3A_664 = tpu.vector_load %get3A_661[%get3A_662, %get3A_663] {strides = array<i32>} : memref<128x128xf32, #tpu.memory_space<vmem>>, vector<16xf32>,
        tpu.vector_store_idx %arg7[%add3A_9, %add3A_643], %get3A_664 : memref<64x129xf32, #tpu.memory_space<vmem>>[vector<16xi32>, vector<16xi32>], vector<16xf32>,
        %get3A_665 = arith.constant 0 : i32
        %get3A_666 = arith.constant 0 : i32
        %get3A_667 = tpu.memref_slice %arg6[%scan3A_315, %get3A_665, %get3A_666] : memref<2x128x128xf32, #tpu.memory_space<vmem>> -> memref<1x128x128xf32, #tpu.memory_space<vmem>>
        %get3A_668 = tpu.memref_squeeze %get3A_667 : memref<1x128x128xf32, #tpu.memory_space<vmem>> -> memref<128x128xf32, #tpu.memory_space<vmem>>
        %get3A_669 = arith.index_cast %add3A_639 : i32 to index
        %get3A_670 = arith.constant 48 : index
        %get3A_671 = tpu.vector_load %get3A_668[%get3A_669, %get3A_670] {strides = array<i32>} : memref<128x128xf32, #tpu.memory_space<vmem>>, vector<16xf32>,
        tpu.vector_store_idx %arg7[%add3A_12, %add3A_643], %get3A_671 : memref<64x129xf32, #tpu.memory_space<vmem>>[vector<16xi32>, vector<16xi32>], vector<16xf32>,
        %mul3A_672 = arith.constant 8 : i32
        %mul3A_673 = arith.muli %scan3A_601, %mul3A_672 : i32
        %add3A_674 = arith.constant 2 : i32
        %add3A_675 = arith.addi %mul3A_673, %add3A_674 : i32
        %broadcast_in_dim3A_676 = arith.constant 0 : i32
        %broadcast_in_dim3A_677 = vector.broadcast %broadcast_in_dim3A_676 : i32 to vector<16xi32>
        %add3A_678 = vector.broadcast %add3A_675 : i32 to vector<16xi32>
        %add3A_679 = arith.addi %broadcast_in_dim3A_677, %add3A_678 : vector<16xi32>
        %get3A_680 = arith.constant 0 : i32
        %get3A_681 = arith.constant 0 : i32
        %get3A_682 = tpu.memref_slice %arg6[%scan3A_315, %get3A_680, %get3A_681] : memref<2x128x128xf32, #tpu.memory_space<vmem>> -> memref<1x128x128xf32, #tpu.memory_space<vmem>>
        %get3A_683 = tpu.memref_squeeze %get3A_682 : memref<1x128x128xf32, #tpu.memory_space<vmem>> -> memref<128x128xf32, #tpu.memory_space<vmem>>
        %get3A_684 = arith.index_cast %add3A_675 : i32 to index
        %get3A_685 = arith.constant 0 : index
        %get3A_686 = tpu.vector_load %get3A_683[%get3A_684, %get3A_685] {strides = array<i32>} : memref<128x128xf32, #tpu.memory_space<vmem>>, vector<16xf32>,
        tpu.vector_store_idx %arg7[%add3A_3, %add3A_679], %get3A_686 : memref<64x129xf32, #tpu.memory_space<vmem>>[vector<16xi32>, vector<16xi32>], vector<16xf32>,
        %get3A_687 = arith.constant 0 : i32
        %get3A_688 = arith.constant 0 : i32
        %get3A_689 = tpu.memref_slice %arg6[%scan3A_315, %get3A_687, %get3A_688] : memref<2x128x128xf32, #tpu.memory_space<vmem>> -> memref<1x128x128xf32, #tpu.memory_space<vmem>>
        %get3A_690 = tpu.memref_squeeze %get3A_689 : memref<1x128x128xf32, #tpu.memory_space<vmem>> -> memref<128x128xf32, #tpu.memory_space<vmem>>
        %get3A_691 = arith.index_cast %add3A_675 : i32 to index
        %get3A_692 = arith.constant 16 : index
        %get3A_693 = tpu.vector_load %get3A_690[%get3A_691, %get3A_692] {strides = array<i32>} : memref<128x128xf32, #tpu.memory_space<vmem>>, vector<16xf32>,
        tpu.vector_store_idx %arg7[%add3A_6, %add3A_679], %get3A_693 : memref<64x129xf32, #tpu.memory_space<vmem>>[vector<16xi32>, vector<16xi32>], vector<16xf32>,
        %get3A_694 = arith.constant 0 : i32
        %get3A_695 = arith.constant 0 : i32
        %get3A_696 = tpu.memref_slice %arg6[%scan3A_315, %get3A_694, %get3A_695] : memref<2x128x128xf32, #tpu.memory_space<vmem>> -> memref<1x128x128xf32, #tpu.memory_space<vmem>>
        %get3A_697 = tpu.memref_squeeze %get3A_696 : memref<1x128x128xf32, #tpu.memory_space<vmem>> -> memref<128x128xf32, #tpu.memory_space<vmem>>
        %get3A_698 = arith.index_cast %add3A_675 : i32 to index
        %get3A_699 = arith.constant 32 : index
        %get3A_700 = tpu.vector_load %get3A_697[%get3A_698, %get3A_699] {strides = array<i32>} : memref<128x128xf32, #tpu.memory_space<vmem>>, vector<16xf32>,
        tpu.vector_store_idx %arg7[%add3A_9, %add3A_679], %get3A_700 : memref<64x129xf32, #tpu.memory_space<vmem>>[vector<16xi32>, vector<16xi32>], vector<16xf32>,
        %get3A_701 = arith.constant 0 : i32
        %get3A_702 = arith.constant 0 : i32
        %get3A_703 = tpu.memref_slice %arg6[%scan3A_315, %get3A_701, %get3A_702] : memref<2x128x128xf32, #tpu.memory_space<vmem>> -> memref<1x128x128xf32, #tpu.memory_space<vmem>>
        %get3A_704 = tpu.memref_squeeze %get3A_703 : memref<1x128x128xf32, #tpu.memory_space<vmem>> -> memref<128x128xf32, #tpu.memory_space<vmem>>
        %get3A_705 = arith.index_cast %add3A_675 : i32 to index
        %get3A_706 = arith.constant 48 : index
        %get3A_707 = tpu.vector_load %get3A_704[%get3A_705, %get3A_706] {strides = array<i32>} : memref<128x128xf32, #tpu.memory_space<vmem>>, vector<16xf32>,
        tpu.vector_store_idx %arg7[%add3A_12, %add3A_679], %get3A_707 : memref<64x129xf32, #tpu.memory_space<vmem>>[vector<16xi32>, vector<16xi32>], vector<16xf32>,
        %mul3A_708 = arith.constant 8 : i32
        %mul3A_709 = arith.muli %scan3A_601, %mul3A_708 : i32
        %add3A_710 = arith.constant 3 : i32
        %add3A_711 = arith.addi %mul3A_709, %add3A_710 : i32
        %broadcast_in_dim3A_712 = arith.constant 0 : i32
        %broadcast_in_dim3A_713 = vector.broadcast %broadcast_in_dim3A_712 : i32 to vector<16xi32>
        %add3A_714 = vector.broadcast %add3A_711 : i32 to vector<16xi32>
        %add3A_715 = arith.addi %broadcast_in_dim3A_713, %add3A_714 : vector<16xi32>
        %get3A_716 = arith.constant 0 : i32
        %get3A_717 = arith.constant 0 : i32
        %get3A_718 = tpu.memref_slice %arg6[%scan3A_315, %get3A_716, %get3A_717] : memref<2x128x128xf32, #tpu.memory_space<vmem>> -> memref<1x128x128xf32, #tpu.memory_space<vmem>>
        %get3A_719 = tpu.memref_squeeze %get3A_718 : memref<1x128x128xf32, #tpu.memory_space<vmem>> -> memref<128x128xf32, #tpu.memory_space<vmem>>
        %get3A_720 = arith.index_cast %add3A_711 : i32 to index
        %get3A_721 = arith.constant 0 : index
        %get3A_722 = tpu.vector_load %get3A_719[%get3A_720, %get3A_721] {strides = array<i32>} : memref<128x128xf32, #tpu.memory_space<vmem>>, vector<16xf32>,
        tpu.vector_store_idx %arg7[%add3A_3, %add3A_715], %get3A_722 : memref<64x129xf32, #tpu.memory_space<vmem>>[vector<16xi32>, vector<16xi32>], vector<16xf32>,
        %get3A_723 = arith.constant 0 : i32
        %get3A_724 = arith.constant 0 : i32
        %get3A_725 = tpu.memref_slice %arg6[%scan3A_315, %get3A_723, %get3A_724] : memref<2x128x128xf32, #tpu.memory_space<vmem>> -> memref<1x128x128xf32, #tpu.memory_space<vmem>>
        %get3A_726 = tpu.memref_squeeze %get3A_725 : memref<1x128x128xf32, #tpu.memory_space<vmem>> -> memref<128x128xf32, #tpu.memory_space<vmem>>
        %get3A_727 = arith.index_cast %add3A_711 : i32 to index
        %get3A_728 = arith.constant 16 : index
        %get3A_729 = tpu.vector_load %get3A_726[%get3A_727, %get3A_728] {strides = array<i32>} : memref<128x128xf32, #tpu.memory_space<vmem>>, vector<16xf32>,
        tpu.vector_store_idx %arg7[%add3A_6, %add3A_715], %get3A_729 : memref<64x129xf32, #tpu.memory_space<vmem>>[vector<16xi32>, vector<16xi32>], vector<16xf32>,
        %get3A_730 = arith.constant 0 : i32
        %get3A_731 = arith.constant 0 : i32
        %get3A_732 = tpu.memref_slice %arg6[%scan3A_315, %get3A_730, %get3A_731] : memref<2x128x128xf32, #tpu.memory_space<vmem>> -> memref<1x128x128xf32, #tpu.memory_space<vmem>>
        %get3A_733 = tpu.memref_squeeze %get3A_732 : memref<1x128x128xf32, #tpu.memory_space<vmem>> -> memref<128x128xf32, #tpu.memory_space<vmem>>
        %get3A_734 = arith.index_cast %add3A_711 : i32 to index
        %get3A_735 = arith.constant 32 : index
        %get3A_736 = tpu.vector_load %get3A_733[%get3A_734, %get3A_735] {strides = array<i32>} : memref<128x128xf32, #tpu.memory_space<vmem>>, vector<16xf32>,
        tpu.vector_store_idx %arg7[%add3A_9, %add3A_715], %get3A_736 : memref<64x129xf32, #tpu.memory_space<vmem>>[vector<16xi32>, vector<16xi32>], vector<16xf32>,
        %get3A_737 = arith.constant 0 : i32
        %get3A_738 = arith.constant 0 : i32
        %get3A_739 = tpu.memref_slice %arg6[%scan3A_315, %get3A_737, %get3A_738] : memref<2x128x128xf32, #tpu.memory_space<vmem>> -> memref<1x128x128xf32, #tpu.memory_space<vmem>>
        %get3A_740 = tpu.memref_squeeze %get3A_739 : memref<1x128x128xf32, #tpu.memory_space<vmem>> -> memref<128x128xf32, #tpu.memory_space<vmem>>
        %get3A_741 = arith.index_cast %add3A_711 : i32 to index
        %get3A_742 = arith.constant 48 : index
        %get3A_743 = tpu.vector_load %get3A_740[%get3A_741, %get3A_742] {strides = array<i32>} : memref<128x128xf32, #tpu.memory_space<vmem>>, vector<16xf32>,
        tpu.vector_store_idx %arg7[%add3A_12, %add3A_715], %get3A_743 : memref<64x129xf32, #tpu.memory_space<vmem>>[vector<16xi32>, vector<16xi32>], vector<16xf32>,
        %mul3A_744 = arith.constant 8 : i32
        %mul3A_745 = arith.muli %scan3A_601, %mul3A_744 : i32
        %add3A_746 = arith.constant 4 : i32
        %add3A_747 = arith.addi %mul3A_745, %add3A_746 : i32
        %broadcast_in_dim3A_748 = arith.constant 0 : i32
        %broadcast_in_dim3A_749 = vector.broadcast %broadcast_in_dim3A_748 : i32 to vector<16xi32>
        %add3A_750 = vector.broadcast %add3A_747 : i32 to vector<16xi32>
        %add3A_751 = arith.addi %broadcast_in_dim3A_749, %add3A_750 : vector<16xi32>
        %get3A_752 = arith.constant 0 : i32
        %get3A_753 = arith.constant 0 : i32
        %get3A_754 = tpu.memref_slice %arg6[%scan3A_315, %get3A_752, %get3A_753] : memref<2x128x128xf32, #tpu.memory_space<vmem>> -> memref<1x128x128xf32, #tpu.memory_space<vmem>>
        %get3A_755 = tpu.memref_squeeze %get3A_754 : memref<1x128x128xf32, #tpu.memory_space<vmem>> -> memref<128x128xf32, #tpu.memory_space<vmem>>
        %get3A_756 = arith.index_cast %add3A_747 : i32 to index
        %get3A_757 = arith.constant 0 : index
        %get3A_758 = tpu.vector_load %get3A_755[%get3A_756, %get3A_757] {strides = array<i32>} : memref<128x128xf32, #tpu.memory_space<vmem>>, vector<16xf32>,
        tpu.vector_store_idx %arg7[%add3A_3, %add3A_751], %get3A_758 : memref<64x129xf32, #tpu.memory_space<vmem>>[vector<16xi32>, vector<16xi32>], vector<16xf32>,
        %get3A_759 = arith.constant 0 : i32
        %get3A_760 = arith.constant 0 : i32
        %get3A_761 = tpu.memref_slice %arg6[%scan3A_315, %get3A_759, %get3A_760] : memref<2x128x128xf32, #tpu.memory_space<vmem>> -> memref<1x128x128xf32, #tpu.memory_space<vmem>>
        %get3A_762 = tpu.memref_squeeze %get3A_761 : memref<1x128x128xf32, #tpu.memory_space<vmem>> -> memref<128x128xf32, #tpu.memory_space<vmem>>
        %get3A_763 = arith.index_cast %add3A_747 : i32 to index
        %get3A_764 = arith.constant 16 : index
        %get3A_765 = tpu.vector_load %get3A_762[%get3A_763, %get3A_764] {strides = array<i32>} : memref<128x128xf32, #tpu.memory_space<vmem>>, vector<16xf32>,
        tpu.vector_store_idx %arg7[%add3A_6, %add3A_751], %get3A_765 : memref<64x129xf32, #tpu.memory_space<vmem>>[vector<16xi32>, vector<16xi32>], vector<16xf32>,
        %get3A_766 = arith.constant 0 : i32
        %get3A_767 = arith.constant 0 : i32
        %get3A_768 = tpu.memref_slice %arg6[%scan3A_315, %get3A_766, %get3A_767] : memref<2x128x128xf32, #tpu.memory_space<vmem>> -> memref<1x128x128xf32, #tpu.memory_space<vmem>>
        %get3A_769 = tpu.memref_squeeze %get3A_768 : memref<1x128x128xf32, #tpu.memory_space<vmem>> -> memref<128x128xf32, #tpu.memory_space<vmem>>
        %get3A_770 = arith.index_cast %add3A_747 : i32 to index
        %get3A_771 = arith.constant 32 : index
        %get3A_772 = tpu.vector_load %get3A_769[%get3A_770, %get3A_771] {strides = array<i32>} : memref<128x128xf32, #tpu.memory_space<vmem>>, vector<16xf32>,
        tpu.vector_store_idx %arg7[%add3A_9, %add3A_751], %get3A_772 : memref<64x129xf32, #tpu.memory_space<vmem>>[vector<16xi32>, vector<16xi32>], vector<16xf32>,
        %get3A_773 = arith.constant 0 : i32
        %get3A_774 = arith.constant 0 : i32
        %get3A_775 = tpu.memref_slice %arg6[%scan3A_315, %get3A_773, %get3A_774] : memref<2x128x128xf32, #tpu.memory_space<vmem>> -> memref<1x128x128xf32, #tpu.memory_space<vmem>>
        %get3A_776 = tpu.memref_squeeze %get3A_775 : memref<1x128x128xf32, #tpu.memory_space<vmem>> -> memref<128x128xf32, #tpu.memory_space<vmem>>
        %get3A_777 = arith.index_cast %add3A_747 : i32 to index
        %get3A_778 = arith.constant 48 : index
        %get3A_779 = tpu.vector_load %get3A_776[%get3A_777, %get3A_778] {strides = array<i32>} : memref<128x128xf32, #tpu.memory_space<vmem>>, vector<16xf32>,
        tpu.vector_store_idx %arg7[%add3A_12, %add3A_751], %get3A_779 : memref<64x129xf32, #tpu.memory_space<vmem>>[vector<16xi32>, vector<16xi32>], vector<16xf32>,
        %mul3A_780 = arith.constant 8 : i32
        %mul3A_781 = arith.muli %scan3A_601, %mul3A_780 : i32
        %add3A_782 = arith.constant 5 : i32
        %add3A_783 = arith.addi %mul3A_781, %add3A_782 : i32
        %broadcast_in_dim3A_784 = arith.constant 0 : i32
        %broadcast_in_dim3A_785 = vector.broadcast %broadcast_in_dim3A_784 : i32 to vector<16xi32>
        %add3A_786 = vector.broadcast %add3A_783 : i32 to vector<16xi32>
        %add3A_787 = arith.addi %broadcast_in_dim3A_785, %add3A_786 : vector<16xi32>
        %get3A_788 = arith.constant 0 : i32
        %get3A_789 = arith.constant 0 : i32
        %get3A_790 = tpu.memref_slice %arg6[%scan3A_315, %get3A_788, %get3A_789] : memref<2x128x128xf32, #tpu.memory_space<vmem>> -> memref<1x128x128xf32, #tpu.memory_space<vmem>>
        %get3A_791 = tpu.memref_squeeze %get3A_790 : memref<1x128x128xf32, #tpu.memory_space<vmem>> -> memref<128x128xf32, #tpu.memory_space<vmem>>
        %get3A_792 = arith.index_cast %add3A_783 : i32 to index
        %get3A_793 = arith.constant 0 : index
        %get3A_794 = tpu.vector_load %get3A_791[%get3A_792, %get3A_793] {strides = array<i32>} : memref<128x128xf32, #tpu.memory_space<vmem>>, vector<16xf32>,
        tpu.vector_store_idx %arg7[%add3A_3, %add3A_787], %get3A_794 : memref<64x129xf32, #tpu.memory_space<vmem>>[vector<16xi32>, vector<16xi32>], vector<16xf32>,
        %get3A_795 = arith.constant 0 : i32
        %get3A_796 = arith.constant 0 : i32
        %get3A_797 = tpu.memref_slice %arg6[%scan3A_315, %get3A_795, %get3A_796] : memref<2x128x128xf32, #tpu.memory_space<vmem>> -> memref<1x128x128xf32, #tpu.memory_space<vmem>>
        %get3A_798 = tpu.memref_squeeze %get3A_797 : memref<1x128x128xf32, #tpu.memory_space<vmem>> -> memref<128x128xf32, #tpu.memory_space<vmem>>
        %get3A_799 = arith.index_cast %add3A_783 : i32 to index
        %get3A_800 = arith.constant 16 : index
        %get3A_801 = tpu.vector_load %get3A_798[%get3A_799, %get3A_800] {strides = array<i32>} : memref<128x128xf32, #tpu.memory_space<vmem>>, vector<16xf32>,
        tpu.vector_store_idx %arg7[%add3A_6, %add3A_787], %get3A_801 : memref<64x129xf32, #tpu.memory_space<vmem>>[vector<16xi32>, vector<16xi32>], vector<16xf32>,
        %get3A_802 = arith.constant 0 : i32
        %get3A_803 = arith.constant 0 : i32
        %get3A_804 = tpu.memref_slice %arg6[%scan3A_315, %get3A_802, %get3A_803] : memref<2x128x128xf32, #tpu.memory_space<vmem>> -> memref<1x128x128xf32, #tpu.memory_space<vmem>>
        %get3A_805 = tpu.memref_squeeze %get3A_804 : memref<1x128x128xf32, #tpu.memory_space<vmem>> -> memref<128x128xf32, #tpu.memory_space<vmem>>
        %get3A_806 = arith.index_cast %add3A_783 : i32 to index
        %get3A_807 = arith.constant 32 : index
        %get3A_808 = tpu.vector_load %get3A_805[%get3A_806, %get3A_807] {strides = array<i32>} : memref<128x128xf32, #tpu.memory_space<vmem>>, vector<16xf32>,
        tpu.vector_store_idx %arg7[%add3A_9, %add3A_787], %get3A_808 : memref<64x129xf32, #tpu.memory_space<vmem>>[vector<16xi32>, vector<16xi32>], vector<16xf32>,
        %get3A_809 = arith.constant 0 : i32
        %get3A_810 = arith.constant 0 : i32
        %get3A_811 = tpu.memref_slice %arg6[%scan3A_315, %get3A_809, %get3A_810] : memref<2x128x128xf32, #tpu.memory_space<vmem>> -> memref<1x128x128xf32, #tpu.memory_space<vmem>>
        %get3A_812 = tpu.memref_squeeze %get3A_811 : memref<1x128x128xf32, #tpu.memory_space<vmem>> -> memref<128x128xf32, #tpu.memory_space<vmem>>
        %get3A_813 = arith.index_cast %add3A_783 : i32 to index
        %get3A_814 = arith.constant 48 : index
        %get3A_815 = tpu.vector_load %get3A_812[%get3A_813, %get3A_814] {strides = array<i32>} : memref<128x128xf32, #tpu.memory_space<vmem>>, vector<16xf32>,
        tpu.vector_store_idx %arg7[%add3A_12, %add3A_787], %get3A_815 : memref<64x129xf32, #tpu.memory_space<vmem>>[vector<16xi32>, vector<16xi32>], vector<16xf32>,
        %mul3A_816 = arith.constant 8 : i32
        %mul3A_817 = arith.muli %scan3A_601, %mul3A_816 : i32
        %add3A_818 = arith.constant 6 : i32
        %add3A_819 = arith.addi %mul3A_817, %add3A_818 : i32
        %broadcast_in_dim3A_820 = arith.constant 0 : i32
        %broadcast_in_dim3A_821 = vector.broadcast %broadcast_in_dim3A_820 : i32 to vector<16xi32>
        %add3A_822 = vector.broadcast %add3A_819 : i32 to vector<16xi32>
        %add3A_823 = arith.addi %broadcast_in_dim3A_821, %add3A_822 : vector<16xi32>
        %get3A_824 = arith.constant 0 : i32
        %get3A_825 = arith.constant 0 : i32
        %get3A_826 = tpu.memref_slice %arg6[%scan3A_315, %get3A_824, %get3A_825] : memref<2x128x128xf32, #tpu.memory_space<vmem>> -> memref<1x128x128xf32, #tpu.memory_space<vmem>>
        %get3A_827 = tpu.memref_squeeze %get3A_826 : memref<1x128x128xf32, #tpu.memory_space<vmem>> -> memref<128x128xf32, #tpu.memory_space<vmem>>
        %get3A_828 = arith.index_cast %add3A_819 : i32 to index
        %get3A_829 = arith.constant 0 : index
        %get3A_830 = tpu.vector_load %get3A_827[%get3A_828, %get3A_829] {strides = array<i32>} : memref<128x128xf32, #tpu.memory_space<vmem>>, vector<16xf32>,
        tpu.vector_store_idx %arg7[%add3A_3, %add3A_823], %get3A_830 : memref<64x129xf32, #tpu.memory_space<vmem>>[vector<16xi32>, vector<16xi32>], vector<16xf32>,
        %get3A_831 = arith.constant 0 : i32
        %get3A_832 = arith.constant 0 : i32
        %get3A_833 = tpu.memref_slice %arg6[%scan3A_315, %get3A_831, %get3A_832] : memref<2x128x128xf32, #tpu.memory_space<vmem>> -> memref<1x128x128xf32, #tpu.memory_space<vmem>>
        %get3A_834 = tpu.memref_squeeze %get3A_833 : memref<1x128x128xf32, #tpu.memory_space<vmem>> -> memref<128x128xf32, #tpu.memory_space<vmem>>
        %get3A_835 = arith.index_cast %add3A_819 : i32 to index
        %get3A_836 = arith.constant 16 : index
        %get3A_837 = tpu.vector_load %get3A_834[%get3A_835, %get3A_836] {strides = array<i32>} : memref<128x128xf32, #tpu.memory_space<vmem>>, vector<16xf32>,
        tpu.vector_store_idx %arg7[%add3A_6, %add3A_823], %get3A_837 : memref<64x129xf32, #tpu.memory_space<vmem>>[vector<16xi32>, vector<16xi32>], vector<16xf32>,
        %get3A_838 = arith.constant 0 : i32
        %get3A_839 = arith.constant 0 : i32
        %get3A_840 = tpu.memref_slice %arg6[%scan3A_315, %get3A_838, %get3A_839] : memref<2x128x128xf32, #tpu.memory_space<vmem>> -> memref<1x128x128xf32, #tpu.memory_space<vmem>>
        %get3A_841 = tpu.memref_squeeze %get3A_840 : memref<1x128x128xf32, #tpu.memory_space<vmem>> -> memref<128x128xf32, #tpu.memory_space<vmem>>
        %get3A_842 = arith.index_cast %add3A_819 : i32 to index
        %get3A_843 = arith.constant 32 : index
        %get3A_844 = tpu.vector_load %get3A_841[%get3A_842, %get3A_843] {strides = array<i32>} : memref<128x128xf32, #tpu.memory_space<vmem>>, vector<16xf32>,
        tpu.vector_store_idx %arg7[%add3A_9, %add3A_823], %get3A_844 : memref<64x129xf32, #tpu.memory_space<vmem>>[vector<16xi32>, vector<16xi32>], vector<16xf32>,
        %get3A_845 = arith.constant 0 : i32
        %get3A_846 = arith.constant 0 : i32
        %get3A_847 = tpu.memref_slice %arg6[%scan3A_315, %get3A_845, %get3A_846] : memref<2x128x128xf32, #tpu.memory_space<vmem>> -> memref<1x128x128xf32, #tpu.memory_space<vmem>>
        %get3A_848 = tpu.memref_squeeze %get3A_847 : memref<1x128x128xf32, #tpu.memory_space<vmem>> -> memref<128x128xf32, #tpu.memory_space<vmem>>
        %get3A_849 = arith.index_cast %add3A_819 : i32 to index
        %get3A_850 = arith.constant 48 : index
        %get3A_851 = tpu.vector_load %get3A_848[%get3A_849, %get3A_850] {strides = array<i32>} : memref<128x128xf32, #tpu.memory_space<vmem>>, vector<16xf32>,
        tpu.vector_store_idx %arg7[%add3A_12, %add3A_823], %get3A_851 : memref<64x129xf32, #tpu.memory_space<vmem>>[vector<16xi32>, vector<16xi32>], vector<16xf32>,
        %mul3A_852 = arith.constant 8 : i32
        %mul3A_853 = arith.muli %scan3A_601, %mul3A_852 : i32
        %add3A_854 = arith.constant 7 : i32
        %add3A_855 = arith.addi %mul3A_853, %add3A_854 : i32
        %broadcast_in_dim3A_856 = arith.constant 0 : i32
        %broadcast_in_dim3A_857 = vector.broadcast %broadcast_in_dim3A_856 : i32 to vector<16xi32>
        %add3A_858 = vector.broadcast %add3A_855 : i32 to vector<16xi32>
        %add3A_859 = arith.addi %broadcast_in_dim3A_857, %add3A_858 : vector<16xi32>
        %get3A_860 = arith.constant 0 : i32
        %get3A_861 = arith.constant 0 : i32
        %get3A_862 = tpu.memref_slice %arg6[%scan3A_315, %get3A_860, %get3A_861] : memref<2x128x128xf32, #tpu.memory_space<vmem>> -> memref<1x128x128xf32, #tpu.memory_space<vmem>>
        %get3A_863 = tpu.memref_squeeze %get3A_862 : memref<1x128x128xf32, #tpu.memory_space<vmem>> -> memref<128x128xf32, #tpu.memory_space<vmem>>
        %get3A_864 = arith.index_cast %add3A_855 : i32 to index
        %get3A_865 = arith.constant 0 : index
        %get3A_866 = tpu.vector_load %get3A_863[%get3A_864, %get3A_865] {strides = array<i32>} : memref<128x128xf32, #tpu.memory_space<vmem>>, vector<16xf32>,
        tpu.vector_store_idx %arg7[%add3A_3, %add3A_859], %get3A_866 : memref<64x129xf32, #tpu.memory_space<vmem>>[vector<16xi32>, vector<16xi32>], vector<16xf32>,
        %get3A_867 = arith.constant 0 : i32
        %get3A_868 = arith.constant 0 : i32
        %get3A_869 = tpu.memref_slice %arg6[%scan3A_315, %get3A_867, %get3A_868] : memref<2x128x128xf32, #tpu.memory_space<vmem>> -> memref<1x128x128xf32, #tpu.memory_space<vmem>>
        %get3A_870 = tpu.memref_squeeze %get3A_869 : memref<1x128x128xf32, #tpu.memory_space<vmem>> -> memref<128x128xf32, #tpu.memory_space<vmem>>
        %get3A_871 = arith.index_cast %add3A_855 : i32 to index
        %get3A_872 = arith.constant 16 : index
        %get3A_873 = tpu.vector_load %get3A_870[%get3A_871, %get3A_872] {strides = array<i32>} : memref<128x128xf32, #tpu.memory_space<vmem>>, vector<16xf32>,
        tpu.vector_store_idx %arg7[%add3A_6, %add3A_859], %get3A_873 : memref<64x129xf32, #tpu.memory_space<vmem>>[vector<16xi32>, vector<16xi32>], vector<16xf32>,
        %get3A_874 = arith.constant 0 : i32
        %get3A_875 = arith.constant 0 : i32
        %get3A_876 = tpu.memref_slice %arg6[%scan3A_315, %get3A_874, %get3A_875] : memref<2x128x128xf32, #tpu.memory_space<vmem>> -> memref<1x128x128xf32, #tpu.memory_space<vmem>>
        %get3A_877 = tpu.memref_squeeze %get3A_876 : memref<1x128x128xf32, #tpu.memory_space<vmem>> -> memref<128x128xf32, #tpu.memory_space<vmem>>
        %get3A_878 = arith.index_cast %add3A_855 : i32 to index
        %get3A_879 = arith.constant 32 : index
        %get3A_880 = tpu.vector_load %get3A_877[%get3A_878, %get3A_879] {strides = array<i32>} : memref<128x128xf32, #tpu.memory_space<vmem>>, vector<16xf32>,
        tpu.vector_store_idx %arg7[%add3A_9, %add3A_859], %get3A_880 : memref<64x129xf32, #tpu.memory_space<vmem>>[vector<16xi32>, vector<16xi32>], vector<16xf32>,
        %get3A_881 = arith.constant 0 : i32
        %get3A_882 = arith.constant 0 : i32
        %get3A_883 = tpu.memref_slice %arg6[%scan3A_315, %get3A_881, %get3A_882] : memref<2x128x128xf32, #tpu.memory_space<vmem>> -> memref<1x128x128xf32, #tpu.memory_space<vmem>>
        %get3A_884 = tpu.memref_squeeze %get3A_883 : memref<1x128x128xf32, #tpu.memory_space<vmem>> -> memref<128x128xf32, #tpu.memory_space<vmem>>
        %get3A_885 = arith.index_cast %add3A_855 : i32 to index
        %get3A_886 = arith.constant 48 : index
        %get3A_887 = tpu.vector_load %get3A_884[%get3A_885, %get3A_886] {strides = array<i32>} : memref<128x128xf32, #tpu.memory_space<vmem>>, vector<16xf32>,
        tpu.vector_store_idx %arg7[%add3A_12, %add3A_859], %get3A_887 : memref<64x129xf32, #tpu.memory_space<vmem>>[vector<16xi32>, vector<16xi32>], vector<16xf32>,
      }
      %scan3A_320 = arith.constant 16 : i32
      %add3A_321 = arith.constant 2 : i32
      %add3A_322 = arith.addi %add3A_300, %add3A_321 : i32
      %lt3A = arith.constant 200 : i32
      %lt3A_323 = arith.cmpi slt, %add3A_322, %lt3A : i32
      %convert_element_type3A_324 = arith.extui %lt3A_323 : i1 to i32
      %cond3A_325 = arith.constant 0 : i32
      %cond3A_326 = arith.cmpi ne, %convert_element_type3A_324, %cond3A_325 : i32
      scf.if %cond3A_326 {
        %add3A_601 = arith.constant 2 : i32
        %add3A_602 = arith.addi %add3A_300, %add3A_601 : i32
        %dma_start3A_603 = arith.constant 0 : i32
        %dma_start3A_604 = arith.constant 0 : i32
        %dma_start3A_605 = arith.constant 0 : i32
        %dma_start3A_606 = tpu.memref_slice %arg6[%dma_start3A_603, %dma_start3A_604, %dma_start3A_605] : memref<2x128x128xf32, #tpu.memory_space<vmem>> -> memref<1x128x128xf32, #tpu.memory_space<vmem>>
        %dma_start3A_607 = tpu.memref_squeeze %dma_start3A_606 : memref<1x128x128xf32, #tpu.memory_space<vmem>> -> memref<128x128xf32, #tpu.memory_space<vmem>>
        %dma_start3A_608 = arith.constant 0 : i32
        %dma_start3A_609 = tpu.memref_slice %arg5[%add3A_602, %dma_start3A_608] : memref<200x128xi32, #tpu.memory_space<vmem>> -> memref<1x128xi32, #tpu.memory_space<vmem>>
        %dma_start3A_610 = tpu.memref_squeeze %dma_start3A_609 : memref<1x128xi32, #tpu.memory_space<vmem>> -> memref<128xi32, #tpu.memory_space<vmem>>
        %dma_start3A_611 = arith.constant 0 : i32
        %dma_start3A_612 = arith.constant 0 : i32
        %dma_start3A_613 = tpu.memref_slice %arg3[%dma_start3A_611, %dma_start3A_612] : memref<1000000x128xf32, #tpu.memory_space<hbm>> -> memref<1000000x128xf32, #tpu.memory_space<hbm>>
        tpu.enqueue_indirect_dma source(%dma_start3A_613 : memref<1000000x128xf32, #tpu.memory_space<hbm>>) target(%dma_start3A_607 : memref<128x128xf32, #tpu.memory_space<vmem>>) offsets(%dma_start3A_610 : memref<128xi32, #tpu.memory_space<vmem>>) semaphore(%arg9 : memref<!tpu.dma_semaphore, #tpu.memory_space<semaphore_mem>>)
      } else {
      }
      %dma_start3A_327 = arith.constant 0 : i32
      %dma_start3A_328 = arith.constant 0 : i32
      %dma_start3A_329 = arith.constant 0 : i32
      %dma_start3A_330 = tpu.memref_slice %arg7[%dma_start3A_328, %dma_start3A_329] : memref<64x129xf32, #tpu.memory_space<vmem>> -> memref<8x128xf32, #tpu.memory_space<vmem>>
      %dma_start3A_331 = arith.constant 0 : i32
      %dma_start3A_332 = arith.constant 0 : i32
      %dma_start3A_333 = tpu.memref_slice %arg4[%add3A_300, %dma_start3A_327, %add3A, %dma_start3A_331, %dma_start3A_332] : memref<200x8x32x8x128xf32, #tpu.memory_space<hbm>> -> memref<1x1x1x8x128xf32, #tpu.memory_space<hbm>>
      %dma_start3A_334 = tpu.memref_squeeze %dma_start3A_333 : memref<1x1x1x8x128xf32, #tpu.memory_space<hbm>> -> memref<8x128xf32, #tpu.memory_space<hbm>>
      %dma_start3A_335 = arith.constant 0 : i32
      %dma_start3A_336 = arith.constant 0 : i32
      %dma_start3A_337 = tpu.memref_slice %arg4[%add3A_300, %dma_start3A_327, %add3A, %dma_start3A_335, %dma_start3A_336] : memref<200x8x32x8x128xf32, #tpu.memory_space<hbm>> -> memref<1x1x1x8x128xf32, #tpu.memory_space<hbm>>
      %dma_start3A_338 = tpu.memref_squeeze %dma_start3A_337 : memref<1x1x1x8x128xf32, #tpu.memory_space<hbm>> -> memref<8x128xf32, #tpu.memory_space<hbm>>
      %dma_start3A_339 = arith.constant 0 : i32
      %dma_start3A_340 = arith.constant 0 : i32
      %dma_start3A_341 = tpu.memref_slice %arg7[%dma_start3A_339, %dma_start3A_340] : memref<64x129xf32, #tpu.memory_space<vmem>> -> memref<8x128xf32, #tpu.memory_space<vmem>>
      tpu.enqueue_dma source(%dma_start3A_341 : memref<8x128xf32, #tpu.memory_space<vmem>>) target(%dma_start3A_338 : memref<8x128xf32, #tpu.memory_space<hbm>>) target_semaphore(%arg11 : memref<!tpu.dma_semaphore, #tpu.memory_space<semaphore_mem>>)
      %dma_start3A_342 = arith.constant 1 : i32
      %dma_start3A_343 = arith.constant 8 : i32
      %dma_start3A_344 = arith.constant 0 : i32
      %dma_start3A_345 = tpu.memref_slice %arg7[%dma_start3A_343, %dma_start3A_344] : memref<64x129xf32, #tpu.memory_space<vmem>> -> memref<8x128xf32, #tpu.memory_space<vmem>>
      %dma_start3A_346 = arith.constant 0 : i32
      %dma_start3A_347 = arith.constant 0 : i32
      %dma_start3A_348 = tpu.memref_slice %arg4[%add3A_300, %dma_start3A_342, %add3A, %dma_start3A_346, %dma_start3A_347] : memref<200x8x32x8x128xf32, #tpu.memory_space<hbm>> -> memref<1x1x1x8x128xf32, #tpu.memory_space<hbm>>
      %dma_start3A_349 = tpu.memref_squeeze %dma_start3A_348 : memref<1x1x1x8x128xf32, #tpu.memory_space<hbm>> -> memref<8x128xf32, #tpu.memory_space<hbm>>
      %dma_start3A_350 = arith.constant 0 : i32
      %dma_start3A_351 = arith.constant 0 : i32
      %dma_start3A_352 = tpu.memref_slice %arg4[%add3A_300, %dma_start3A_342, %add3A, %dma_start3A_350, %dma_start3A_351] : memref<200x8x32x8x128xf32, #tpu.memory_space<hbm>> -> memref<1x1x1x8x128xf32, #tpu.memory_space<hbm>>
      %dma_start3A_353 = tpu.memref_squeeze %dma_start3A_352 : memref<1x1x1x8x128xf32, #tpu.memory_space<hbm>> -> memref<8x128xf32, #tpu.memory_space<hbm>>
      %dma_start3A_354 = arith.constant 8 : i32
      %dma_start3A_355 = arith.constant 0 : i32
      %dma_start3A_356 = tpu.memref_slice %arg7[%dma_start3A_354, %dma_start3A_355] : memref<64x129xf32, #tpu.memory_space<vmem>> -> memref<8x128xf32, #tpu.memory_space<vmem>>
      tpu.enqueue_dma source(%dma_start3A_356 : memref<8x128xf32, #tpu.memory_space<vmem>>) target(%dma_start3A_353 : memref<8x128xf32, #tpu.memory_space<hbm>>) target_semaphore(%arg11 : memref<!tpu.dma_semaphore, #tpu.memory_space<semaphore_mem>>)
      %dma_start3A_357 = arith.constant 2 : i32
      %dma_start3A_358 = arith.constant 16 : i32
      %dma_start3A_359 = arith.constant 0 : i32
      %dma_start3A_360 = tpu.memref_slice %arg7[%dma_start3A_358, %dma_start3A_359] : memref<64x129xf32, #tpu.memory_space<vmem>> -> memref<8x128xf32, #tpu.memory_space<vmem>>
      %dma_start3A_361 = arith.constant 0 : i32
      %dma_start3A_362 = arith.constant 0 : i32
      %dma_start3A_363 = tpu.memref_slice %arg4[%add3A_300, %dma_start3A_357, %add3A, %dma_start3A_361, %dma_start3A_362] : memref<200x8x32x8x128xf32, #tpu.memory_space<hbm>> -> memref<1x1x1x8x128xf32, #tpu.memory_space<hbm>>
      %dma_start3A_364 = tpu.memref_squeeze %dma_start3A_363 : memref<1x1x1x8x128xf32, #tpu.memory_space<hbm>> -> memref<8x128xf32, #tpu.memory_space<hbm>>
      %dma_start3A_365 = arith.constant 0 : i32
      %dma_start3A_366 = arith.constant 0 : i32
      %dma_start3A_367 = tpu.memref_slice %arg4[%add3A_300, %dma_start3A_357, %add3A, %dma_start3A_365, %dma_start3A_366] : memref<200x8x32x8x128xf32, #tpu.memory_space<hbm>> -> memref<1x1x1x8x128xf32, #tpu.memory_space<hbm>>
      %dma_start3A_368 = tpu.memref_squeeze %dma_start3A_367 : memref<1x1x1x8x128xf32, #tpu.memory_space<hbm>> -> memref<8x128xf32, #tpu.memory_space<hbm>>
      %dma_start3A_369 = arith.constant 16 : i32
      %dma_start3A_370 = arith.constant 0 : i32
      %dma_start3A_371 = tpu.memref_slice %arg7[%dma_start3A_369, %dma_start3A_370] : memref<64x129xf32, #tpu.memory_space<vmem>> -> memref<8x128xf32, #tpu.memory_space<vmem>>
      tpu.enqueue_dma source(%dma_start3A_371 : memref<8x128xf32, #tpu.memory_space<vmem>>) target(%dma_start3A_368 : memref<8x128xf32, #tpu.memory_space<hbm>>) target_semaphore(%arg11 : memref<!tpu.dma_semaphore, #tpu.memory_space<semaphore_mem>>)
      %dma_start3A_372 = arith.constant 3 : i32
      %dma_start3A_373 = arith.constant 24 : i32
      %dma_start3A_374 = arith.constant 0 : i32
      %dma_start3A_375 = tpu.memref_slice %arg7[%dma_start3A_373, %dma_start3A_374] : memref<64x129xf32, #tpu.memory_space<vmem>> -> memref<8x128xf32, #tpu.memory_space<vmem>>
      %dma_start3A_376 = arith.constant 0 : i32
      %dma_start3A_377 = arith.constant 0 : i32
      %dma_start3A_378 = tpu.memref_slice %arg4[%add3A_300, %dma_start3A_372, %add3A, %dma_start3A_376, %dma_start3A_377] : memref<200x8x32x8x128xf32, #tpu.memory_space<hbm>> -> memref<1x1x1x8x128xf32, #tpu.memory_space<hbm>>
      %dma_start3A_379 = tpu.memref_squeeze %dma_start3A_378 : memref<1x1x1x8x128xf32, #tpu.memory_space<hbm>> -> memref<8x128xf32, #tpu.memory_space<hbm>>
      %dma_start3A_380 = arith.constant 0 : i32
      %dma_start3A_381 = arith.constant 0 : i32
      %dma_start3A_382 = tpu.memref_slice %arg4[%add3A_300, %dma_start3A_372, %add3A, %dma_start3A_380, %dma_start3A_381] : memref<200x8x32x8x128xf32, #tpu.memory_space<hbm>> -> memref<1x1x1x8x128xf32, #tpu.memory_space<hbm>>
      %dma_start3A_383 = tpu.memref_squeeze %dma_start3A_382 : memref<1x1x1x8x128xf32, #tpu.memory_space<hbm>> -> memref<8x128xf32, #tpu.memory_space<hbm>>
      %dma_start3A_384 = arith.constant 24 : i32
      %dma_start3A_385 = arith.constant 0 : i32
      %dma_start3A_386 = tpu.memref_slice %arg7[%dma_start3A_384, %dma_start3A_385] : memref<64x129xf32, #tpu.memory_space<vmem>> -> memref<8x128xf32, #tpu.memory_space<vmem>>
      tpu.enqueue_dma source(%dma_start3A_386 : memref<8x128xf32, #tpu.memory_space<vmem>>) target(%dma_start3A_383 : memref<8x128xf32, #tpu.memory_space<hbm>>) target_semaphore(%arg11 : memref<!tpu.dma_semaphore, #tpu.memory_space<semaphore_mem>>)
      %dma_start3A_387 = arith.constant 4 : i32
      %dma_start3A_388 = arith.constant 32 : i32
      %dma_start3A_389 = arith.constant 0 : i32
      %dma_start3A_390 = tpu.memref_slice %arg7[%dma_start3A_388, %dma_start3A_389] : memref<64x129xf32, #tpu.memory_space<vmem>> -> memref<8x128xf32, #tpu.memory_space<vmem>>
      %dma_start3A_391 = arith.constant 0 : i32
      %dma_start3A_392 = arith.constant 0 : i32
      %dma_start3A_393 = tpu.memref_slice %arg4[%add3A_300, %dma_start3A_387, %add3A, %dma_start3A_391, %dma_start3A_392] : memref<200x8x32x8x128xf32, #tpu.memory_space<hbm>> -> memref<1x1x1x8x128xf32, #tpu.memory_space<hbm>>
      %dma_start3A_394 = tpu.memref_squeeze %dma_start3A_393 : memref<1x1x1x8x128xf32, #tpu.memory_space<hbm>> -> memref<8x128xf32, #tpu.memory_space<hbm>>
      %dma_start3A_395 = arith.constant 0 : i32
      %dma_start3A_396 = arith.constant 0 : i32
      %dma_start3A_397 = tpu.memref_slice %arg4[%add3A_300, %dma_start3A_387, %add3A, %dma_start3A_395, %dma_start3A_396] : memref<200x8x32x8x128xf32, #tpu.memory_space<hbm>> -> memref<1x1x1x8x128xf32, #tpu.memory_space<hbm>>
      %dma_start3A_398 = tpu.memref_squeeze %dma_start3A_397 : memref<1x1x1x8x128xf32, #tpu.memory_space<hbm>> -> memref<8x128xf32, #tpu.memory_space<hbm>>
      %dma_start3A_399 = arith.constant 32 : i32
      %dma_start3A_400 = arith.constant 0 : i32
      %dma_start3A_401 = tpu.memref_slice %arg7[%dma_start3A_399, %dma_start3A_400] : memref<64x129xf32, #tpu.memory_space<vmem>> -> memref<8x128xf32, #tpu.memory_space<vmem>>
      tpu.enqueue_dma source(%dma_start3A_401 : memref<8x128xf32, #tpu.memory_space<vmem>>) target(%dma_start3A_398 : memref<8x128xf32, #tpu.memory_space<hbm>>) target_semaphore(%arg11 : memref<!tpu.dma_semaphore, #tpu.memory_space<semaphore_mem>>)
      %dma_start3A_402 = arith.constant 5 : i32
      %dma_start3A_403 = arith.constant 40 : i32
      %dma_start3A_404 = arith.constant 0 : i32
      %dma_start3A_405 = tpu.memref_slice %arg7[%dma_start3A_403, %dma_start3A_404] : memref<64x129xf32, #tpu.memory_space<vmem>> -> memref<8x128xf32, #tpu.memory_space<vmem>>
      %dma_start3A_406 = arith.constant 0 : i32
      %dma_start3A_407 = arith.constant 0 : i32
      %dma_start3A_408 = tpu.memref_slice %arg4[%add3A_300, %dma_start3A_402, %add3A, %dma_start3A_406, %dma_start3A_407] : memref<200x8x32x8x128xf32, #tpu.memory_space<hbm>> -> memref<1x1x1x8x128xf32, #tpu.memory_space<hbm>>
      %dma_start3A_409 = tpu.memref_squeeze %dma_start3A_408 : memref<1x1x1x8x128xf32, #tpu.memory_space<hbm>> -> memref<8x128xf32, #tpu.memory_space<hbm>>
      %dma_start3A_410 = arith.constant 0 : i32
      %dma_start3A_411 = arith.constant 0 : i32
      %dma_start3A_412 = tpu.memref_slice %arg4[%add3A_300, %dma_start3A_402, %add3A, %dma_start3A_410, %dma_start3A_411] : memref<200x8x32x8x128xf32, #tpu.memory_space<hbm>> -> memref<1x1x1x8x128xf32, #tpu.memory_space<hbm>>
      %dma_start3A_413 = tpu.memref_squeeze %dma_start3A_412 : memref<1x1x1x8x128xf32, #tpu.memory_space<hbm>> -> memref<8x128xf32, #tpu.memory_space<hbm>>
      %dma_start3A_414 = arith.constant 40 : i32
      %dma_start3A_415 = arith.constant 0 : i32
      %dma_start3A_416 = tpu.memref_slice %arg7[%dma_start3A_414, %dma_start3A_415] : memref<64x129xf32, #tpu.memory_space<vmem>> -> memref<8x128xf32, #tpu.memory_space<vmem>>
      tpu.enqueue_dma source(%dma_start3A_416 : memref<8x128xf32, #tpu.memory_space<vmem>>) target(%dma_start3A_413 : memref<8x128xf32, #tpu.memory_space<hbm>>) target_semaphore(%arg11 : memref<!tpu.dma_semaphore, #tpu.memory_space<semaphore_mem>>)
      %dma_start3A_417 = arith.constant 6 : i32
      %dma_start3A_418 = arith.constant 48 : i32
      %dma_start3A_419 = arith.constant 0 : i32
      %dma_start3A_420 = tpu.memref_slice %arg7[%dma_start3A_418, %dma_start3A_419] : memref<64x129xf32, #tpu.memory_space<vmem>> -> memref<8x128xf32, #tpu.memory_space<vmem>>
      %dma_start3A_421 = arith.constant 0 : i32
      %dma_start3A_422 = arith.constant 0 : i32
      %dma_start3A_423 = tpu.memref_slice %arg4[%add3A_300, %dma_start3A_417, %add3A, %dma_start3A_421, %dma_start3A_422] : memref<200x8x32x8x128xf32, #tpu.memory_space<hbm>> -> memref<1x1x1x8x128xf32, #tpu.memory_space<hbm>>
      %dma_start3A_424 = tpu.memref_squeeze %dma_start3A_423 : memref<1x1x1x8x128xf32, #tpu.memory_space<hbm>> -> memref<8x128xf32, #tpu.memory_space<hbm>>
      %dma_start3A_425 = arith.constant 0 : i32
      %dma_start3A_426 = arith.constant 0 : i32
      %dma_start3A_427 = tpu.memref_slice %arg4[%add3A_300, %dma_start3A_417, %add3A, %dma_start3A_425, %dma_start3A_426] : memref<200x8x32x8x128xf32, #tpu.memory_space<hbm>> -> memref<1x1x1x8x128xf32, #tpu.memory_space<hbm>>
      %dma_start3A_428 = tpu.memref_squeeze %dma_start3A_427 : memref<1x1x1x8x128xf32, #tpu.memory_space<hbm>> -> memref<8x128xf32, #tpu.memory_space<hbm>>
      %dma_start3A_429 = arith.constant 48 : i32
      %dma_start3A_430 = arith.constant 0 : i32
      %dma_start3A_431 = tpu.memref_slice %arg7[%dma_start3A_429, %dma_start3A_430] : memref<64x129xf32, #tpu.memory_space<vmem>> -> memref<8x128xf32, #tpu.memory_space<vmem>>
      tpu.enqueue_dma source(%dma_start3A_431 : memref<8x128xf32, #tpu.memory_space<vmem>>) target(%dma_start3A_428 : memref<8x128xf32, #tpu.memory_space<hbm>>) target_semaphore(%arg11 : memref<!tpu.dma_semaphore, #tpu.memory_space<semaphore_mem>>)
      %dma_start3A_432 = arith.constant 7 : i32
      %dma_start3A_433 = arith.constant 56 : i32
      %dma_start3A_434 = arith.constant 0 : i32
      %dma_start3A_435 = tpu.memref_slice %arg7[%dma_start3A_433, %dma_start3A_434] : memref<64x129xf32, #tpu.memory_space<vmem>> -> memref<8x128xf32, #tpu.memory_space<vmem>>
      %dma_start3A_436 = arith.constant 0 : i32
      %dma_start3A_437 = arith.constant 0 : i32
      %dma_start3A_438 = tpu.memref_slice %arg4[%add3A_300, %dma_start3A_432, %add3A, %dma_start3A_436, %dma_start3A_437] : memref<200x8x32x8x128xf32, #tpu.memory_space<hbm>> -> memref<1x1x1x8x128xf32, #tpu.memory_space<hbm>>
      %dma_start3A_439 = tpu.memref_squeeze %dma_start3A_438 : memref<1x1x1x8x128xf32, #tpu.memory_space<hbm>> -> memref<8x128xf32, #tpu.memory_space<hbm>>
      %dma_start3A_440 = arith.constant 0 : i32
      %dma_start3A_441 = arith.constant 0 : i32
      %dma_start3A_442 = tpu.memref_slice %arg4[%add3A_300, %dma_start3A_432, %add3A, %dma_start3A_440, %dma_start3A_441] : memref<200x8x32x8x128xf32, #tpu.memory_space<hbm>> -> memref<1x1x1x8x128xf32, #tpu.memory_space<hbm>>
      %dma_start3A_443 = tpu.memref_squeeze %dma_start3A_442 : memref<1x1x1x8x128xf32, #tpu.memory_space<hbm>> -> memref<8x128xf32, #tpu.memory_space<hbm>>
      %dma_start3A_444 = arith.constant 56 : i32
      %dma_start3A_445 = arith.constant 0 : i32
      %dma_start3A_446 = tpu.memref_slice %arg7[%dma_start3A_444, %dma_start3A_445] : memref<64x129xf32, #tpu.memory_space<vmem>> -> memref<8x128xf32, #tpu.memory_space<vmem>>
      tpu.enqueue_dma source(%dma_start3A_446 : memref<8x128xf32, #tpu.memory_space<vmem>>) target(%dma_start3A_443 : memref<8x128xf32, #tpu.memory_space<hbm>>) target_semaphore(%arg11 : memref<!tpu.dma_semaphore, #tpu.memory_space<semaphore_mem>>)
      %mul3A_447 = arith.constant 2 : i32
      %mul3A_448 = arith.muli %mul3A_447, %scan3A_296 : i32
      %add3A_449 = arith.constant 1 : i32
      %add3A_450 = arith.addi %mul3A_448, %add3A_449 : i32
      %dma_wait3A_451 = arith.constant 1 : i32
      %dma_wait3A_452 = arith.constant 0 : i32
      %dma_wait3A_453 = arith.constant 0 : i32
      %dma_wait3A_454 = tpu.memref_slice %arg6[%dma_wait3A_451, %dma_wait3A_452, %dma_wait3A_453] : memref<2x128x128xf32, #tpu.memory_space<vmem>> -> memref<1x128x128xf32, #tpu.memory_space<vmem>>
      %dma_wait3A_455 = tpu.memref_squeeze %dma_wait3A_454 : memref<1x128x128xf32, #tpu.memory_space<vmem>> -> memref<128x128xf32, #tpu.memory_space<vmem>>
      %dma_wait3A_456 = arith.constant 0 : i32
      %dma_wait3A_457 = tpu.memref_slice %arg5[%add3A_450, %dma_wait3A_456] : memref<200x128xi32, #tpu.memory_space<vmem>> -> memref<1x128xi32, #tpu.memory_space<vmem>>
      %dma_wait3A_458 = tpu.memref_squeeze %dma_wait3A_457 : memref<1x128xi32, #tpu.memory_space<vmem>> -> memref<128xi32, #tpu.memory_space<vmem>>
      %dma_wait3A_459 = arith.constant 0 : i32
      %dma_wait3A_460 = arith.constant 0 : i32
      %dma_wait3A_461 = tpu.memref_slice %arg3[%dma_wait3A_459, %dma_wait3A_460] : memref<1000000x128xf32, #tpu.memory_space<hbm>> -> memref<1000000x128xf32, #tpu.memory_space<hbm>>
      tpu.wait_indirect_dma semaphore(%arg10 : memref<!tpu.dma_semaphore, #tpu.memory_space<semaphore_mem>>) src(%dma_wait3A_461 : memref<1000000x128xf32, #tpu.memory_space<hbm>>) dst(%dma_wait3A_455 : memref<128x128xf32, #tpu.memory_space<vmem>>)
      %ge3A_462 = arith.constant 2 : i32
      %ge3A_463 = arith.cmpi sge, %add3A_450, %ge3A_462 : i32
      %convert_element_type3A_464 = arith.extui %ge3A_463 : i1 to i32
      %cond3A_465 = arith.constant 0 : i32
      %cond3A_466 = arith.cmpi ne, %convert_element_type3A_464, %cond3A_465 : i32
      scf.if %cond3A_466 {
        %dma_wait3A_601 = arith.constant 0 : i32
        %dma_wait3A_602 = arith.constant 0 : i32
        %dma_wait3A_603 = arith.constant 0 : i32
        %dma_wait3A_604 = tpu.memref_slice %arg8[%dma_wait3A_602, %dma_wait3A_603] : memref<64x129xf32, #tpu.memory_space<vmem>> -> memref<8x128xf32, #tpu.memory_space<vmem>>
        %dma_wait3A_605 = arith.constant 0 : i32
        %dma_wait3A_606 = arith.constant 0 : i32
        %dma_wait3A_607 = tpu.memref_slice %arg4[%add3A_450, %dma_wait3A_601, %add3A, %dma_wait3A_605, %dma_wait3A_606] : memref<200x8x32x8x128xf32, #tpu.memory_space<hbm>> -> memref<1x1x1x8x128xf32, #tpu.memory_space<hbm>>
        %dma_wait3A_608 = tpu.memref_squeeze %dma_wait3A_607 : memref<1x1x1x8x128xf32, #tpu.memory_space<hbm>> -> memref<8x128xf32, #tpu.memory_space<hbm>>
        %dma_wait3A_609 = arith.constant 0 : i32
        %dma_wait3A_610 = arith.constant 0 : i32
        %dma_wait3A_611 = tpu.memref_slice %arg4[%add3A_450, %dma_wait3A_601, %add3A, %dma_wait3A_609, %dma_wait3A_610] : memref<200x8x32x8x128xf32, #tpu.memory_space<hbm>> -> memref<1x1x1x8x128xf32, #tpu.memory_space<hbm>>
        %dma_wait3A_612 = tpu.memref_squeeze %dma_wait3A_611 : memref<1x1x1x8x128xf32, #tpu.memory_space<hbm>> -> memref<8x128xf32, #tpu.memory_space<hbm>>
        %dma_wait3A_613 = arith.constant 0 : i32
        %dma_wait3A_614 = arith.constant 0 : i32
        %dma_wait3A_615 = tpu.memref_slice %arg8[%dma_wait3A_613, %dma_wait3A_614] : memref<64x129xf32, #tpu.memory_space<vmem>> -> memref<8x128xf32, #tpu.memory_space<vmem>>
        tpu.wait_dma2 semaphore(%arg12 : memref<!tpu.dma_semaphore, #tpu.memory_space<semaphore_mem>>) src(%dma_wait3A_615 : memref<8x128xf32, #tpu.memory_space<vmem>>) dst(%dma_wait3A_612 : memref<8x128xf32, #tpu.memory_space<hbm>>)
        %dma_wait3A_616 = arith.constant 1 : i32
        %dma_wait3A_617 = arith.constant 8 : i32
        %dma_wait3A_618 = arith.constant 0 : i32
        %dma_wait3A_619 = tpu.memref_slice %arg8[%dma_wait3A_617, %dma_wait3A_618] : memref<64x129xf32, #tpu.memory_space<vmem>> -> memref<8x128xf32, #tpu.memory_space<vmem>>
        %dma_wait3A_620 = arith.constant 0 : i32
        %dma_wait3A_621 = arith.constant 0 : i32
        %dma_wait3A_622 = tpu.memref_slice %arg4[%add3A_450, %dma_wait3A_616, %add3A, %dma_wait3A_620, %dma_wait3A_621] : memref<200x8x32x8x128xf32, #tpu.memory_space<hbm>> -> memref<1x1x1x8x128xf32, #tpu.memory_space<hbm>>
        %dma_wait3A_623 = tpu.memref_squeeze %dma_wait3A_622 : memref<1x1x1x8x128xf32, #tpu.memory_space<hbm>> -> memref<8x128xf32, #tpu.memory_space<hbm>>
        %dma_wait3A_624 = arith.constant 0 : i32
        %dma_wait3A_625 = arith.constant 0 : i32
        %dma_wait3A_626 = tpu.memref_slice %arg4[%add3A_450, %dma_wait3A_616, %add3A, %dma_wait3A_624, %dma_wait3A_625] : memref<200x8x32x8x128xf32, #tpu.memory_space<hbm>> -> memref<1x1x1x8x128xf32, #tpu.memory_space<hbm>>
        %dma_wait3A_627 = tpu.memref_squeeze %dma_wait3A_626 : memref<1x1x1x8x128xf32, #tpu.memory_space<hbm>> -> memref<8x128xf32, #tpu.memory_space<hbm>>
        %dma_wait3A_628 = arith.constant 8 : i32
        %dma_wait3A_629 = arith.constant 0 : i32
        %dma_wait3A_630 = tpu.memref_slice %arg8[%dma_wait3A_628, %dma_wait3A_629] : memref<64x129xf32, #tpu.memory_space<vmem>> -> memref<8x128xf32, #tpu.memory_space<vmem>>
        tpu.wait_dma2 semaphore(%arg12 : memref<!tpu.dma_semaphore, #tpu.memory_space<semaphore_mem>>) src(%dma_wait3A_630 : memref<8x128xf32, #tpu.memory_space<vmem>>) dst(%dma_wait3A_627 : memref<8x128xf32, #tpu.memory_space<hbm>>)
        %dma_wait3A_631 = arith.constant 2 : i32
        %dma_wait3A_632 = arith.constant 16 : i32
        %dma_wait3A_633 = arith.constant 0 : i32
        %dma_wait3A_634 = tpu.memref_slice %arg8[%dma_wait3A_632, %dma_wait3A_633] : memref<64x129xf32, #tpu.memory_space<vmem>> -> memref<8x128xf32, #tpu.memory_space<vmem>>
        %dma_wait3A_635 = arith.constant 0 : i32
        %dma_wait3A_636 = arith.constant 0 : i32
        %dma_wait3A_637 = tpu.memref_slice %arg4[%add3A_450, %dma_wait3A_631, %add3A, %dma_wait3A_635, %dma_wait3A_636] : memref<200x8x32x8x128xf32, #tpu.memory_space<hbm>> -> memref<1x1x1x8x128xf32, #tpu.memory_space<hbm>>
        %dma_wait3A_638 = tpu.memref_squeeze %dma_wait3A_637 : memref<1x1x1x8x128xf32, #tpu.memory_space<hbm>> -> memref<8x128xf32, #tpu.memory_space<hbm>>
        %dma_wait3A_639 = arith.constant 0 : i32
        %dma_wait3A_640 = arith.constant 0 : i32
        %dma_wait3A_641 = tpu.memref_slice %arg4[%add3A_450, %dma_wait3A_631, %add3A, %dma_wait3A_639, %dma_wait3A_640] : memref<200x8x32x8x128xf32, #tpu.memory_space<hbm>> -> memref<1x1x1x8x128xf32, #tpu.memory_space<hbm>>
        %dma_wait3A_642 = tpu.memref_squeeze %dma_wait3A_641 : memref<1x1x1x8x128xf32, #tpu.memory_space<hbm>> -> memref<8x128xf32, #tpu.memory_space<hbm>>
        %dma_wait3A_643 = arith.constant 16 : i32
        %dma_wait3A_644 = arith.constant 0 : i32
        %dma_wait3A_645 = tpu.memref_slice %arg8[%dma_wait3A_643, %dma_wait3A_644] : memref<64x129xf32, #tpu.memory_space<vmem>> -> memref<8x128xf32, #tpu.memory_space<vmem>>
        tpu.wait_dma2 semaphore(%arg12 : memref<!tpu.dma_semaphore, #tpu.memory_space<semaphore_mem>>) src(%dma_wait3A_645 : memref<8x128xf32, #tpu.memory_space<vmem>>) dst(%dma_wait3A_642 : memref<8x128xf32, #tpu.memory_space<hbm>>)
        %dma_wait3A_646 = arith.constant 3 : i32
        %dma_wait3A_647 = arith.constant 24 : i32
        %dma_wait3A_648 = arith.constant 0 : i32
        %dma_wait3A_649 = tpu.memref_slice %arg8[%dma_wait3A_647, %dma_wait3A_648] : memref<64x129xf32, #tpu.memory_space<vmem>> -> memref<8x128xf32, #tpu.memory_space<vmem>>
        %dma_wait3A_650 = arith.constant 0 : i32
        %dma_wait3A_651 = arith.constant 0 : i32
        %dma_wait3A_652 = tpu.memref_slice %arg4[%add3A_450, %dma_wait3A_646, %add3A, %dma_wait3A_650, %dma_wait3A_651] : memref<200x8x32x8x128xf32, #tpu.memory_space<hbm>> -> memref<1x1x1x8x128xf32, #tpu.memory_space<hbm>>
        %dma_wait3A_653 = tpu.memref_squeeze %dma_wait3A_652 : memref<1x1x1x8x128xf32, #tpu.memory_space<hbm>> -> memref<8x128xf32, #tpu.memory_space<hbm>>
        %dma_wait3A_654 = arith.constant 0 : i32
        %dma_wait3A_655 = arith.constant 0 : i32
        %dma_wait3A_656 = tpu.memref_slice %arg4[%add3A_450, %dma_wait3A_646, %add3A, %dma_wait3A_654, %dma_wait3A_655] : memref<200x8x32x8x128xf32, #tpu.memory_space<hbm>> -> memref<1x1x1x8x128xf32, #tpu.memory_space<hbm>>
        %dma_wait3A_657 = tpu.memref_squeeze %dma_wait3A_656 : memref<1x1x1x8x128xf32, #tpu.memory_space<hbm>> -> memref<8x128xf32, #tpu.memory_space<hbm>>
        %dma_wait3A_658 = arith.constant 24 : i32
        %dma_wait3A_659 = arith.constant 0 : i32
        %dma_wait3A_660 = tpu.memref_slice %arg8[%dma_wait3A_658, %dma_wait3A_659] : memref<64x129xf32, #tpu.memory_space<vmem>> -> memref<8x128xf32, #tpu.memory_space<vmem>>
        tpu.wait_dma2 semaphore(%arg12 : memref<!tpu.dma_semaphore, #tpu.memory_space<semaphore_mem>>) src(%dma_wait3A_660 : memref<8x128xf32, #tpu.memory_space<vmem>>) dst(%dma_wait3A_657 : memref<8x128xf32, #tpu.memory_space<hbm>>)
        %dma_wait3A_661 = arith.constant 4 : i32
        %dma_wait3A_662 = arith.constant 32 : i32
        %dma_wait3A_663 = arith.constant 0 : i32
        %dma_wait3A_664 = tpu.memref_slice %arg8[%dma_wait3A_662, %dma_wait3A_663] : memref<64x129xf32, #tpu.memory_space<vmem>> -> memref<8x128xf32, #tpu.memory_space<vmem>>
        %dma_wait3A_665 = arith.constant 0 : i32
        %dma_wait3A_666 = arith.constant 0 : i32
        %dma_wait3A_667 = tpu.memref_slice %arg4[%add3A_450, %dma_wait3A_661, %add3A, %dma_wait3A_665, %dma_wait3A_666] : memref<200x8x32x8x128xf32, #tpu.memory_space<hbm>> -> memref<1x1x1x8x128xf32, #tpu.memory_space<hbm>>
        %dma_wait3A_668 = tpu.memref_squeeze %dma_wait3A_667 : memref<1x1x1x8x128xf32, #tpu.memory_space<hbm>> -> memref<8x128xf32, #tpu.memory_space<hbm>>
        %dma_wait3A_669 = arith.constant 0 : i32
        %dma_wait3A_670 = arith.constant 0 : i32
        %dma_wait3A_671 = tpu.memref_slice %arg4[%add3A_450, %dma_wait3A_661, %add3A, %dma_wait3A_669, %dma_wait3A_670] : memref<200x8x32x8x128xf32, #tpu.memory_space<hbm>> -> memref<1x1x1x8x128xf32, #tpu.memory_space<hbm>>
        %dma_wait3A_672 = tpu.memref_squeeze %dma_wait3A_671 : memref<1x1x1x8x128xf32, #tpu.memory_space<hbm>> -> memref<8x128xf32, #tpu.memory_space<hbm>>
        %dma_wait3A_673 = arith.constant 32 : i32
        %dma_wait3A_674 = arith.constant 0 : i32
        %dma_wait3A_675 = tpu.memref_slice %arg8[%dma_wait3A_673, %dma_wait3A_674] : memref<64x129xf32, #tpu.memory_space<vmem>> -> memref<8x128xf32, #tpu.memory_space<vmem>>
        tpu.wait_dma2 semaphore(%arg12 : memref<!tpu.dma_semaphore, #tpu.memory_space<semaphore_mem>>) src(%dma_wait3A_675 : memref<8x128xf32, #tpu.memory_space<vmem>>) dst(%dma_wait3A_672 : memref<8x128xf32, #tpu.memory_space<hbm>>)
        %dma_wait3A_676 = arith.constant 5 : i32
        %dma_wait3A_677 = arith.constant 40 : i32
        %dma_wait3A_678 = arith.constant 0 : i32
        %dma_wait3A_679 = tpu.memref_slice %arg8[%dma_wait3A_677, %dma_wait3A_678] : memref<64x129xf32, #tpu.memory_space<vmem>> -> memref<8x128xf32, #tpu.memory_space<vmem>>
        %dma_wait3A_680 = arith.constant 0 : i32
        %dma_wait3A_681 = arith.constant 0 : i32
        %dma_wait3A_682 = tpu.memref_slice %arg4[%add3A_450, %dma_wait3A_676, %add3A, %dma_wait3A_680, %dma_wait3A_681] : memref<200x8x32x8x128xf32, #tpu.memory_space<hbm>> -> memref<1x1x1x8x128xf32, #tpu.memory_space<hbm>>
        %dma_wait3A_683 = tpu.memref_squeeze %dma_wait3A_682 : memref<1x1x1x8x128xf32, #tpu.memory_space<hbm>> -> memref<8x128xf32, #tpu.memory_space<hbm>>
        %dma_wait3A_684 = arith.constant 0 : i32
        %dma_wait3A_685 = arith.constant 0 : i32
        %dma_wait3A_686 = tpu.memref_slice %arg4[%add3A_450, %dma_wait3A_676, %add3A, %dma_wait3A_684, %dma_wait3A_685] : memref<200x8x32x8x128xf32, #tpu.memory_space<hbm>> -> memref<1x1x1x8x128xf32, #tpu.memory_space<hbm>>
        %dma_wait3A_687 = tpu.memref_squeeze %dma_wait3A_686 : memref<1x1x1x8x128xf32, #tpu.memory_space<hbm>> -> memref<8x128xf32, #tpu.memory_space<hbm>>
        %dma_wait3A_688 = arith.constant 40 : i32
        %dma_wait3A_689 = arith.constant 0 : i32
        %dma_wait3A_690 = tpu.memref_slice %arg8[%dma_wait3A_688, %dma_wait3A_689] : memref<64x129xf32, #tpu.memory_space<vmem>> -> memref<8x128xf32, #tpu.memory_space<vmem>>
        tpu.wait_dma2 semaphore(%arg12 : memref<!tpu.dma_semaphore, #tpu.memory_space<semaphore_mem>>) src(%dma_wait3A_690 : memref<8x128xf32, #tpu.memory_space<vmem>>) dst(%dma_wait3A_687 : memref<8x128xf32, #tpu.memory_space<hbm>>)
        %dma_wait3A_691 = arith.constant 6 : i32
        %dma_wait3A_692 = arith.constant 48 : i32
        %dma_wait3A_693 = arith.constant 0 : i32
        %dma_wait3A_694 = tpu.memref_slice %arg8[%dma_wait3A_692, %dma_wait3A_693] : memref<64x129xf32, #tpu.memory_space<vmem>> -> memref<8x128xf32, #tpu.memory_space<vmem>>
        %dma_wait3A_695 = arith.constant 0 : i32
        %dma_wait3A_696 = arith.constant 0 : i32
        %dma_wait3A_697 = tpu.memref_slice %arg4[%add3A_450, %dma_wait3A_691, %add3A, %dma_wait3A_695, %dma_wait3A_696] : memref<200x8x32x8x128xf32, #tpu.memory_space<hbm>> -> memref<1x1x1x8x128xf32, #tpu.memory_space<hbm>>
        %dma_wait3A_698 = tpu.memref_squeeze %dma_wait3A_697 : memref<1x1x1x8x128xf32, #tpu.memory_space<hbm>> -> memref<8x128xf32, #tpu.memory_space<hbm>>
        %dma_wait3A_699 = arith.constant 0 : i32
        %dma_wait3A_700 = arith.constant 0 : i32
        %dma_wait3A_701 = tpu.memref_slice %arg4[%add3A_450, %dma_wait3A_691, %add3A, %dma_wait3A_699, %dma_wait3A_700] : memref<200x8x32x8x128xf32, #tpu.memory_space<hbm>> -> memref<1x1x1x8x128xf32, #tpu.memory_space<hbm>>
        %dma_wait3A_702 = tpu.memref_squeeze %dma_wait3A_701 : memref<1x1x1x8x128xf32, #tpu.memory_space<hbm>> -> memref<8x128xf32, #tpu.memory_space<hbm>>
        %dma_wait3A_703 = arith.constant 48 : i32
        %dma_wait3A_704 = arith.constant 0 : i32
        %dma_wait3A_705 = tpu.memref_slice %arg8[%dma_wait3A_703, %dma_wait3A_704] : memref<64x129xf32, #tpu.memory_space<vmem>> -> memref<8x128xf32, #tpu.memory_space<vmem>>
        tpu.wait_dma2 semaphore(%arg12 : memref<!tpu.dma_semaphore, #tpu.memory_space<semaphore_mem>>) src(%dma_wait3A_705 : memref<8x128xf32, #tpu.memory_space<vmem>>) dst(%dma_wait3A_702 : memref<8x128xf32, #tpu.memory_space<hbm>>)
        %dma_wait3A_706 = arith.constant 7 : i32
        %dma_wait3A_707 = arith.constant 56 : i32
        %dma_wait3A_708 = arith.constant 0 : i32
        %dma_wait3A_709 = tpu.memref_slice %arg8[%dma_wait3A_707, %dma_wait3A_708] : memref<64x129xf32, #tpu.memory_space<vmem>> -> memref<8x128xf32, #tpu.memory_space<vmem>>
        %dma_wait3A_710 = arith.constant 0 : i32
        %dma_wait3A_711 = arith.constant 0 : i32
        %dma_wait3A_712 = tpu.memref_slice %arg4[%add3A_450, %dma_wait3A_706, %add3A, %dma_wait3A_710, %dma_wait3A_711] : memref<200x8x32x8x128xf32, #tpu.memory_space<hbm>> -> memref<1x1x1x8x128xf32, #tpu.memory_space<hbm>>
        %dma_wait3A_713 = tpu.memref_squeeze %dma_wait3A_712 : memref<1x1x1x8x128xf32, #tpu.memory_space<hbm>> -> memref<8x128xf32, #tpu.memory_space<hbm>>
        %dma_wait3A_714 = arith.constant 0 : i32
        %dma_wait3A_715 = arith.constant 0 : i32
        %dma_wait3A_716 = tpu.memref_slice %arg4[%add3A_450, %dma_wait3A_706, %add3A, %dma_wait3A_714, %dma_wait3A_715] : memref<200x8x32x8x128xf32, #tpu.memory_space<hbm>> -> memref<1x1x1x8x128xf32, #tpu.memory_space<hbm>>
        %dma_wait3A_717 = tpu.memref_squeeze %dma_wait3A_716 : memref<1x1x1x8x128xf32, #tpu.memory_space<hbm>> -> memref<8x128xf32, #tpu.memory_space<hbm>>
        %dma_wait3A_718 = arith.constant 56 : i32
        %dma_wait3A_719 = arith.constant 0 : i32
        %dma_wait3A_720 = tpu.memref_slice %arg8[%dma_wait3A_718, %dma_wait3A_719] : memref<64x129xf32, #tpu.memory_space<vmem>> -> memref<8x128xf32, #tpu.memory_space<vmem>>
        tpu.wait_dma2 semaphore(%arg12 : memref<!tpu.dma_semaphore, #tpu.memory_space<semaphore_mem>>) src(%dma_wait3A_720 : memref<8x128xf32, #tpu.memory_space<vmem>>) dst(%dma_wait3A_717 : memref<8x128xf32, #tpu.memory_space<hbm>>)
      } else {
      }
      %scan3A_467 = arith.constant 0 : i32
      %scan3A_468 = arith.constant 1 : i32
      %scan3A_469 = arith.constant 0 : i32
      %scan3A_470 = arith.constant 16 : i32
      %scan3A_471 = arith.addi %scan3A_469, %scan3A_470 : i32
      %scan3A_472 = arith.constant 1 : i32
      scf.for %scan3A_601 = %scan3A_469 to %scan3A_471 step %scan3A_472  : i32 {
        %mul3A_602 = arith.constant 8 : i32
        %mul3A_603 = arith.muli %scan3A_601, %mul3A_602 : i32
        %add3A_604 = arith.constant 0 : i32
        %add3A_605 = arith.addi %mul3A_603, %add3A_604 : i32
        %broadcast_in_dim3A = arith.constant 0 : i32
        %broadcast_in_dim3A_606 = vector.broadcast %broadcast_in_dim3A : i32 to vector<16xi32>
        %add3A_607 = vector.broadcast %add3A_605 : i32 to vector<16xi32>
        %add3A_608 = arith.addi %broadcast_in_dim3A_606, %add3A_607 : vector<16xi32>
        %get3A = arith.constant 0 : i32
        %get3A_609 = arith.constant 0 : i32
        %get3A_610 = tpu.memref_slice %arg6[%scan3A_468, %get3A, %get3A_609] : memref<2x128x128xf32, #tpu.memory_space<vmem>> -> memref<1x128x128xf32, #tpu.memory_space<vmem>>
        %get3A_611 = tpu.memref_squeeze %get3A_610 : memref<1x128x128xf32, #tpu.memory_space<vmem>> -> memref<128x128xf32, #tpu.memory_space<vmem>>
        %get3A_612 = arith.index_cast %add3A_605 : i32 to index
        %get3A_613 = arith.constant 0 : index
        %get3A_614 = tpu.vector_load %get3A_611[%get3A_612, %get3A_613] {strides = array<i32>} : memref<128x128xf32, #tpu.memory_space<vmem>>, vector<16xf32>,
        tpu.vector_store_idx %arg8[%add3A_3, %add3A_608], %get3A_614 : memref<64x129xf32, #tpu.memory_space<vmem>>[vector<16xi32>, vector<16xi32>], vector<16xf32>,
        %get3A_615 = arith.constant 0 : i32
        %get3A_616 = arith.constant 0 : i32
        %get3A_617 = tpu.memref_slice %arg6[%scan3A_468, %get3A_615, %get3A_616] : memref<2x128x128xf32, #tpu.memory_space<vmem>> -> memref<1x128x128xf32, #tpu.memory_space<vmem>>
        %get3A_618 = tpu.memref_squeeze %get3A_617 : memref<1x128x128xf32, #tpu.memory_space<vmem>> -> memref<128x128xf32, #tpu.memory_space<vmem>>
        %get3A_619 = arith.index_cast %add3A_605 : i32 to index
        %get3A_620 = arith.constant 16 : index
        %get3A_621 = tpu.vector_load %get3A_618[%get3A_619, %get3A_620] {strides = array<i32>} : memref<128x128xf32, #tpu.memory_space<vmem>>, vector<16xf32>,
        tpu.vector_store_idx %arg8[%add3A_6, %add3A_608], %get3A_621 : memref<64x129xf32, #tpu.memory_space<vmem>>[vector<16xi32>, vector<16xi32>], vector<16xf32>,
        %get3A_622 = arith.constant 0 : i32
        %get3A_623 = arith.constant 0 : i32
        %get3A_624 = tpu.memref_slice %arg6[%scan3A_468, %get3A_622, %get3A_623] : memref<2x128x128xf32, #tpu.memory_space<vmem>> -> memref<1x128x128xf32, #tpu.memory_space<vmem>>
        %get3A_625 = tpu.memref_squeeze %get3A_624 : memref<1x128x128xf32, #tpu.memory_space<vmem>> -> memref<128x128xf32, #tpu.memory_space<vmem>>
        %get3A_626 = arith.index_cast %add3A_605 : i32 to index
        %get3A_627 = arith.constant 32 : index
        %get3A_628 = tpu.vector_load %get3A_625[%get3A_626, %get3A_627] {strides = array<i32>} : memref<128x128xf32, #tpu.memory_space<vmem>>, vector<16xf32>,
        tpu.vector_store_idx %arg8[%add3A_9, %add3A_608], %get3A_628 : memref<64x129xf32, #tpu.memory_space<vmem>>[vector<16xi32>, vector<16xi32>], vector<16xf32>,
        %get3A_629 = arith.constant 0 : i32
        %get3A_630 = arith.constant 0 : i32
        %get3A_631 = tpu.memref_slice %arg6[%scan3A_468, %get3A_629, %get3A_630] : memref<2x128x128xf32, #tpu.memory_space<vmem>> -> memref<1x128x128xf32, #tpu.memory_space<vmem>>
        %get3A_632 = tpu.memref_squeeze %get3A_631 : memref<1x128x128xf32, #tpu.memory_space<vmem>> -> memref<128x128xf32, #tpu.memory_space<vmem>>
        %get3A_633 = arith.index_cast %add3A_605 : i32 to index
        %get3A_634 = arith.constant 48 : index
        %get3A_635 = tpu.vector_load %get3A_632[%get3A_633, %get3A_634] {strides = array<i32>} : memref<128x128xf32, #tpu.memory_space<vmem>>, vector<16xf32>,
        tpu.vector_store_idx %arg8[%add3A_12, %add3A_608], %get3A_635 : memref<64x129xf32, #tpu.memory_space<vmem>>[vector<16xi32>, vector<16xi32>], vector<16xf32>,
        %mul3A_636 = arith.constant 8 : i32
        %mul3A_637 = arith.muli %scan3A_601, %mul3A_636 : i32
        %add3A_638 = arith.constant 1 : i32
        %add3A_639 = arith.addi %mul3A_637, %add3A_638 : i32
        %broadcast_in_dim3A_640 = arith.constant 0 : i32
        %broadcast_in_dim3A_641 = vector.broadcast %broadcast_in_dim3A_640 : i32 to vector<16xi32>
        %add3A_642 = vector.broadcast %add3A_639 : i32 to vector<16xi32>
        %add3A_643 = arith.addi %broadcast_in_dim3A_641, %add3A_642 : vector<16xi32>
        %get3A_644 = arith.constant 0 : i32
        %get3A_645 = arith.constant 0 : i32
        %get3A_646 = tpu.memref_slice %arg6[%scan3A_468, %get3A_644, %get3A_645] : memref<2x128x128xf32, #tpu.memory_space<vmem>> -> memref<1x128x128xf32, #tpu.memory_space<vmem>>
        %get3A_647 = tpu.memref_squeeze %get3A_646 : memref<1x128x128xf32, #tpu.memory_space<vmem>> -> memref<128x128xf32, #tpu.memory_space<vmem>>
        %get3A_648 = arith.index_cast %add3A_639 : i32 to index
        %get3A_649 = arith.constant 0 : index
        %get3A_650 = tpu.vector_load %get3A_647[%get3A_648, %get3A_649] {strides = array<i32>} : memref<128x128xf32, #tpu.memory_space<vmem>>, vector<16xf32>,
        tpu.vector_store_idx %arg8[%add3A_3, %add3A_643], %get3A_650 : memref<64x129xf32, #tpu.memory_space<vmem>>[vector<16xi32>, vector<16xi32>], vector<16xf32>,
        %get3A_651 = arith.constant 0 : i32
        %get3A_652 = arith.constant 0 : i32
        %get3A_653 = tpu.memref_slice %arg6[%scan3A_468, %get3A_651, %get3A_652] : memref<2x128x128xf32, #tpu.memory_space<vmem>> -> memref<1x128x128xf32, #tpu.memory_space<vmem>>
        %get3A_654 = tpu.memref_squeeze %get3A_653 : memref<1x128x128xf32, #tpu.memory_space<vmem>> -> memref<128x128xf32, #tpu.memory_space<vmem>>
        %get3A_655 = arith.index_cast %add3A_639 : i32 to index
        %get3A_656 = arith.constant 16 : index
        %get3A_657 = tpu.vector_load %get3A_654[%get3A_655, %get3A_656] {strides = array<i32>} : memref<128x128xf32, #tpu.memory_space<vmem>>, vector<16xf32>,
        tpu.vector_store_idx %arg8[%add3A_6, %add3A_643], %get3A_657 : memref<64x129xf32, #tpu.memory_space<vmem>>[vector<16xi32>, vector<16xi32>], vector<16xf32>,
        %get3A_658 = arith.constant 0 : i32
        %get3A_659 = arith.constant 0 : i32
        %get3A_660 = tpu.memref_slice %arg6[%scan3A_468, %get3A_658, %get3A_659] : memref<2x128x128xf32, #tpu.memory_space<vmem>> -> memref<1x128x128xf32, #tpu.memory_space<vmem>>
        %get3A_661 = tpu.memref_squeeze %get3A_660 : memref<1x128x128xf32, #tpu.memory_space<vmem>> -> memref<128x128xf32, #tpu.memory_space<vmem>>
        %get3A_662 = arith.index_cast %add3A_639 : i32 to index
        %get3A_663 = arith.constant 32 : index
        %get3A_664 = tpu.vector_load %get3A_661[%get3A_662, %get3A_663] {strides = array<i32>} : memref<128x128xf32, #tpu.memory_space<vmem>>, vector<16xf32>,
        tpu.vector_store_idx %arg8[%add3A_9, %add3A_643], %get3A_664 : memref<64x129xf32, #tpu.memory_space<vmem>>[vector<16xi32>, vector<16xi32>], vector<16xf32>,
        %get3A_665 = arith.constant 0 : i32
        %get3A_666 = arith.constant 0 : i32
        %get3A_667 = tpu.memref_slice %arg6[%scan3A_468, %get3A_665, %get3A_666] : memref<2x128x128xf32, #tpu.memory_space<vmem>> -> memref<1x128x128xf32, #tpu.memory_space<vmem>>
        %get3A_668 = tpu.memref_squeeze %get3A_667 : memref<1x128x128xf32, #tpu.memory_space<vmem>> -> memref<128x128xf32, #tpu.memory_space<vmem>>
        %get3A_669 = arith.index_cast %add3A_639 : i32 to index
        %get3A_670 = arith.constant 48 : index
        %get3A_671 = tpu.vector_load %get3A_668[%get3A_669, %get3A_670] {strides = array<i32>} : memref<128x128xf32, #tpu.memory_space<vmem>>, vector<16xf32>,
        tpu.vector_store_idx %arg8[%add3A_12, %add3A_643], %get3A_671 : memref<64x129xf32, #tpu.memory_space<vmem>>[vector<16xi32>, vector<16xi32>], vector<16xf32>,
        %mul3A_672 = arith.constant 8 : i32
        %mul3A_673 = arith.muli %scan3A_601, %mul3A_672 : i32
        %add3A_674 = arith.constant 2 : i32
        %add3A_675 = arith.addi %mul3A_673, %add3A_674 : i32
        %broadcast_in_dim3A_676 = arith.constant 0 : i32
        %broadcast_in_dim3A_677 = vector.broadcast %broadcast_in_dim3A_676 : i32 to vector<16xi32>
        %add3A_678 = vector.broadcast %add3A_675 : i32 to vector<16xi32>
        %add3A_679 = arith.addi %broadcast_in_dim3A_677, %add3A_678 : vector<16xi32>
        %get3A_680 = arith.constant 0 : i32
        %get3A_681 = arith.constant 0 : i32
        %get3A_682 = tpu.memref_slice %arg6[%scan3A_468, %get3A_680, %get3A_681] : memref<2x128x128xf32, #tpu.memory_space<vmem>> -> memref<1x128x128xf32, #tpu.memory_space<vmem>>
        %get3A_683 = tpu.memref_squeeze %get3A_682 : memref<1x128x128xf32, #tpu.memory_space<vmem>> -> memref<128x128xf32, #tpu.memory_space<vmem>>
        %get3A_684 = arith.index_cast %add3A_675 : i32 to index
        %get3A_685 = arith.constant 0 : index
        %get3A_686 = tpu.vector_load %get3A_683[%get3A_684, %get3A_685] {strides = array<i32>} : memref<128x128xf32, #tpu.memory_space<vmem>>, vector<16xf32>,
        tpu.vector_store_idx %arg8[%add3A_3, %add3A_679], %get3A_686 : memref<64x129xf32, #tpu.memory_space<vmem>>[vector<16xi32>, vector<16xi32>], vector<16xf32>,
        %get3A_687 = arith.constant 0 : i32
        %get3A_688 = arith.constant 0 : i32
        %get3A_689 = tpu.memref_slice %arg6[%scan3A_468, %get3A_687, %get3A_688] : memref<2x128x128xf32, #tpu.memory_space<vmem>> -> memref<1x128x128xf32, #tpu.memory_space<vmem>>
        %get3A_690 = tpu.memref_squeeze %get3A_689 : memref<1x128x128xf32, #tpu.memory_space<vmem>> -> memref<128x128xf32, #tpu.memory_space<vmem>>
        %get3A_691 = arith.index_cast %add3A_675 : i32 to index
        %get3A_692 = arith.constant 16 : index
        %get3A_693 = tpu.vector_load %get3A_690[%get3A_691, %get3A_692] {strides = array<i32>} : memref<128x128xf32, #tpu.memory_space<vmem>>, vector<16xf32>,
        tpu.vector_store_idx %arg8[%add3A_6, %add3A_679], %get3A_693 : memref<64x129xf32, #tpu.memory_space<vmem>>[vector<16xi32>, vector<16xi32>], vector<16xf32>,
        %get3A_694 = arith.constant 0 : i32
        %get3A_695 = arith.constant 0 : i32
        %get3A_696 = tpu.memref_slice %arg6[%scan3A_468, %get3A_694, %get3A_695] : memref<2x128x128xf32, #tpu.memory_space<vmem>> -> memref<1x128x128xf32, #tpu.memory_space<vmem>>
        %get3A_697 = tpu.memref_squeeze %get3A_696 : memref<1x128x128xf32, #tpu.memory_space<vmem>> -> memref<128x128xf32, #tpu.memory_space<vmem>>
        %get3A_698 = arith.index_cast %add3A_675 : i32 to index
        %get3A_699 = arith.constant 32 : index
        %get3A_700 = tpu.vector_load %get3A_697[%get3A_698, %get3A_699] {strides = array<i32>} : memref<128x128xf32, #tpu.memory_space<vmem>>, vector<16xf32>,
        tpu.vector_store_idx %arg8[%add3A_9, %add3A_679], %get3A_700 : memref<64x129xf32, #tpu.memory_space<vmem>>[vector<16xi32>, vector<16xi32>], vector<16xf32>,
        %get3A_701 = arith.constant 0 : i32
        %get3A_702 = arith.constant 0 : i32
        %get3A_703 = tpu.memref_slice %arg6[%scan3A_468, %get3A_701, %get3A_702] : memref<2x128x128xf32, #tpu.memory_space<vmem>> -> memref<1x128x128xf32, #tpu.memory_space<vmem>>
        %get3A_704 = tpu.memref_squeeze %get3A_703 : memref<1x128x128xf32, #tpu.memory_space<vmem>> -> memref<128x128xf32, #tpu.memory_space<vmem>>
        %get3A_705 = arith.index_cast %add3A_675 : i32 to index
        %get3A_706 = arith.constant 48 : index
        %get3A_707 = tpu.vector_load %get3A_704[%get3A_705, %get3A_706] {strides = array<i32>} : memref<128x128xf32, #tpu.memory_space<vmem>>, vector<16xf32>,
        tpu.vector_store_idx %arg8[%add3A_12, %add3A_679], %get3A_707 : memref<64x129xf32, #tpu.memory_space<vmem>>[vector<16xi32>, vector<16xi32>], vector<16xf32>,
        %mul3A_708 = arith.constant 8 : i32
        %mul3A_709 = arith.muli %scan3A_601, %mul3A_708 : i32
        %add3A_710 = arith.constant 3 : i32
        %add3A_711 = arith.addi %mul3A_709, %add3A_710 : i32
        %broadcast_in_dim3A_712 = arith.constant 0 : i32
        %broadcast_in_dim3A_713 = vector.broadcast %broadcast_in_dim3A_712 : i32 to vector<16xi32>
        %add3A_714 = vector.broadcast %add3A_711 : i32 to vector<16xi32>
        %add3A_715 = arith.addi %broadcast_in_dim3A_713, %add3A_714 : vector<16xi32>
        %get3A_716 = arith.constant 0 : i32
        %get3A_717 = arith.constant 0 : i32
        %get3A_718 = tpu.memref_slice %arg6[%scan3A_468, %get3A_716, %get3A_717] : memref<2x128x128xf32, #tpu.memory_space<vmem>> -> memref<1x128x128xf32, #tpu.memory_space<vmem>>
        %get3A_719 = tpu.memref_squeeze %get3A_718 : memref<1x128x128xf32, #tpu.memory_space<vmem>> -> memref<128x128xf32, #tpu.memory_space<vmem>>
        %get3A_720 = arith.index_cast %add3A_711 : i32 to index
        %get3A_721 = arith.constant 0 : index
        %get3A_722 = tpu.vector_load %get3A_719[%get3A_720, %get3A_721] {strides = array<i32>} : memref<128x128xf32, #tpu.memory_space<vmem>>, vector<16xf32>,
        tpu.vector_store_idx %arg8[%add3A_3, %add3A_715], %get3A_722 : memref<64x129xf32, #tpu.memory_space<vmem>>[vector<16xi32>, vector<16xi32>], vector<16xf32>,
        %get3A_723 = arith.constant 0 : i32
        %get3A_724 = arith.constant 0 : i32
        %get3A_725 = tpu.memref_slice %arg6[%scan3A_468, %get3A_723, %get3A_724] : memref<2x128x128xf32, #tpu.memory_space<vmem>> -> memref<1x128x128xf32, #tpu.memory_space<vmem>>
        %get3A_726 = tpu.memref_squeeze %get3A_725 : memref<1x128x128xf32, #tpu.memory_space<vmem>> -> memref<128x128xf32, #tpu.memory_space<vmem>>
        %get3A_727 = arith.index_cast %add3A_711 : i32 to index
        %get3A_728 = arith.constant 16 : index
        %get3A_729 = tpu.vector_load %get3A_726[%get3A_727, %get3A_728] {strides = array<i32>} : memref<128x128xf32, #tpu.memory_space<vmem>>, vector<16xf32>,
        tpu.vector_store_idx %arg8[%add3A_6, %add3A_715], %get3A_729 : memref<64x129xf32, #tpu.memory_space<vmem>>[vector<16xi32>, vector<16xi32>], vector<16xf32>,
        %get3A_730 = arith.constant 0 : i32
        %get3A_731 = arith.constant 0 : i32
        %get3A_732 = tpu.memref_slice %arg6[%scan3A_468, %get3A_730, %get3A_731] : memref<2x128x128xf32, #tpu.memory_space<vmem>> -> memref<1x128x128xf32, #tpu.memory_space<vmem>>
        %get3A_733 = tpu.memref_squeeze %get3A_732 : memref<1x128x128xf32, #tpu.memory_space<vmem>> -> memref<128x128xf32, #tpu.memory_space<vmem>>
        %get3A_734 = arith.index_cast %add3A_711 : i32 to index
        %get3A_735 = arith.constant 32 : index
        %get3A_736 = tpu.vector_load %get3A_733[%get3A_734, %get3A_735] {strides = array<i32>} : memref<128x128xf32, #tpu.memory_space<vmem>>, vector<16xf32>,
        tpu.vector_store_idx %arg8[%add3A_9, %add3A_715], %get3A_736 : memref<64x129xf32, #tpu.memory_space<vmem>>[vector<16xi32>, vector<16xi32>], vector<16xf32>,
        %get3A_737 = arith.constant 0 : i32
        %get3A_738 = arith.constant 0 : i32
        %get3A_739 = tpu.memref_slice %arg6[%scan3A_468, %get3A_737, %get3A_738] : memref<2x128x128xf32, #tpu.memory_space<vmem>> -> memref<1x128x128xf32, #tpu.memory_space<vmem>>
        %get3A_740 = tpu.memref_squeeze %get3A_739 : memref<1x128x128xf32, #tpu.memory_space<vmem>> -> memref<128x128xf32, #tpu.memory_space<vmem>>
        %get3A_741 = arith.index_cast %add3A_711 : i32 to index
        %get3A_742 = arith.constant 48 : index
        %get3A_743 = tpu.vector_load %get3A_740[%get3A_741, %get3A_742] {strides = array<i32>} : memref<128x128xf32, #tpu.memory_space<vmem>>, vector<16xf32>,
        tpu.vector_store_idx %arg8[%add3A_12, %add3A_715], %get3A_743 : memref<64x129xf32, #tpu.memory_space<vmem>>[vector<16xi32>, vector<16xi32>], vector<16xf32>,
        %mul3A_744 = arith.constant 8 : i32
        %mul3A_745 = arith.muli %scan3A_601, %mul3A_744 : i32
        %add3A_746 = arith.constant 4 : i32
        %add3A_747 = arith.addi %mul3A_745, %add3A_746 : i32
        %broadcast_in_dim3A_748 = arith.constant 0 : i32
        %broadcast_in_dim3A_749 = vector.broadcast %broadcast_in_dim3A_748 : i32 to vector<16xi32>
        %add3A_750 = vector.broadcast %add3A_747 : i32 to vector<16xi32>
        %add3A_751 = arith.addi %broadcast_in_dim3A_749, %add3A_750 : vector<16xi32>
        %get3A_752 = arith.constant 0 : i32
        %get3A_753 = arith.constant 0 : i32
        %get3A_754 = tpu.memref_slice %arg6[%scan3A_468, %get3A_752, %get3A_753] : memref<2x128x128xf32, #tpu.memory_space<vmem>> -> memref<1x128x128xf32, #tpu.memory_space<vmem>>
        %get3A_755 = tpu.memref_squeeze %get3A_754 : memref<1x128x128xf32, #tpu.memory_space<vmem>> -> memref<128x128xf32, #tpu.memory_space<vmem>>
        %get3A_756 = arith.index_cast %add3A_747 : i32 to index
        %get3A_757 = arith.constant 0 : index
        %get3A_758 = tpu.vector_load %get3A_755[%get3A_756, %get3A_757] {strides = array<i32>} : memref<128x128xf32, #tpu.memory_space<vmem>>, vector<16xf32>,
        tpu.vector_store_idx %arg8[%add3A_3, %add3A_751], %get3A_758 : memref<64x129xf32, #tpu.memory_space<vmem>>[vector<16xi32>, vector<16xi32>], vector<16xf32>,
        %get3A_759 = arith.constant 0 : i32
        %get3A_760 = arith.constant 0 : i32
        %get3A_761 = tpu.memref_slice %arg6[%scan3A_468, %get3A_759, %get3A_760] : memref<2x128x128xf32, #tpu.memory_space<vmem>> -> memref<1x128x128xf32, #tpu.memory_space<vmem>>
        %get3A_762 = tpu.memref_squeeze %get3A_761 : memref<1x128x128xf32, #tpu.memory_space<vmem>> -> memref<128x128xf32, #tpu.memory_space<vmem>>
        %get3A_763 = arith.index_cast %add3A_747 : i32 to index
        %get3A_764 = arith.constant 16 : index
        %get3A_765 = tpu.vector_load %get3A_762[%get3A_763, %get3A_764] {strides = array<i32>} : memref<128x128xf32, #tpu.memory_space<vmem>>, vector<16xf32>,
        tpu.vector_store_idx %arg8[%add3A_6, %add3A_751], %get3A_765 : memref<64x129xf32, #tpu.memory_space<vmem>>[vector<16xi32>, vector<16xi32>], vector<16xf32>,
        %get3A_766 = arith.constant 0 : i32
        %get3A_767 = arith.constant 0 : i32
        %get3A_768 = tpu.memref_slice %arg6[%scan3A_468, %get3A_766, %get3A_767] : memref<2x128x128xf32, #tpu.memory_space<vmem>> -> memref<1x128x128xf32, #tpu.memory_space<vmem>>
        %get3A_769 = tpu.memref_squeeze %get3A_768 : memref<1x128x128xf32, #tpu.memory_space<vmem>> -> memref<128x128xf32, #tpu.memory_space<vmem>>
        %get3A_770 = arith.index_cast %add3A_747 : i32 to index
        %get3A_771 = arith.constant 32 : index
        %get3A_772 = tpu.vector_load %get3A_769[%get3A_770, %get3A_771] {strides = array<i32>} : memref<128x128xf32, #tpu.memory_space<vmem>>, vector<16xf32>,
        tpu.vector_store_idx %arg8[%add3A_9, %add3A_751], %get3A_772 : memref<64x129xf32, #tpu.memory_space<vmem>>[vector<16xi32>, vector<16xi32>], vector<16xf32>,
        %get3A_773 = arith.constant 0 : i32
        %get3A_774 = arith.constant 0 : i32
        %get3A_775 = tpu.memref_slice %arg6[%scan3A_468, %get3A_773, %get3A_774] : memref<2x128x128xf32, #tpu.memory_space<vmem>> -> memref<1x128x128xf32, #tpu.memory_space<vmem>>
        %get3A_776 = tpu.memref_squeeze %get3A_775 : memref<1x128x128xf32, #tpu.memory_space<vmem>> -> memref<128x128xf32, #tpu.memory_space<vmem>>
        %get3A_777 = arith.index_cast %add3A_747 : i32 to index
        %get3A_778 = arith.constant 48 : index
        %get3A_779 = tpu.vector_load %get3A_776[%get3A_777, %get3A_778] {strides = array<i32>} : memref<128x128xf32, #tpu.memory_space<vmem>>, vector<16xf32>,
        tpu.vector_store_idx %arg8[%add3A_12, %add3A_751], %get3A_779 : memref<64x129xf32, #tpu.memory_space<vmem>>[vector<16xi32>, vector<16xi32>], vector<16xf32>,
        %mul3A_780 = arith.constant 8 : i32
        %mul3A_781 = arith.muli %scan3A_601, %mul3A_780 : i32
        %add3A_782 = arith.constant 5 : i32
        %add3A_783 = arith.addi %mul3A_781, %add3A_782 : i32
        %broadcast_in_dim3A_784 = arith.constant 0 : i32
        %broadcast_in_dim3A_785 = vector.broadcast %broadcast_in_dim3A_784 : i32 to vector<16xi32>
        %add3A_786 = vector.broadcast %add3A_783 : i32 to vector<16xi32>
        %add3A_787 = arith.addi %broadcast_in_dim3A_785, %add3A_786 : vector<16xi32>
        %get3A_788 = arith.constant 0 : i32
        %get3A_789 = arith.constant 0 : i32
        %get3A_790 = tpu.memref_slice %arg6[%scan3A_468, %get3A_788, %get3A_789] : memref<2x128x128xf32, #tpu.memory_space<vmem>> -> memref<1x128x128xf32, #tpu.memory_space<vmem>>
        %get3A_791 = tpu.memref_squeeze %get3A_790 : memref<1x128x128xf32, #tpu.memory_space<vmem>> -> memref<128x128xf32, #tpu.memory_space<vmem>>
        %get3A_792 = arith.index_cast %add3A_783 : i32 to index
        %get3A_793 = arith.constant 0 : index
        %get3A_794 = tpu.vector_load %get3A_791[%get3A_792, %get3A_793] {strides = array<i32>} : memref<128x128xf32, #tpu.memory_space<vmem>>, vector<16xf32>,
        tpu.vector_store_idx %arg8[%add3A_3, %add3A_787], %get3A_794 : memref<64x129xf32, #tpu.memory_space<vmem>>[vector<16xi32>, vector<16xi32>], vector<16xf32>,
        %get3A_795 = arith.constant 0 : i32
        %get3A_796 = arith.constant 0 : i32
        %get3A_797 = tpu.memref_slice %arg6[%scan3A_468, %get3A_795, %get3A_796] : memref<2x128x128xf32, #tpu.memory_space<vmem>> -> memref<1x128x128xf32, #tpu.memory_space<vmem>>
        %get3A_798 = tpu.memref_squeeze %get3A_797 : memref<1x128x128xf32, #tpu.memory_space<vmem>> -> memref<128x128xf32, #tpu.memory_space<vmem>>
        %get3A_799 = arith.index_cast %add3A_783 : i32 to index
        %get3A_800 = arith.constant 16 : index
        %get3A_801 = tpu.vector_load %get3A_798[%get3A_799, %get3A_800] {strides = array<i32>} : memref<128x128xf32, #tpu.memory_space<vmem>>, vector<16xf32>,
        tpu.vector_store_idx %arg8[%add3A_6, %add3A_787], %get3A_801 : memref<64x129xf32, #tpu.memory_space<vmem>>[vector<16xi32>, vector<16xi32>], vector<16xf32>,
        %get3A_802 = arith.constant 0 : i32
        %get3A_803 = arith.constant 0 : i32
        %get3A_804 = tpu.memref_slice %arg6[%scan3A_468, %get3A_802, %get3A_803] : memref<2x128x128xf32, #tpu.memory_space<vmem>> -> memref<1x128x128xf32, #tpu.memory_space<vmem>>
        %get3A_805 = tpu.memref_squeeze %get3A_804 : memref<1x128x128xf32, #tpu.memory_space<vmem>> -> memref<128x128xf32, #tpu.memory_space<vmem>>
        %get3A_806 = arith.index_cast %add3A_783 : i32 to index
        %get3A_807 = arith.constant 32 : index
        %get3A_808 = tpu.vector_load %get3A_805[%get3A_806, %get3A_807] {strides = array<i32>} : memref<128x128xf32, #tpu.memory_space<vmem>>, vector<16xf32>,
        tpu.vector_store_idx %arg8[%add3A_9, %add3A_787], %get3A_808 : memref<64x129xf32, #tpu.memory_space<vmem>>[vector<16xi32>, vector<16xi32>], vector<16xf32>,
        %get3A_809 = arith.constant 0 : i32
        %get3A_810 = arith.constant 0 : i32
        %get3A_811 = tpu.memref_slice %arg6[%scan3A_468, %get3A_809, %get3A_810] : memref<2x128x128xf32, #tpu.memory_space<vmem>> -> memref<1x128x128xf32, #tpu.memory_space<vmem>>
        %get3A_812 = tpu.memref_squeeze %get3A_811 : memref<1x128x128xf32, #tpu.memory_space<vmem>> -> memref<128x128xf32, #tpu.memory_space<vmem>>
        %get3A_813 = arith.index_cast %add3A_783 : i32 to index
        %get3A_814 = arith.constant 48 : index
        %get3A_815 = tpu.vector_load %get3A_812[%get3A_813, %get3A_814] {strides = array<i32>} : memref<128x128xf32, #tpu.memory_space<vmem>>, vector<16xf32>,
        tpu.vector_store_idx %arg8[%add3A_12, %add3A_787], %get3A_815 : memref<64x129xf32, #tpu.memory_space<vmem>>[vector<16xi32>, vector<16xi32>], vector<16xf32>,
        %mul3A_816 = arith.constant 8 : i32
        %mul3A_817 = arith.muli %scan3A_601, %mul3A_816 : i32
        %add3A_818 = arith.constant 6 : i32
        %add3A_819 = arith.addi %mul3A_817, %add3A_818 : i32
        %broadcast_in_dim3A_820 = arith.constant 0 : i32
        %broadcast_in_dim3A_821 = vector.broadcast %broadcast_in_dim3A_820 : i32 to vector<16xi32>
        %add3A_822 = vector.broadcast %add3A_819 : i32 to vector<16xi32>
        %add3A_823 = arith.addi %broadcast_in_dim3A_821, %add3A_822 : vector<16xi32>
        %get3A_824 = arith.constant 0 : i32
        %get3A_825 = arith.constant 0 : i32
        %get3A_826 = tpu.memref_slice %arg6[%scan3A_468, %get3A_824, %get3A_825] : memref<2x128x128xf32, #tpu.memory_space<vmem>> -> memref<1x128x128xf32, #tpu.memory_space<vmem>>
        %get3A_827 = tpu.memref_squeeze %get3A_826 : memref<1x128x128xf32, #tpu.memory_space<vmem>> -> memref<128x128xf32, #tpu.memory_space<vmem>>
        %get3A_828 = arith.index_cast %add3A_819 : i32 to index
        %get3A_829 = arith.constant 0 : index
        %get3A_830 = tpu.vector_load %get3A_827[%get3A_828, %get3A_829] {strides = array<i32>} : memref<128x128xf32, #tpu.memory_space<vmem>>, vector<16xf32>,
        tpu.vector_store_idx %arg8[%add3A_3, %add3A_823], %get3A_830 : memref<64x129xf32, #tpu.memory_space<vmem>>[vector<16xi32>, vector<16xi32>], vector<16xf32>,
        %get3A_831 = arith.constant 0 : i32
        %get3A_832 = arith.constant 0 : i32
        %get3A_833 = tpu.memref_slice %arg6[%scan3A_468, %get3A_831, %get3A_832] : memref<2x128x128xf32, #tpu.memory_space<vmem>> -> memref<1x128x128xf32, #tpu.memory_space<vmem>>
        %get3A_834 = tpu.memref_squeeze %get3A_833 : memref<1x128x128xf32, #tpu.memory_space<vmem>> -> memref<128x128xf32, #tpu.memory_space<vmem>>
        %get3A_835 = arith.index_cast %add3A_819 : i32 to index
        %get3A_836 = arith.constant 16 : index
        %get3A_837 = tpu.vector_load %get3A_834[%get3A_835, %get3A_836] {strides = array<i32>} : memref<128x128xf32, #tpu.memory_space<vmem>>, vector<16xf32>,
        tpu.vector_store_idx %arg8[%add3A_6, %add3A_823], %get3A_837 : memref<64x129xf32, #tpu.memory_space<vmem>>[vector<16xi32>, vector<16xi32>], vector<16xf32>,
        %get3A_838 = arith.constant 0 : i32
        %get3A_839 = arith.constant 0 : i32
        %get3A_840 = tpu.memref_slice %arg6[%scan3A_468, %get3A_838, %get3A_839] : memref<2x128x128xf32, #tpu.memory_space<vmem>> -> memref<1x128x128xf32, #tpu.memory_space<vmem>>
        %get3A_841 = tpu.memref_squeeze %get3A_840 : memref<1x128x128xf32, #tpu.memory_space<vmem>> -> memref<128x128xf32, #tpu.memory_space<vmem>>
        %get3A_842 = arith.index_cast %add3A_819 : i32 to index
        %get3A_843 = arith.constant 32 : index
        %get3A_844 = tpu.vector_load %get3A_841[%get3A_842, %get3A_843] {strides = array<i32>} : memref<128x128xf32, #tpu.memory_space<vmem>>, vector<16xf32>,
        tpu.vector_store_idx %arg8[%add3A_9, %add3A_823], %get3A_844 : memref<64x129xf32, #tpu.memory_space<vmem>>[vector<16xi32>, vector<16xi32>], vector<16xf32>,
        %get3A_845 = arith.constant 0 : i32
        %get3A_846 = arith.constant 0 : i32
        %get3A_847 = tpu.memref_slice %arg6[%scan3A_468, %get3A_845, %get3A_846] : memref<2x128x128xf32, #tpu.memory_space<vmem>> -> memref<1x128x128xf32, #tpu.memory_space<vmem>>
        %get3A_848 = tpu.memref_squeeze %get3A_847 : memref<1x128x128xf32, #tpu.memory_space<vmem>> -> memref<128x128xf32, #tpu.memory_space<vmem>>
        %get3A_849 = arith.index_cast %add3A_819 : i32 to index
        %get3A_850 = arith.constant 48 : index
        %get3A_851 = tpu.vector_load %get3A_848[%get3A_849, %get3A_850] {strides = array<i32>} : memref<128x128xf32, #tpu.memory_space<vmem>>, vector<16xf32>,
        tpu.vector_store_idx %arg8[%add3A_12, %add3A_823], %get3A_851 : memref<64x129xf32, #tpu.memory_space<vmem>>[vector<16xi32>, vector<16xi32>], vector<16xf32>,
        %mul3A_852 = arith.constant 8 : i32
        %mul3A_853 = arith.muli %scan3A_601, %mul3A_852 : i32
        %add3A_854 = arith.constant 7 : i32
        %add3A_855 = arith.addi %mul3A_853, %add3A_854 : i32
        %broadcast_in_dim3A_856 = arith.constant 0 : i32
        %broadcast_in_dim3A_857 = vector.broadcast %broadcast_in_dim3A_856 : i32 to vector<16xi32>
        %add3A_858 = vector.broadcast %add3A_855 : i32 to vector<16xi32>
        %add3A_859 = arith.addi %broadcast_in_dim3A_857, %add3A_858 : vector<16xi32>
        %get3A_860 = arith.constant 0 : i32
        %get3A_861 = arith.constant 0 : i32
        %get3A_862 = tpu.memref_slice %arg6[%scan3A_468, %get3A_860, %get3A_861] : memref<2x128x128xf32, #tpu.memory_space<vmem>> -> memref<1x128x128xf32, #tpu.memory_space<vmem>>
        %get3A_863 = tpu.memref_squeeze %get3A_862 : memref<1x128x128xf32, #tpu.memory_space<vmem>> -> memref<128x128xf32, #tpu.memory_space<vmem>>
        %get3A_864 = arith.index_cast %add3A_855 : i32 to index
        %get3A_865 = arith.constant 0 : index
        %get3A_866 = tpu.vector_load %get3A_863[%get3A_864, %get3A_865] {strides = array<i32>} : memref<128x128xf32, #tpu.memory_space<vmem>>, vector<16xf32>,
        tpu.vector_store_idx %arg8[%add3A_3, %add3A_859], %get3A_866 : memref<64x129xf32, #tpu.memory_space<vmem>>[vector<16xi32>, vector<16xi32>], vector<16xf32>,
        %get3A_867 = arith.constant 0 : i32
        %get3A_868 = arith.constant 0 : i32
        %get3A_869 = tpu.memref_slice %arg6[%scan3A_468, %get3A_867, %get3A_868] : memref<2x128x128xf32, #tpu.memory_space<vmem>> -> memref<1x128x128xf32, #tpu.memory_space<vmem>>
        %get3A_870 = tpu.memref_squeeze %get3A_869 : memref<1x128x128xf32, #tpu.memory_space<vmem>> -> memref<128x128xf32, #tpu.memory_space<vmem>>
        %get3A_871 = arith.index_cast %add3A_855 : i32 to index
        %get3A_872 = arith.constant 16 : index
        %get3A_873 = tpu.vector_load %get3A_870[%get3A_871, %get3A_872] {strides = array<i32>} : memref<128x128xf32, #tpu.memory_space<vmem>>, vector<16xf32>,
        tpu.vector_store_idx %arg8[%add3A_6, %add3A_859], %get3A_873 : memref<64x129xf32, #tpu.memory_space<vmem>>[vector<16xi32>, vector<16xi32>], vector<16xf32>,
        %get3A_874 = arith.constant 0 : i32
        %get3A_875 = arith.constant 0 : i32
        %get3A_876 = tpu.memref_slice %arg6[%scan3A_468, %get3A_874, %get3A_875] : memref<2x128x128xf32, #tpu.memory_space<vmem>> -> memref<1x128x128xf32, #tpu.memory_space<vmem>>
        %get3A_877 = tpu.memref_squeeze %get3A_876 : memref<1x128x128xf32, #tpu.memory_space<vmem>> -> memref<128x128xf32, #tpu.memory_space<vmem>>
        %get3A_878 = arith.index_cast %add3A_855 : i32 to index
        %get3A_879 = arith.constant 32 : index
        %get3A_880 = tpu.vector_load %get3A_877[%get3A_878, %get3A_879] {strides = array<i32>} : memref<128x128xf32, #tpu.memory_space<vmem>>, vector<16xf32>,
        tpu.vector_store_idx %arg8[%add3A_9, %add3A_859], %get3A_880 : memref<64x129xf32, #tpu.memory_space<vmem>>[vector<16xi32>, vector<16xi32>], vector<16xf32>,
        %get3A_881 = arith.constant 0 : i32
        %get3A_882 = arith.constant 0 : i32
        %get3A_883 = tpu.memref_slice %arg6[%scan3A_468, %get3A_881, %get3A_882] : memref<2x128x128xf32, #tpu.memory_space<vmem>> -> memref<1x128x128xf32, #tpu.memory_space<vmem>>
        %get3A_884 = tpu.memref_squeeze %get3A_883 : memref<1x128x128xf32, #tpu.memory_space<vmem>> -> memref<128x128xf32, #tpu.memory_space<vmem>>
        %get3A_885 = arith.index_cast %add3A_855 : i32 to index
        %get3A_886 = arith.constant 48 : index
        %get3A_887 = tpu.vector_load %get3A_884[%get3A_885, %get3A_886] {strides = array<i32>} : memref<128x128xf32, #tpu.memory_space<vmem>>, vector<16xf32>,
        tpu.vector_store_idx %arg8[%add3A_12, %add3A_859], %get3A_887 : memref<64x129xf32, #tpu.memory_space<vmem>>[vector<16xi32>, vector<16xi32>], vector<16xf32>,
      }
      %scan3A_473 = arith.constant 16 : i32
      %add3A_474 = arith.constant 2 : i32
      %add3A_475 = arith.addi %add3A_450, %add3A_474 : i32
      %lt3A_476 = arith.constant 200 : i32
      %lt3A_477 = arith.cmpi slt, %add3A_475, %lt3A_476 : i32
      %convert_element_type3A_478 = arith.extui %lt3A_477 : i1 to i32
      %cond3A_479 = arith.constant 0 : i32
      %cond3A_480 = arith.cmpi ne, %convert_element_type3A_478, %cond3A_479 : i32
      scf.if %cond3A_480 {
        %add3A_601 = arith.constant 2 : i32
        %add3A_602 = arith.addi %add3A_450, %add3A_601 : i32
        %dma_start3A_603 = arith.constant 1 : i32
        %dma_start3A_604 = arith.constant 0 : i32
        %dma_start3A_605 = arith.constant 0 : i32
        %dma_start3A_606 = tpu.memref_slice %arg6[%dma_start3A_603, %dma_start3A_604, %dma_start3A_605] : memref<2x128x128xf32, #tpu.memory_space<vmem>> -> memref<1x128x128xf32, #tpu.memory_space<vmem>>
        %dma_start3A_607 = tpu.memref_squeeze %dma_start3A_606 : memref<1x128x128xf32, #tpu.memory_space<vmem>> -> memref<128x128xf32, #tpu.memory_space<vmem>>
        %dma_start3A_608 = arith.constant 0 : i32
        %dma_start3A_609 = tpu.memref_slice %arg5[%add3A_602, %dma_start3A_608] : memref<200x128xi32, #tpu.memory_space<vmem>> -> memref<1x128xi32, #tpu.memory_space<vmem>>
        %dma_start3A_610 = tpu.memref_squeeze %dma_start3A_609 : memref<1x128xi32, #tpu.memory_space<vmem>> -> memref<128xi32, #tpu.memory_space<vmem>>
        %dma_start3A_611 = arith.constant 0 : i32
        %dma_start3A_612 = arith.constant 0 : i32
        %dma_start3A_613 = tpu.memref_slice %arg3[%dma_start3A_611, %dma_start3A_612] : memref<1000000x128xf32, #tpu.memory_space<hbm>> -> memref<1000000x128xf32, #tpu.memory_space<hbm>>
        tpu.enqueue_indirect_dma source(%dma_start3A_613 : memref<1000000x128xf32, #tpu.memory_space<hbm>>) target(%dma_start3A_607 : memref<128x128xf32, #tpu.memory_space<vmem>>) offsets(%dma_start3A_610 : memref<128xi32, #tpu.memory_space<vmem>>) semaphore(%arg10 : memref<!tpu.dma_semaphore, #tpu.memory_space<semaphore_mem>>)
      } else {
      }
      %dma_start3A_481 = arith.constant 0 : i32
      %dma_start3A_482 = arith.constant 0 : i32
      %dma_start3A_483 = arith.constant 0 : i32
      %dma_start3A_484 = tpu.memref_slice %arg8[%dma_start3A_482, %dma_start3A_483] : memref<64x129xf32, #tpu.memory_space<vmem>> -> memref<8x128xf32, #tpu.memory_space<vmem>>
      %dma_start3A_485 = arith.constant 0 : i32
      %dma_start3A_486 = arith.constant 0 : i32
      %dma_start3A_487 = tpu.memref_slice %arg4[%add3A_450, %dma_start3A_481, %add3A, %dma_start3A_485, %dma_start3A_486] : memref<200x8x32x8x128xf32, #tpu.memory_space<hbm>> -> memref<1x1x1x8x128xf32, #tpu.memory_space<hbm>>
      %dma_start3A_488 = tpu.memref_squeeze %dma_start3A_487 : memref<1x1x1x8x128xf32, #tpu.memory_space<hbm>> -> memref<8x128xf32, #tpu.memory_space<hbm>>
      %dma_start3A_489 = arith.constant 0 : i32
      %dma_start3A_490 = arith.constant 0 : i32
      %dma_start3A_491 = tpu.memref_slice %arg4[%add3A_450, %dma_start3A_481, %add3A, %dma_start3A_489, %dma_start3A_490] : memref<200x8x32x8x128xf32, #tpu.memory_space<hbm>> -> memref<1x1x1x8x128xf32, #tpu.memory_space<hbm>>
      %dma_start3A_492 = tpu.memref_squeeze %dma_start3A_491 : memref<1x1x1x8x128xf32, #tpu.memory_space<hbm>> -> memref<8x128xf32, #tpu.memory_space<hbm>>
      %dma_start3A_493 = arith.constant 0 : i32
      %dma_start3A_494 = arith.constant 0 : i32
      %dma_start3A_495 = tpu.memref_slice %arg8[%dma_start3A_493, %dma_start3A_494] : memref<64x129xf32, #tpu.memory_space<vmem>> -> memref<8x128xf32, #tpu.memory_space<vmem>>
      tpu.enqueue_dma source(%dma_start3A_495 : memref<8x128xf32, #tpu.memory_space<vmem>>) target(%dma_start3A_492 : memref<8x128xf32, #tpu.memory_space<hbm>>) target_semaphore(%arg12 : memref<!tpu.dma_semaphore, #tpu.memory_space<semaphore_mem>>)
      %dma_start3A_496 = arith.constant 1 : i32
      %dma_start3A_497 = arith.constant 8 : i32
      %dma_start3A_498 = arith.constant 0 : i32
      %dma_start3A_499 = tpu.memref_slice %arg8[%dma_start3A_497, %dma_start3A_498] : memref<64x129xf32, #tpu.memory_space<vmem>> -> memref<8x128xf32, #tpu.memory_space<vmem>>
      %dma_start3A_500 = arith.constant 0 : i32
      %dma_start3A_501 = arith.constant 0 : i32
      %dma_start3A_502 = tpu.memref_slice %arg4[%add3A_450, %dma_start3A_496, %add3A, %dma_start3A_500, %dma_start3A_501] : memref<200x8x32x8x128xf32, #tpu.memory_space<hbm>> -> memref<1x1x1x8x128xf32, #tpu.memory_space<hbm>>
      %dma_start3A_503 = tpu.memref_squeeze %dma_start3A_502 : memref<1x1x1x8x128xf32, #tpu.memory_space<hbm>> -> memref<8x128xf32, #tpu.memory_space<hbm>>
      %dma_start3A_504 = arith.constant 0 : i32
      %dma_start3A_505 = arith.constant 0 : i32
      %dma_start3A_506 = tpu.memref_slice %arg4[%add3A_450, %dma_start3A_496, %add3A, %dma_start3A_504, %dma_start3A_505] : memref<200x8x32x8x128xf32, #tpu.memory_space<hbm>> -> memref<1x1x1x8x128xf32, #tpu.memory_space<hbm>>
      %dma_start3A_507 = tpu.memref_squeeze %dma_start3A_506 : memref<1x1x1x8x128xf32, #tpu.memory_space<hbm>> -> memref<8x128xf32, #tpu.memory_space<hbm>>
      %dma_start3A_508 = arith.constant 8 : i32
      %dma_start3A_509 = arith.constant 0 : i32
      %dma_start3A_510 = tpu.memref_slice %arg8[%dma_start3A_508, %dma_start3A_509] : memref<64x129xf32, #tpu.memory_space<vmem>> -> memref<8x128xf32, #tpu.memory_space<vmem>>
      tpu.enqueue_dma source(%dma_start3A_510 : memref<8x128xf32, #tpu.memory_space<vmem>>) target(%dma_start3A_507 : memref<8x128xf32, #tpu.memory_space<hbm>>) target_semaphore(%arg12 : memref<!tpu.dma_semaphore, #tpu.memory_space<semaphore_mem>>)
      %dma_start3A_511 = arith.constant 2 : i32
      %dma_start3A_512 = arith.constant 16 : i32
      %dma_start3A_513 = arith.constant 0 : i32
      %dma_start3A_514 = tpu.memref_slice %arg8[%dma_start3A_512, %dma_start3A_513] : memref<64x129xf32, #tpu.memory_space<vmem>> -> memref<8x128xf32, #tpu.memory_space<vmem>>
      %dma_start3A_515 = arith.constant 0 : i32
      %dma_start3A_516 = arith.constant 0 : i32
      %dma_start3A_517 = tpu.memref_slice %arg4[%add3A_450, %dma_start3A_511, %add3A, %dma_start3A_515, %dma_start3A_516] : memref<200x8x32x8x128xf32, #tpu.memory_space<hbm>> -> memref<1x1x1x8x128xf32, #tpu.memory_space<hbm>>
      %dma_start3A_518 = tpu.memref_squeeze %dma_start3A_517 : memref<1x1x1x8x128xf32, #tpu.memory_space<hbm>> -> memref<8x128xf32, #tpu.memory_space<hbm>>
      %dma_start3A_519 = arith.constant 0 : i32
      %dma_start3A_520 = arith.constant 0 : i32
      %dma_start3A_521 = tpu.memref_slice %arg4[%add3A_450, %dma_start3A_511, %add3A, %dma_start3A_519, %dma_start3A_520] : memref<200x8x32x8x128xf32, #tpu.memory_space<hbm>> -> memref<1x1x1x8x128xf32, #tpu.memory_space<hbm>>
      %dma_start3A_522 = tpu.memref_squeeze %dma_start3A_521 : memref<1x1x1x8x128xf32, #tpu.memory_space<hbm>> -> memref<8x128xf32, #tpu.memory_space<hbm>>
      %dma_start3A_523 = arith.constant 16 : i32
      %dma_start3A_524 = arith.constant 0 : i32
      %dma_start3A_525 = tpu.memref_slice %arg8[%dma_start3A_523, %dma_start3A_524] : memref<64x129xf32, #tpu.memory_space<vmem>> -> memref<8x128xf32, #tpu.memory_space<vmem>>
      tpu.enqueue_dma source(%dma_start3A_525 : memref<8x128xf32, #tpu.memory_space<vmem>>) target(%dma_start3A_522 : memref<8x128xf32, #tpu.memory_space<hbm>>) target_semaphore(%arg12 : memref<!tpu.dma_semaphore, #tpu.memory_space<semaphore_mem>>)
      %dma_start3A_526 = arith.constant 3 : i32
      %dma_start3A_527 = arith.constant 24 : i32
      %dma_start3A_528 = arith.constant 0 : i32
      %dma_start3A_529 = tpu.memref_slice %arg8[%dma_start3A_527, %dma_start3A_528] : memref<64x129xf32, #tpu.memory_space<vmem>> -> memref<8x128xf32, #tpu.memory_space<vmem>>
      %dma_start3A_530 = arith.constant 0 : i32
      %dma_start3A_531 = arith.constant 0 : i32
      %dma_start3A_532 = tpu.memref_slice %arg4[%add3A_450, %dma_start3A_526, %add3A, %dma_start3A_530, %dma_start3A_531] : memref<200x8x32x8x128xf32, #tpu.memory_space<hbm>> -> memref<1x1x1x8x128xf32, #tpu.memory_space<hbm>>
      %dma_start3A_533 = tpu.memref_squeeze %dma_start3A_532 : memref<1x1x1x8x128xf32, #tpu.memory_space<hbm>> -> memref<8x128xf32, #tpu.memory_space<hbm>>
      %dma_start3A_534 = arith.constant 0 : i32
      %dma_start3A_535 = arith.constant 0 : i32
      %dma_start3A_536 = tpu.memref_slice %arg4[%add3A_450, %dma_start3A_526, %add3A, %dma_start3A_534, %dma_start3A_535] : memref<200x8x32x8x128xf32, #tpu.memory_space<hbm>> -> memref<1x1x1x8x128xf32, #tpu.memory_space<hbm>>
      %dma_start3A_537 = tpu.memref_squeeze %dma_start3A_536 : memref<1x1x1x8x128xf32, #tpu.memory_space<hbm>> -> memref<8x128xf32, #tpu.memory_space<hbm>>
      %dma_start3A_538 = arith.constant 24 : i32
      %dma_start3A_539 = arith.constant 0 : i32
      %dma_start3A_540 = tpu.memref_slice %arg8[%dma_start3A_538, %dma_start3A_539] : memref<64x129xf32, #tpu.memory_space<vmem>> -> memref<8x128xf32, #tpu.memory_space<vmem>>
      tpu.enqueue_dma source(%dma_start3A_540 : memref<8x128xf32, #tpu.memory_space<vmem>>) target(%dma_start3A_537 : memref<8x128xf32, #tpu.memory_space<hbm>>) target_semaphore(%arg12 : memref<!tpu.dma_semaphore, #tpu.memory_space<semaphore_mem>>)
      %dma_start3A_541 = arith.constant 4 : i32
      %dma_start3A_542 = arith.constant 32 : i32
      %dma_start3A_543 = arith.constant 0 : i32
      %dma_start3A_544 = tpu.memref_slice %arg8[%dma_start3A_542, %dma_start3A_543] : memref<64x129xf32, #tpu.memory_space<vmem>> -> memref<8x128xf32, #tpu.memory_space<vmem>>
      %dma_start3A_545 = arith.constant 0 : i32
      %dma_start3A_546 = arith.constant 0 : i32
      %dma_start3A_547 = tpu.memref_slice %arg4[%add3A_450, %dma_start3A_541, %add3A, %dma_start3A_545, %dma_start3A_546] : memref<200x8x32x8x128xf32, #tpu.memory_space<hbm>> -> memref<1x1x1x8x128xf32, #tpu.memory_space<hbm>>
      %dma_start3A_548 = tpu.memref_squeeze %dma_start3A_547 : memref<1x1x1x8x128xf32, #tpu.memory_space<hbm>> -> memref<8x128xf32, #tpu.memory_space<hbm>>
      %dma_start3A_549 = arith.constant 0 : i32
      %dma_start3A_550 = arith.constant 0 : i32
      %dma_start3A_551 = tpu.memref_slice %arg4[%add3A_450, %dma_start3A_541, %add3A, %dma_start3A_549, %dma_start3A_550] : memref<200x8x32x8x128xf32, #tpu.memory_space<hbm>> -> memref<1x1x1x8x128xf32, #tpu.memory_space<hbm>>
      %dma_start3A_552 = tpu.memref_squeeze %dma_start3A_551 : memref<1x1x1x8x128xf32, #tpu.memory_space<hbm>> -> memref<8x128xf32, #tpu.memory_space<hbm>>
      %dma_start3A_553 = arith.constant 32 : i32
      %dma_start3A_554 = arith.constant 0 : i32
      %dma_start3A_555 = tpu.memref_slice %arg8[%dma_start3A_553, %dma_start3A_554] : memref<64x129xf32, #tpu.memory_space<vmem>> -> memref<8x128xf32, #tpu.memory_space<vmem>>
      tpu.enqueue_dma source(%dma_start3A_555 : memref<8x128xf32, #tpu.memory_space<vmem>>) target(%dma_start3A_552 : memref<8x128xf32, #tpu.memory_space<hbm>>) target_semaphore(%arg12 : memref<!tpu.dma_semaphore, #tpu.memory_space<semaphore_mem>>)
      %dma_start3A_556 = arith.constant 5 : i32
      %dma_start3A_557 = arith.constant 40 : i32
      %dma_start3A_558 = arith.constant 0 : i32
      %dma_start3A_559 = tpu.memref_slice %arg8[%dma_start3A_557, %dma_start3A_558] : memref<64x129xf32, #tpu.memory_space<vmem>> -> memref<8x128xf32, #tpu.memory_space<vmem>>
      %dma_start3A_560 = arith.constant 0 : i32
      %dma_start3A_561 = arith.constant 0 : i32
      %dma_start3A_562 = tpu.memref_slice %arg4[%add3A_450, %dma_start3A_556, %add3A, %dma_start3A_560, %dma_start3A_561] : memref<200x8x32x8x128xf32, #tpu.memory_space<hbm>> -> memref<1x1x1x8x128xf32, #tpu.memory_space<hbm>>
      %dma_start3A_563 = tpu.memref_squeeze %dma_start3A_562 : memref<1x1x1x8x128xf32, #tpu.memory_space<hbm>> -> memref<8x128xf32, #tpu.memory_space<hbm>>
      %dma_start3A_564 = arith.constant 0 : i32
      %dma_start3A_565 = arith.constant 0 : i32
      %dma_start3A_566 = tpu.memref_slice %arg4[%add3A_450, %dma_start3A_556, %add3A, %dma_start3A_564, %dma_start3A_565] : memref<200x8x32x8x128xf32, #tpu.memory_space<hbm>> -> memref<1x1x1x8x128xf32, #tpu.memory_space<hbm>>
      %dma_start3A_567 = tpu.memref_squeeze %dma_start3A_566 : memref<1x1x1x8x128xf32, #tpu.memory_space<hbm>> -> memref<8x128xf32, #tpu.memory_space<hbm>>
      %dma_start3A_568 = arith.constant 40 : i32
      %dma_start3A_569 = arith.constant 0 : i32
      %dma_start3A_570 = tpu.memref_slice %arg8[%dma_start3A_568, %dma_start3A_569] : memref<64x129xf32, #tpu.memory_space<vmem>> -> memref<8x128xf32, #tpu.memory_space<vmem>>
      tpu.enqueue_dma source(%dma_start3A_570 : memref<8x128xf32, #tpu.memory_space<vmem>>) target(%dma_start3A_567 : memref<8x128xf32, #tpu.memory_space<hbm>>) target_semaphore(%arg12 : memref<!tpu.dma_semaphore, #tpu.memory_space<semaphore_mem>>)
      %dma_start3A_571 = arith.constant 6 : i32
      %dma_start3A_572 = arith.constant 48 : i32
      %dma_start3A_573 = arith.constant 0 : i32
      %dma_start3A_574 = tpu.memref_slice %arg8[%dma_start3A_572, %dma_start3A_573] : memref<64x129xf32, #tpu.memory_space<vmem>> -> memref<8x128xf32, #tpu.memory_space<vmem>>
      %dma_start3A_575 = arith.constant 0 : i32
      %dma_start3A_576 = arith.constant 0 : i32
      %dma_start3A_577 = tpu.memref_slice %arg4[%add3A_450, %dma_start3A_571, %add3A, %dma_start3A_575, %dma_start3A_576] : memref<200x8x32x8x128xf32, #tpu.memory_space<hbm>> -> memref<1x1x1x8x128xf32, #tpu.memory_space<hbm>>
      %dma_start3A_578 = tpu.memref_squeeze %dma_start3A_577 : memref<1x1x1x8x128xf32, #tpu.memory_space<hbm>> -> memref<8x128xf32, #tpu.memory_space<hbm>>
      %dma_start3A_579 = arith.constant 0 : i32
      %dma_start3A_580 = arith.constant 0 : i32
      %dma_start3A_581 = tpu.memref_slice %arg4[%add3A_450, %dma_start3A_571, %add3A, %dma_start3A_579, %dma_start3A_580] : memref<200x8x32x8x128xf32, #tpu.memory_space<hbm>> -> memref<1x1x1x8x128xf32, #tpu.memory_space<hbm>>
      %dma_start3A_582 = tpu.memref_squeeze %dma_start3A_581 : memref<1x1x1x8x128xf32, #tpu.memory_space<hbm>> -> memref<8x128xf32, #tpu.memory_space<hbm>>
      %dma_start3A_583 = arith.constant 48 : i32
      %dma_start3A_584 = arith.constant 0 : i32
      %dma_start3A_585 = tpu.memref_slice %arg8[%dma_start3A_583, %dma_start3A_584] : memref<64x129xf32, #tpu.memory_space<vmem>> -> memref<8x128xf32, #tpu.memory_space<vmem>>
      tpu.enqueue_dma source(%dma_start3A_585 : memref<8x128xf32, #tpu.memory_space<vmem>>) target(%dma_start3A_582 : memref<8x128xf32, #tpu.memory_space<hbm>>) target_semaphore(%arg12 : memref<!tpu.dma_semaphore, #tpu.memory_space<semaphore_mem>>)
      %dma_start3A_586 = arith.constant 7 : i32
      %dma_start3A_587 = arith.constant 56 : i32
      %dma_start3A_588 = arith.constant 0 : i32
      %dma_start3A_589 = tpu.memref_slice %arg8[%dma_start3A_587, %dma_start3A_588] : memref<64x129xf32, #tpu.memory_space<vmem>> -> memref<8x128xf32, #tpu.memory_space<vmem>>
      %dma_start3A_590 = arith.constant 0 : i32
      %dma_start3A_591 = arith.constant 0 : i32
      %dma_start3A_592 = tpu.memref_slice %arg4[%add3A_450, %dma_start3A_586, %add3A, %dma_start3A_590, %dma_start3A_591] : memref<200x8x32x8x128xf32, #tpu.memory_space<hbm>> -> memref<1x1x1x8x128xf32, #tpu.memory_space<hbm>>
      %dma_start3A_593 = tpu.memref_squeeze %dma_start3A_592 : memref<1x1x1x8x128xf32, #tpu.memory_space<hbm>> -> memref<8x128xf32, #tpu.memory_space<hbm>>
      %dma_start3A_594 = arith.constant 0 : i32
      %dma_start3A_595 = arith.constant 0 : i32
      %dma_start3A_596 = tpu.memref_slice %arg4[%add3A_450, %dma_start3A_586, %add3A, %dma_start3A_594, %dma_start3A_595] : memref<200x8x32x8x128xf32, #tpu.memory_space<hbm>> -> memref<1x1x1x8x128xf32, #tpu.memory_space<hbm>>
      %dma_start3A_597 = tpu.memref_squeeze %dma_start3A_596 : memref<1x1x1x8x128xf32, #tpu.memory_space<hbm>> -> memref<8x128xf32, #tpu.memory_space<hbm>>
      %dma_start3A_598 = arith.constant 56 : i32
      %dma_start3A_599 = arith.constant 0 : i32
      %dma_start3A_600 = tpu.memref_slice %arg8[%dma_start3A_598, %dma_start3A_599] : memref<64x129xf32, #tpu.memory_space<vmem>> -> memref<8x128xf32, #tpu.memory_space<vmem>>
      tpu.enqueue_dma source(%dma_start3A_600 : memref<8x128xf32, #tpu.memory_space<vmem>>) target(%dma_start3A_597 : memref<8x128xf32, #tpu.memory_space<hbm>>) target_semaphore(%arg12 : memref<!tpu.dma_semaphore, #tpu.memory_space<semaphore_mem>>)
    }
    %scan3A_40 = arith.constant 100 : i32
    %dma_wait3A = arith.constant 198 : i32
    %dma_wait3A_41 = arith.constant 0 : i32
    %dma_wait3A_42 = arith.constant 0 : i32
    %dma_wait3A_43 = arith.constant 0 : i32
    %dma_wait3A_44 = tpu.memref_slice %arg7[%dma_wait3A_42, %dma_wait3A_43] : memref<64x129xf32, #tpu.memory_space<vmem>> -> memref<8x128xf32, #tpu.memory_space<vmem>>
    %dma_wait3A_45 = arith.constant 0 : i32
    %dma_wait3A_46 = arith.constant 0 : i32
    %dma_wait3A_47 = tpu.memref_slice %arg4[%dma_wait3A, %dma_wait3A_41, %add3A, %dma_wait3A_45, %dma_wait3A_46] : memref<200x8x32x8x128xf32, #tpu.memory_space<hbm>> -> memref<1x1x1x8x128xf32, #tpu.memory_space<hbm>>
    %dma_wait3A_48 = tpu.memref_squeeze %dma_wait3A_47 : memref<1x1x1x8x128xf32, #tpu.memory_space<hbm>> -> memref<8x128xf32, #tpu.memory_space<hbm>>
    %dma_wait3A_49 = arith.constant 0 : i32
    %dma_wait3A_50 = arith.constant 0 : i32
    %dma_wait3A_51 = tpu.memref_slice %arg4[%dma_wait3A, %dma_wait3A_41, %add3A, %dma_wait3A_49, %dma_wait3A_50] : memref<200x8x32x8x128xf32, #tpu.memory_space<hbm>> -> memref<1x1x1x8x128xf32, #tpu.memory_space<hbm>>
    %dma_wait3A_52 = tpu.memref_squeeze %dma_wait3A_51 : memref<1x1x1x8x128xf32, #tpu.memory_space<hbm>> -> memref<8x128xf32, #tpu.memory_space<hbm>>
    %dma_wait3A_53 = arith.constant 0 : i32
    %dma_wait3A_54 = arith.constant 0 : i32
    %dma_wait3A_55 = tpu.memref_slice %arg7[%dma_wait3A_53, %dma_wait3A_54] : memref<64x129xf32, #tpu.memory_space<vmem>> -> memref<8x128xf32, #tpu.memory_space<vmem>>
    tpu.wait_dma2 semaphore(%arg11 : memref<!tpu.dma_semaphore, #tpu.memory_space<semaphore_mem>>) src(%dma_wait3A_55 : memref<8x128xf32, #tpu.memory_space<vmem>>) dst(%dma_wait3A_52 : memref<8x128xf32, #tpu.memory_space<hbm>>)
    %dma_wait3A_56 = arith.constant 198 : i32
    %dma_wait3A_57 = arith.constant 1 : i32
    %dma_wait3A_58 = arith.constant 8 : i32
    %dma_wait3A_59 = arith.constant 0 : i32
    %dma_wait3A_60 = tpu.memref_slice %arg7[%dma_wait3A_58, %dma_wait3A_59] : memref<64x129xf32, #tpu.memory_space<vmem>> -> memref<8x128xf32, #tpu.memory_space<vmem>>
    %dma_wait3A_61 = arith.constant 0 : i32
    %dma_wait3A_62 = arith.constant 0 : i32
    %dma_wait3A_63 = tpu.memref_slice %arg4[%dma_wait3A_56, %dma_wait3A_57, %add3A, %dma_wait3A_61, %dma_wait3A_62] : memref<200x8x32x8x128xf32, #tpu.memory_space<hbm>> -> memref<1x1x1x8x128xf32, #tpu.memory_space<hbm>>
    %dma_wait3A_64 = tpu.memref_squeeze %dma_wait3A_63 : memref<1x1x1x8x128xf32, #tpu.memory_space<hbm>> -> memref<8x128xf32, #tpu.memory_space<hbm>>
    %dma_wait3A_65 = arith.constant 0 : i32
    %dma_wait3A_66 = arith.constant 0 : i32
    %dma_wait3A_67 = tpu.memref_slice %arg4[%dma_wait3A_56, %dma_wait3A_57, %add3A, %dma_wait3A_65, %dma_wait3A_66] : memref<200x8x32x8x128xf32, #tpu.memory_space<hbm>> -> memref<1x1x1x8x128xf32, #tpu.memory_space<hbm>>
    %dma_wait3A_68 = tpu.memref_squeeze %dma_wait3A_67 : memref<1x1x1x8x128xf32, #tpu.memory_space<hbm>> -> memref<8x128xf32, #tpu.memory_space<hbm>>
    %dma_wait3A_69 = arith.constant 8 : i32
    %dma_wait3A_70 = arith.constant 0 : i32
    %dma_wait3A_71 = tpu.memref_slice %arg7[%dma_wait3A_69, %dma_wait3A_70] : memref<64x129xf32, #tpu.memory_space<vmem>> -> memref<8x128xf32, #tpu.memory_space<vmem>>
    tpu.wait_dma2 semaphore(%arg11 : memref<!tpu.dma_semaphore, #tpu.memory_space<semaphore_mem>>) src(%dma_wait3A_71 : memref<8x128xf32, #tpu.memory_space<vmem>>) dst(%dma_wait3A_68 : memref<8x128xf32, #tpu.memory_space<hbm>>)
    %dma_wait3A_72 = arith.constant 198 : i32
    %dma_wait3A_73 = arith.constant 2 : i32
    %dma_wait3A_74 = arith.constant 16 : i32
    %dma_wait3A_75 = arith.constant 0 : i32
    %dma_wait3A_76 = tpu.memref_slice %arg7[%dma_wait3A_74, %dma_wait3A_75] : memref<64x129xf32, #tpu.memory_space<vmem>> -> memref<8x128xf32, #tpu.memory_space<vmem>>
    %dma_wait3A_77 = arith.constant 0 : i32
    %dma_wait3A_78 = arith.constant 0 : i32
    %dma_wait3A_79 = tpu.memref_slice %arg4[%dma_wait3A_72, %dma_wait3A_73, %add3A, %dma_wait3A_77, %dma_wait3A_78] : memref<200x8x32x8x128xf32, #tpu.memory_space<hbm>> -> memref<1x1x1x8x128xf32, #tpu.memory_space<hbm>>
    %dma_wait3A_80 = tpu.memref_squeeze %dma_wait3A_79 : memref<1x1x1x8x128xf32, #tpu.memory_space<hbm>> -> memref<8x128xf32, #tpu.memory_space<hbm>>
    %dma_wait3A_81 = arith.constant 0 : i32
    %dma_wait3A_82 = arith.constant 0 : i32
    %dma_wait3A_83 = tpu.memref_slice %arg4[%dma_wait3A_72, %dma_wait3A_73, %add3A, %dma_wait3A_81, %dma_wait3A_82] : memref<200x8x32x8x128xf32, #tpu.memory_space<hbm>> -> memref<1x1x1x8x128xf32, #tpu.memory_space<hbm>>
    %dma_wait3A_84 = tpu.memref_squeeze %dma_wait3A_83 : memref<1x1x1x8x128xf32, #tpu.memory_space<hbm>> -> memref<8x128xf32, #tpu.memory_space<hbm>>
    %dma_wait3A_85 = arith.constant 16 : i32
    %dma_wait3A_86 = arith.constant 0 : i32
    %dma_wait3A_87 = tpu.memref_slice %arg7[%dma_wait3A_85, %dma_wait3A_86] : memref<64x129xf32, #tpu.memory_space<vmem>> -> memref<8x128xf32, #tpu.memory_space<vmem>>
    tpu.wait_dma2 semaphore(%arg11 : memref<!tpu.dma_semaphore, #tpu.memory_space<semaphore_mem>>) src(%dma_wait3A_87 : memref<8x128xf32, #tpu.memory_space<vmem>>) dst(%dma_wait3A_84 : memref<8x128xf32, #tpu.memory_space<hbm>>)
    %dma_wait3A_88 = arith.constant 198 : i32
    %dma_wait3A_89 = arith.constant 3 : i32
    %dma_wait3A_90 = arith.constant 24 : i32
    %dma_wait3A_91 = arith.constant 0 : i32
    %dma_wait3A_92 = tpu.memref_slice %arg7[%dma_wait3A_90, %dma_wait3A_91] : memref<64x129xf32, #tpu.memory_space<vmem>> -> memref<8x128xf32, #tpu.memory_space<vmem>>
    %dma_wait3A_93 = arith.constant 0 : i32
    %dma_wait3A_94 = arith.constant 0 : i32
    %dma_wait3A_95 = tpu.memref_slice %arg4[%dma_wait3A_88, %dma_wait3A_89, %add3A, %dma_wait3A_93, %dma_wait3A_94] : memref<200x8x32x8x128xf32, #tpu.memory_space<hbm>> -> memref<1x1x1x8x128xf32, #tpu.memory_space<hbm>>
    %dma_wait3A_96 = tpu.memref_squeeze %dma_wait3A_95 : memref<1x1x1x8x128xf32, #tpu.memory_space<hbm>> -> memref<8x128xf32, #tpu.memory_space<hbm>>
    %dma_wait3A_97 = arith.constant 0 : i32
    %dma_wait3A_98 = arith.constant 0 : i32
    %dma_wait3A_99 = tpu.memref_slice %arg4[%dma_wait3A_88, %dma_wait3A_89, %add3A, %dma_wait3A_97, %dma_wait3A_98] : memref<200x8x32x8x128xf32, #tpu.memory_space<hbm>> -> memref<1x1x1x8x128xf32, #tpu.memory_space<hbm>>
    %dma_wait3A_100 = tpu.memref_squeeze %dma_wait3A_99 : memref<1x1x1x8x128xf32, #tpu.memory_space<hbm>> -> memref<8x128xf32, #tpu.memory_space<hbm>>
    %dma_wait3A_101 = arith.constant 24 : i32
    %dma_wait3A_102 = arith.constant 0 : i32
    %dma_wait3A_103 = tpu.memref_slice %arg7[%dma_wait3A_101, %dma_wait3A_102] : memref<64x129xf32, #tpu.memory_space<vmem>> -> memref<8x128xf32, #tpu.memory_space<vmem>>
    tpu.wait_dma2 semaphore(%arg11 : memref<!tpu.dma_semaphore, #tpu.memory_space<semaphore_mem>>) src(%dma_wait3A_103 : memref<8x128xf32, #tpu.memory_space<vmem>>) dst(%dma_wait3A_100 : memref<8x128xf32, #tpu.memory_space<hbm>>)
    %dma_wait3A_104 = arith.constant 198 : i32
    %dma_wait3A_105 = arith.constant 4 : i32
    %dma_wait3A_106 = arith.constant 32 : i32
    %dma_wait3A_107 = arith.constant 0 : i32
    %dma_wait3A_108 = tpu.memref_slice %arg7[%dma_wait3A_106, %dma_wait3A_107] : memref<64x129xf32, #tpu.memory_space<vmem>> -> memref<8x128xf32, #tpu.memory_space<vmem>>
    %dma_wait3A_109 = arith.constant 0 : i32
    %dma_wait3A_110 = arith.constant 0 : i32
    %dma_wait3A_111 = tpu.memref_slice %arg4[%dma_wait3A_104, %dma_wait3A_105, %add3A, %dma_wait3A_109, %dma_wait3A_110] : memref<200x8x32x8x128xf32, #tpu.memory_space<hbm>> -> memref<1x1x1x8x128xf32, #tpu.memory_space<hbm>>
    %dma_wait3A_112 = tpu.memref_squeeze %dma_wait3A_111 : memref<1x1x1x8x128xf32, #tpu.memory_space<hbm>> -> memref<8x128xf32, #tpu.memory_space<hbm>>
    %dma_wait3A_113 = arith.constant 0 : i32
    %dma_wait3A_114 = arith.constant 0 : i32
    %dma_wait3A_115 = tpu.memref_slice %arg4[%dma_wait3A_104, %dma_wait3A_105, %add3A, %dma_wait3A_113, %dma_wait3A_114] : memref<200x8x32x8x128xf32, #tpu.memory_space<hbm>> -> memref<1x1x1x8x128xf32, #tpu.memory_space<hbm>>
    %dma_wait3A_116 = tpu.memref_squeeze %dma_wait3A_115 : memref<1x1x1x8x128xf32, #tpu.memory_space<hbm>> -> memref<8x128xf32, #tpu.memory_space<hbm>>
    %dma_wait3A_117 = arith.constant 32 : i32
    %dma_wait3A_118 = arith.constant 0 : i32
    %dma_wait3A_119 = tpu.memref_slice %arg7[%dma_wait3A_117, %dma_wait3A_118] : memref<64x129xf32, #tpu.memory_space<vmem>> -> memref<8x128xf32, #tpu.memory_space<vmem>>
    tpu.wait_dma2 semaphore(%arg11 : memref<!tpu.dma_semaphore, #tpu.memory_space<semaphore_mem>>) src(%dma_wait3A_119 : memref<8x128xf32, #tpu.memory_space<vmem>>) dst(%dma_wait3A_116 : memref<8x128xf32, #tpu.memory_space<hbm>>)
    %dma_wait3A_120 = arith.constant 198 : i32
    %dma_wait3A_121 = arith.constant 5 : i32
    %dma_wait3A_122 = arith.constant 40 : i32
    %dma_wait3A_123 = arith.constant 0 : i32
    %dma_wait3A_124 = tpu.memref_slice %arg7[%dma_wait3A_122, %dma_wait3A_123] : memref<64x129xf32, #tpu.memory_space<vmem>> -> memref<8x128xf32, #tpu.memory_space<vmem>>
    %dma_wait3A_125 = arith.constant 0 : i32
    %dma_wait3A_126 = arith.constant 0 : i32
    %dma_wait3A_127 = tpu.memref_slice %arg4[%dma_wait3A_120, %dma_wait3A_121, %add3A, %dma_wait3A_125, %dma_wait3A_126] : memref<200x8x32x8x128xf32, #tpu.memory_space<hbm>> -> memref<1x1x1x8x128xf32, #tpu.memory_space<hbm>>
    %dma_wait3A_128 = tpu.memref_squeeze %dma_wait3A_127 : memref<1x1x1x8x128xf32, #tpu.memory_space<hbm>> -> memref<8x128xf32, #tpu.memory_space<hbm>>
    %dma_wait3A_129 = arith.constant 0 : i32
    %dma_wait3A_130 = arith.constant 0 : i32
    %dma_wait3A_131 = tpu.memref_slice %arg4[%dma_wait3A_120, %dma_wait3A_121, %add3A, %dma_wait3A_129, %dma_wait3A_130] : memref<200x8x32x8x128xf32, #tpu.memory_space<hbm>> -> memref<1x1x1x8x128xf32, #tpu.memory_space<hbm>>
    %dma_wait3A_132 = tpu.memref_squeeze %dma_wait3A_131 : memref<1x1x1x8x128xf32, #tpu.memory_space<hbm>> -> memref<8x128xf32, #tpu.memory_space<hbm>>
    %dma_wait3A_133 = arith.constant 40 : i32
    %dma_wait3A_134 = arith.constant 0 : i32
    %dma_wait3A_135 = tpu.memref_slice %arg7[%dma_wait3A_133, %dma_wait3A_134] : memref<64x129xf32, #tpu.memory_space<vmem>> -> memref<8x128xf32, #tpu.memory_space<vmem>>
    tpu.wait_dma2 semaphore(%arg11 : memref<!tpu.dma_semaphore, #tpu.memory_space<semaphore_mem>>) src(%dma_wait3A_135 : memref<8x128xf32, #tpu.memory_space<vmem>>) dst(%dma_wait3A_132 : memref<8x128xf32, #tpu.memory_space<hbm>>)
    %dma_wait3A_136 = arith.constant 198 : i32
    %dma_wait3A_137 = arith.constant 6 : i32
    %dma_wait3A_138 = arith.constant 48 : i32
    %dma_wait3A_139 = arith.constant 0 : i32
    %dma_wait3A_140 = tpu.memref_slice %arg7[%dma_wait3A_138, %dma_wait3A_139] : memref<64x129xf32, #tpu.memory_space<vmem>> -> memref<8x128xf32, #tpu.memory_space<vmem>>
    %dma_wait3A_141 = arith.constant 0 : i32
    %dma_wait3A_142 = arith.constant 0 : i32
    %dma_wait3A_143 = tpu.memref_slice %arg4[%dma_wait3A_136, %dma_wait3A_137, %add3A, %dma_wait3A_141, %dma_wait3A_142] : memref<200x8x32x8x128xf32, #tpu.memory_space<hbm>> -> memref<1x1x1x8x128xf32, #tpu.memory_space<hbm>>
    %dma_wait3A_144 = tpu.memref_squeeze %dma_wait3A_143 : memref<1x1x1x8x128xf32, #tpu.memory_space<hbm>> -> memref<8x128xf32, #tpu.memory_space<hbm>>
    %dma_wait3A_145 = arith.constant 0 : i32
    %dma_wait3A_146 = arith.constant 0 : i32
    %dma_wait3A_147 = tpu.memref_slice %arg4[%dma_wait3A_136, %dma_wait3A_137, %add3A, %dma_wait3A_145, %dma_wait3A_146] : memref<200x8x32x8x128xf32, #tpu.memory_space<hbm>> -> memref<1x1x1x8x128xf32, #tpu.memory_space<hbm>>
    %dma_wait3A_148 = tpu.memref_squeeze %dma_wait3A_147 : memref<1x1x1x8x128xf32, #tpu.memory_space<hbm>> -> memref<8x128xf32, #tpu.memory_space<hbm>>
    %dma_wait3A_149 = arith.constant 48 : i32
    %dma_wait3A_150 = arith.constant 0 : i32
    %dma_wait3A_151 = tpu.memref_slice %arg7[%dma_wait3A_149, %dma_wait3A_150] : memref<64x129xf32, #tpu.memory_space<vmem>> -> memref<8x128xf32, #tpu.memory_space<vmem>>
    tpu.wait_dma2 semaphore(%arg11 : memref<!tpu.dma_semaphore, #tpu.memory_space<semaphore_mem>>) src(%dma_wait3A_151 : memref<8x128xf32, #tpu.memory_space<vmem>>) dst(%dma_wait3A_148 : memref<8x128xf32, #tpu.memory_space<hbm>>)
    %dma_wait3A_152 = arith.constant 198 : i32
    %dma_wait3A_153 = arith.constant 7 : i32
    %dma_wait3A_154 = arith.constant 56 : i32
    %dma_wait3A_155 = arith.constant 0 : i32
    %dma_wait3A_156 = tpu.memref_slice %arg7[%dma_wait3A_154, %dma_wait3A_155] : memref<64x129xf32, #tpu.memory_space<vmem>> -> memref<8x128xf32, #tpu.memory_space<vmem>>
    %dma_wait3A_157 = arith.constant 0 : i32
    %dma_wait3A_158 = arith.constant 0 : i32
    %dma_wait3A_159 = tpu.memref_slice %arg4[%dma_wait3A_152, %dma_wait3A_153, %add3A, %dma_wait3A_157, %dma_wait3A_158] : memref<200x8x32x8x128xf32, #tpu.memory_space<hbm>> -> memref<1x1x1x8x128xf32, #tpu.memory_space<hbm>>
    %dma_wait3A_160 = tpu.memref_squeeze %dma_wait3A_159 : memref<1x1x1x8x128xf32, #tpu.memory_space<hbm>> -> memref<8x128xf32, #tpu.memory_space<hbm>>
    %dma_wait3A_161 = arith.constant 0 : i32
    %dma_wait3A_162 = arith.constant 0 : i32
    %dma_wait3A_163 = tpu.memref_slice %arg4[%dma_wait3A_152, %dma_wait3A_153, %add3A, %dma_wait3A_161, %dma_wait3A_162] : memref<200x8x32x8x128xf32, #tpu.memory_space<hbm>> -> memref<1x1x1x8x128xf32, #tpu.memory_space<hbm>>
    %dma_wait3A_164 = tpu.memref_squeeze %dma_wait3A_163 : memref<1x1x1x8x128xf32, #tpu.memory_space<hbm>> -> memref<8x128xf32, #tpu.memory_space<hbm>>
    %dma_wait3A_165 = arith.constant 56 : i32
    %dma_wait3A_166 = arith.constant 0 : i32
    %dma_wait3A_167 = tpu.memref_slice %arg7[%dma_wait3A_165, %dma_wait3A_166] : memref<64x129xf32, #tpu.memory_space<vmem>> -> memref<8x128xf32, #tpu.memory_space<vmem>>
    tpu.wait_dma2 semaphore(%arg11 : memref<!tpu.dma_semaphore, #tpu.memory_space<semaphore_mem>>) src(%dma_wait3A_167 : memref<8x128xf32, #tpu.memory_space<vmem>>) dst(%dma_wait3A_164 : memref<8x128xf32, #tpu.memory_space<hbm>>)
    %dma_wait3A_168 = arith.constant 199 : i32
    %dma_wait3A_169 = arith.constant 0 : i32
    %dma_wait3A_170 = arith.constant 0 : i32
    %dma_wait3A_171 = arith.constant 0 : i32
    %dma_wait3A_172 = tpu.memref_slice %arg8[%dma_wait3A_170, %dma_wait3A_171] : memref<64x129xf32, #tpu.memory_space<vmem>> -> memref<8x128xf32, #tpu.memory_space<vmem>>
    %dma_wait3A_173 = arith.constant 0 : i32
    %dma_wait3A_174 = arith.constant 0 : i32
    %dma_wait3A_175 = tpu.memref_slice %arg4[%dma_wait3A_168, %dma_wait3A_169, %add3A, %dma_wait3A_173, %dma_wait3A_174] : memref<200x8x32x8x128xf32, #tpu.memory_space<hbm>> -> memref<1x1x1x8x128xf32, #tpu.memory_space<hbm>>
    %dma_wait3A_176 = tpu.memref_squeeze %dma_wait3A_175 : memref<1x1x1x8x128xf32, #tpu.memory_space<hbm>> -> memref<8x128xf32, #tpu.memory_space<hbm>>
    %dma_wait3A_177 = arith.constant 0 : i32
    %dma_wait3A_178 = arith.constant 0 : i32
    %dma_wait3A_179 = tpu.memref_slice %arg4[%dma_wait3A_168, %dma_wait3A_169, %add3A, %dma_wait3A_177, %dma_wait3A_178] : memref<200x8x32x8x128xf32, #tpu.memory_space<hbm>> -> memref<1x1x1x8x128xf32, #tpu.memory_space<hbm>>
    %dma_wait3A_180 = tpu.memref_squeeze %dma_wait3A_179 : memref<1x1x1x8x128xf32, #tpu.memory_space<hbm>> -> memref<8x128xf32, #tpu.memory_space<hbm>>
    %dma_wait3A_181 = arith.constant 0 : i32
    %dma_wait3A_182 = arith.constant 0 : i32
    %dma_wait3A_183 = tpu.memref_slice %arg8[%dma_wait3A_181, %dma_wait3A_182] : memref<64x129xf32, #tpu.memory_space<vmem>> -> memref<8x128xf32, #tpu.memory_space<vmem>>
    tpu.wait_dma2 semaphore(%arg12 : memref<!tpu.dma_semaphore, #tpu.memory_space<semaphore_mem>>) src(%dma_wait3A_183 : memref<8x128xf32, #tpu.memory_space<vmem>>) dst(%dma_wait3A_180 : memref<8x128xf32, #tpu.memory_space<hbm>>)
    %dma_wait3A_184 = arith.constant 199 : i32
    %dma_wait3A_185 = arith.constant 1 : i32
    %dma_wait3A_186 = arith.constant 8 : i32
    %dma_wait3A_187 = arith.constant 0 : i32
    %dma_wait3A_188 = tpu.memref_slice %arg8[%dma_wait3A_186, %dma_wait3A_187] : memref<64x129xf32, #tpu.memory_space<vmem>> -> memref<8x128xf32, #tpu.memory_space<vmem>>
    %dma_wait3A_189 = arith.constant 0 : i32
    %dma_wait3A_190 = arith.constant 0 : i32
    %dma_wait3A_191 = tpu.memref_slice %arg4[%dma_wait3A_184, %dma_wait3A_185, %add3A, %dma_wait3A_189, %dma_wait3A_190] : memref<200x8x32x8x128xf32, #tpu.memory_space<hbm>> -> memref<1x1x1x8x128xf32, #tpu.memory_space<hbm>>
    %dma_wait3A_192 = tpu.memref_squeeze %dma_wait3A_191 : memref<1x1x1x8x128xf32, #tpu.memory_space<hbm>> -> memref<8x128xf32, #tpu.memory_space<hbm>>
    %dma_wait3A_193 = arith.constant 0 : i32
    %dma_wait3A_194 = arith.constant 0 : i32
    %dma_wait3A_195 = tpu.memref_slice %arg4[%dma_wait3A_184, %dma_wait3A_185, %add3A, %dma_wait3A_193, %dma_wait3A_194] : memref<200x8x32x8x128xf32, #tpu.memory_space<hbm>> -> memref<1x1x1x8x128xf32, #tpu.memory_space<hbm>>
    %dma_wait3A_196 = tpu.memref_squeeze %dma_wait3A_195 : memref<1x1x1x8x128xf32, #tpu.memory_space<hbm>> -> memref<8x128xf32, #tpu.memory_space<hbm>>
    %dma_wait3A_197 = arith.constant 8 : i32
    %dma_wait3A_198 = arith.constant 0 : i32
    %dma_wait3A_199 = tpu.memref_slice %arg8[%dma_wait3A_197, %dma_wait3A_198] : memref<64x129xf32, #tpu.memory_space<vmem>> -> memref<8x128xf32, #tpu.memory_space<vmem>>
    tpu.wait_dma2 semaphore(%arg12 : memref<!tpu.dma_semaphore, #tpu.memory_space<semaphore_mem>>) src(%dma_wait3A_199 : memref<8x128xf32, #tpu.memory_space<vmem>>) dst(%dma_wait3A_196 : memref<8x128xf32, #tpu.memory_space<hbm>>)
    %dma_wait3A_200 = arith.constant 199 : i32
    %dma_wait3A_201 = arith.constant 2 : i32
    %dma_wait3A_202 = arith.constant 16 : i32
    %dma_wait3A_203 = arith.constant 0 : i32
    %dma_wait3A_204 = tpu.memref_slice %arg8[%dma_wait3A_202, %dma_wait3A_203] : memref<64x129xf32, #tpu.memory_space<vmem>> -> memref<8x128xf32, #tpu.memory_space<vmem>>
    %dma_wait3A_205 = arith.constant 0 : i32
    %dma_wait3A_206 = arith.constant 0 : i32
    %dma_wait3A_207 = tpu.memref_slice %arg4[%dma_wait3A_200, %dma_wait3A_201, %add3A, %dma_wait3A_205, %dma_wait3A_206] : memref<200x8x32x8x128xf32, #tpu.memory_space<hbm>> -> memref<1x1x1x8x128xf32, #tpu.memory_space<hbm>>
    %dma_wait3A_208 = tpu.memref_squeeze %dma_wait3A_207 : memref<1x1x1x8x128xf32, #tpu.memory_space<hbm>> -> memref<8x128xf32, #tpu.memory_space<hbm>>
    %dma_wait3A_209 = arith.constant 0 : i32
    %dma_wait3A_210 = arith.constant 0 : i32
    %dma_wait3A_211 = tpu.memref_slice %arg4[%dma_wait3A_200, %dma_wait3A_201, %add3A, %dma_wait3A_209, %dma_wait3A_210] : memref<200x8x32x8x128xf32, #tpu.memory_space<hbm>> -> memref<1x1x1x8x128xf32, #tpu.memory_space<hbm>>
    %dma_wait3A_212 = tpu.memref_squeeze %dma_wait3A_211 : memref<1x1x1x8x128xf32, #tpu.memory_space<hbm>> -> memref<8x128xf32, #tpu.memory_space<hbm>>
    %dma_wait3A_213 = arith.constant 16 : i32
    %dma_wait3A_214 = arith.constant 0 : i32
    %dma_wait3A_215 = tpu.memref_slice %arg8[%dma_wait3A_213, %dma_wait3A_214] : memref<64x129xf32, #tpu.memory_space<vmem>> -> memref<8x128xf32, #tpu.memory_space<vmem>>
    tpu.wait_dma2 semaphore(%arg12 : memref<!tpu.dma_semaphore, #tpu.memory_space<semaphore_mem>>) src(%dma_wait3A_215 : memref<8x128xf32, #tpu.memory_space<vmem>>) dst(%dma_wait3A_212 : memref<8x128xf32, #tpu.memory_space<hbm>>)
    %dma_wait3A_216 = arith.constant 199 : i32
    %dma_wait3A_217 = arith.constant 3 : i32
    %dma_wait3A_218 = arith.constant 24 : i32
    %dma_wait3A_219 = arith.constant 0 : i32
    %dma_wait3A_220 = tpu.memref_slice %arg8[%dma_wait3A_218, %dma_wait3A_219] : memref<64x129xf32, #tpu.memory_space<vmem>> -> memref<8x128xf32, #tpu.memory_space<vmem>>
    %dma_wait3A_221 = arith.constant 0 : i32
    %dma_wait3A_222 = arith.constant 0 : i32
    %dma_wait3A_223 = tpu.memref_slice %arg4[%dma_wait3A_216, %dma_wait3A_217, %add3A, %dma_wait3A_221, %dma_wait3A_222] : memref<200x8x32x8x128xf32, #tpu.memory_space<hbm>> -> memref<1x1x1x8x128xf32, #tpu.memory_space<hbm>>
    %dma_wait3A_224 = tpu.memref_squeeze %dma_wait3A_223 : memref<1x1x1x8x128xf32, #tpu.memory_space<hbm>> -> memref<8x128xf32, #tpu.memory_space<hbm>>
    %dma_wait3A_225 = arith.constant 0 : i32
    %dma_wait3A_226 = arith.constant 0 : i32
    %dma_wait3A_227 = tpu.memref_slice %arg4[%dma_wait3A_216, %dma_wait3A_217, %add3A, %dma_wait3A_225, %dma_wait3A_226] : memref<200x8x32x8x128xf32, #tpu.memory_space<hbm>> -> memref<1x1x1x8x128xf32, #tpu.memory_space<hbm>>
    %dma_wait3A_228 = tpu.memref_squeeze %dma_wait3A_227 : memref<1x1x1x8x128xf32, #tpu.memory_space<hbm>> -> memref<8x128xf32, #tpu.memory_space<hbm>>
    %dma_wait3A_229 = arith.constant 24 : i32
    %dma_wait3A_230 = arith.constant 0 : i32
    %dma_wait3A_231 = tpu.memref_slice %arg8[%dma_wait3A_229, %dma_wait3A_230] : memref<64x129xf32, #tpu.memory_space<vmem>> -> memref<8x128xf32, #tpu.memory_space<vmem>>
    tpu.wait_dma2 semaphore(%arg12 : memref<!tpu.dma_semaphore, #tpu.memory_space<semaphore_mem>>) src(%dma_wait3A_231 : memref<8x128xf32, #tpu.memory_space<vmem>>) dst(%dma_wait3A_228 : memref<8x128xf32, #tpu.memory_space<hbm>>)
    %dma_wait3A_232 = arith.constant 199 : i32
    %dma_wait3A_233 = arith.constant 4 : i32
    %dma_wait3A_234 = arith.constant 32 : i32
    %dma_wait3A_235 = arith.constant 0 : i32
    %dma_wait3A_236 = tpu.memref_slice %arg8[%dma_wait3A_234, %dma_wait3A_235] : memref<64x129xf32, #tpu.memory_space<vmem>> -> memref<8x128xf32, #tpu.memory_space<vmem>>
    %dma_wait3A_237 = arith.constant 0 : i32
    %dma_wait3A_238 = arith.constant 0 : i32
    %dma_wait3A_239 = tpu.memref_slice %arg4[%dma_wait3A_232, %dma_wait3A_233, %add3A, %dma_wait3A_237, %dma_wait3A_238] : memref<200x8x32x8x128xf32, #tpu.memory_space<hbm>> -> memref<1x1x1x8x128xf32, #tpu.memory_space<hbm>>
    %dma_wait3A_240 = tpu.memref_squeeze %dma_wait3A_239 : memref<1x1x1x8x128xf32, #tpu.memory_space<hbm>> -> memref<8x128xf32, #tpu.memory_space<hbm>>
    %dma_wait3A_241 = arith.constant 0 : i32
    %dma_wait3A_242 = arith.constant 0 : i32
    %dma_wait3A_243 = tpu.memref_slice %arg4[%dma_wait3A_232, %dma_wait3A_233, %add3A, %dma_wait3A_241, %dma_wait3A_242] : memref<200x8x32x8x128xf32, #tpu.memory_space<hbm>> -> memref<1x1x1x8x128xf32, #tpu.memory_space<hbm>>
    %dma_wait3A_244 = tpu.memref_squeeze %dma_wait3A_243 : memref<1x1x1x8x128xf32, #tpu.memory_space<hbm>> -> memref<8x128xf32, #tpu.memory_space<hbm>>
    %dma_wait3A_245 = arith.constant 32 : i32
    %dma_wait3A_246 = arith.constant 0 : i32
    %dma_wait3A_247 = tpu.memref_slice %arg8[%dma_wait3A_245, %dma_wait3A_246] : memref<64x129xf32, #tpu.memory_space<vmem>> -> memref<8x128xf32, #tpu.memory_space<vmem>>
    tpu.wait_dma2 semaphore(%arg12 : memref<!tpu.dma_semaphore, #tpu.memory_space<semaphore_mem>>) src(%dma_wait3A_247 : memref<8x128xf32, #tpu.memory_space<vmem>>) dst(%dma_wait3A_244 : memref<8x128xf32, #tpu.memory_space<hbm>>)
    %dma_wait3A_248 = arith.constant 199 : i32
    %dma_wait3A_249 = arith.constant 5 : i32
    %dma_wait3A_250 = arith.constant 40 : i32
    %dma_wait3A_251 = arith.constant 0 : i32
    %dma_wait3A_252 = tpu.memref_slice %arg8[%dma_wait3A_250, %dma_wait3A_251] : memref<64x129xf32, #tpu.memory_space<vmem>> -> memref<8x128xf32, #tpu.memory_space<vmem>>
    %dma_wait3A_253 = arith.constant 0 : i32
    %dma_wait3A_254 = arith.constant 0 : i32
    %dma_wait3A_255 = tpu.memref_slice %arg4[%dma_wait3A_248, %dma_wait3A_249, %add3A, %dma_wait3A_253, %dma_wait3A_254] : memref<200x8x32x8x128xf32, #tpu.memory_space<hbm>> -> memref<1x1x1x8x128xf32, #tpu.memory_space<hbm>>
    %dma_wait3A_256 = tpu.memref_squeeze %dma_wait3A_255 : memref<1x1x1x8x128xf32, #tpu.memory_space<hbm>> -> memref<8x128xf32, #tpu.memory_space<hbm>>
    %dma_wait3A_257 = arith.constant 0 : i32
    %dma_wait3A_258 = arith.constant 0 : i32
    %dma_wait3A_259 = tpu.memref_slice %arg4[%dma_wait3A_248, %dma_wait3A_249, %add3A, %dma_wait3A_257, %dma_wait3A_258] : memref<200x8x32x8x128xf32, #tpu.memory_space<hbm>> -> memref<1x1x1x8x128xf32, #tpu.memory_space<hbm>>
    %dma_wait3A_260 = tpu.memref_squeeze %dma_wait3A_259 : memref<1x1x1x8x128xf32, #tpu.memory_space<hbm>> -> memref<8x128xf32, #tpu.memory_space<hbm>>
    %dma_wait3A_261 = arith.constant 40 : i32
    %dma_wait3A_262 = arith.constant 0 : i32
    %dma_wait3A_263 = tpu.memref_slice %arg8[%dma_wait3A_261, %dma_wait3A_262] : memref<64x129xf32, #tpu.memory_space<vmem>> -> memref<8x128xf32, #tpu.memory_space<vmem>>
    tpu.wait_dma2 semaphore(%arg12 : memref<!tpu.dma_semaphore, #tpu.memory_space<semaphore_mem>>) src(%dma_wait3A_263 : memref<8x128xf32, #tpu.memory_space<vmem>>) dst(%dma_wait3A_260 : memref<8x128xf32, #tpu.memory_space<hbm>>)
    %dma_wait3A_264 = arith.constant 199 : i32
    %dma_wait3A_265 = arith.constant 6 : i32
    %dma_wait3A_266 = arith.constant 48 : i32
    %dma_wait3A_267 = arith.constant 0 : i32
    %dma_wait3A_268 = tpu.memref_slice %arg8[%dma_wait3A_266, %dma_wait3A_267] : memref<64x129xf32, #tpu.memory_space<vmem>> -> memref<8x128xf32, #tpu.memory_space<vmem>>
    %dma_wait3A_269 = arith.constant 0 : i32
    %dma_wait3A_270 = arith.constant 0 : i32
    %dma_wait3A_271 = tpu.memref_slice %arg4[%dma_wait3A_264, %dma_wait3A_265, %add3A, %dma_wait3A_269, %dma_wait3A_270] : memref<200x8x32x8x128xf32, #tpu.memory_space<hbm>> -> memref<1x1x1x8x128xf32, #tpu.memory_space<hbm>>
    %dma_wait3A_272 = tpu.memref_squeeze %dma_wait3A_271 : memref<1x1x1x8x128xf32, #tpu.memory_space<hbm>> -> memref<8x128xf32, #tpu.memory_space<hbm>>
    %dma_wait3A_273 = arith.constant 0 : i32
    %dma_wait3A_274 = arith.constant 0 : i32
    %dma_wait3A_275 = tpu.memref_slice %arg4[%dma_wait3A_264, %dma_wait3A_265, %add3A, %dma_wait3A_273, %dma_wait3A_274] : memref<200x8x32x8x128xf32, #tpu.memory_space<hbm>> -> memref<1x1x1x8x128xf32, #tpu.memory_space<hbm>>
    %dma_wait3A_276 = tpu.memref_squeeze %dma_wait3A_275 : memref<1x1x1x8x128xf32, #tpu.memory_space<hbm>> -> memref<8x128xf32, #tpu.memory_space<hbm>>
    %dma_wait3A_277 = arith.constant 48 : i32
    %dma_wait3A_278 = arith.constant 0 : i32
    %dma_wait3A_279 = tpu.memref_slice %arg8[%dma_wait3A_277, %dma_wait3A_278] : memref<64x129xf32, #tpu.memory_space<vmem>> -> memref<8x128xf32, #tpu.memory_space<vmem>>
    tpu.wait_dma2 semaphore(%arg12 : memref<!tpu.dma_semaphore, #tpu.memory_space<semaphore_mem>>) src(%dma_wait3A_279 : memref<8x128xf32, #tpu.memory_space<vmem>>) dst(%dma_wait3A_276 : memref<8x128xf32, #tpu.memory_space<hbm>>)
    %dma_wait3A_280 = arith.constant 199 : i32
    %dma_wait3A_281 = arith.constant 7 : i32
    %dma_wait3A_282 = arith.constant 56 : i32
    %dma_wait3A_283 = arith.constant 0 : i32
    %dma_wait3A_284 = tpu.memref_slice %arg8[%dma_wait3A_282, %dma_wait3A_283] : memref<64x129xf32, #tpu.memory_space<vmem>> -> memref<8x128xf32, #tpu.memory_space<vmem>>
    %dma_wait3A_285 = arith.constant 0 : i32
    %dma_wait3A_286 = arith.constant 0 : i32
    %dma_wait3A_287 = tpu.memref_slice %arg4[%dma_wait3A_280, %dma_wait3A_281, %add3A, %dma_wait3A_285, %dma_wait3A_286] : memref<200x8x32x8x128xf32, #tpu.memory_space<hbm>> -> memref<1x1x1x8x128xf32, #tpu.memory_space<hbm>>
    %dma_wait3A_288 = tpu.memref_squeeze %dma_wait3A_287 : memref<1x1x1x8x128xf32, #tpu.memory_space<hbm>> -> memref<8x128xf32, #tpu.memory_space<hbm>>
    %dma_wait3A_289 = arith.constant 0 : i32
    %dma_wait3A_290 = arith.constant 0 : i32
    %dma_wait3A_291 = tpu.memref_slice %arg4[%dma_wait3A_280, %dma_wait3A_281, %add3A, %dma_wait3A_289, %dma_wait3A_290] : memref<200x8x32x8x128xf32, #tpu.memory_space<hbm>> -> memref<1x1x1x8x128xf32, #tpu.memory_space<hbm>>
    %dma_wait3A_292 = tpu.memref_squeeze %dma_wait3A_291 : memref<1x1x1x8x128xf32, #tpu.memory_space<hbm>> -> memref<8x128xf32, #tpu.memory_space<hbm>>
    %dma_wait3A_293 = arith.constant 56 : i32
    %dma_wait3A_294 = arith.constant 0 : i32
    %dma_wait3A_295 = tpu.memref_slice %arg8[%dma_wait3A_293, %dma_wait3A_294] : memref<64x129xf32, #tpu.memory_space<vmem>> -> memref<8x128xf32, #tpu.memory_space<vmem>>
    tpu.wait_dma2 semaphore(%arg12 : memref<!tpu.dma_semaphore, #tpu.memory_space<semaphore_mem>>) src(%dma_wait3A_295 : memref<8x128xf32, #tpu.memory_space<vmem>>) dst(%dma_wait3A_292 : memref<8x128xf32, #tpu.memory_space<hbm>>)
    return
  }
}

module attributes {stable_mosaic.version = 14 : i64} {
  func.func @body(%arg0: i32, %arg1: memref<64x8192xf32, #tpu.memory_space<vmem>>, %arg2: memref<8192x128xf32, #tpu.memory_space<vmem>>) attributes {dimension_semantics = [#tpu.dimension_semantics<arbitrary>], iteration_bounds = array<i64: 123>, scalar_prefetch = 0 : i64, scratch_operands = 0 : i64, tpu.core_type = #tpu.core_type<tc>, window_params = [{transform_indices = @transform_0, window_bounds = array<i64: 64, 8192>}, {transform_indices = @transform_1, window_bounds = array<i64: 8192, 128>}]} {
    %get3A = arith.constant 0 : index
    %get3A_0 = arith.constant 0 : index
    %get3A_1 = vector.load %arg1[%get3A, %get3A_0] : memref<64x8192xf32, #tpu.memory_space<vmem>>, vector<64x8192xf32>
    %transpose3A = tpu.transpose %get3A_1, [1, 0] : vector<64x8192xf32> -> vector<8192x64xf32>
    %concatenate3A = tpu.concatenate %transpose3A, %transpose3A in 1 : vector<8192x64xf32>, vector<8192x64xf32> -> vector<8192x128xf32>
    %swap3A = arith.constant 0 : index
    %swap3A_2 = arith.constant 0 : index
    %swap3A_3 = vector.load %arg2[%swap3A, %swap3A_2] : memref<8192x128xf32, #tpu.memory_space<vmem>>, vector<8192x128xf32>
    tpu.vector_store %arg2[%swap3A, %swap3A_2], %concatenate3A {strides = array<i32>} : memref<8192x128xf32, #tpu.memory_space<vmem>>, vector<8192x128xf32>,
    return
  }
  func.func @transform_0(%arg0: i32) -> (i32, i32) {
    %c0_i32 = arith.constant 0 : i32
    %c0_i32_0 = arith.constant 0 : i32
    return %c0_i32, %arg0 : i32, i32
  }
  func.func @transform_1(%arg0: i32) -> (i32, i32) {
    %c0_i32 = arith.constant 0 : i32
    %c0_i32_0 = arith.constant 0 : i32
    return %arg0, %c0_i32 : i32, i32
  }
}

</mosaic_0001>

<sc_bundles>
// kernel: kernel.4.cloned.1.call-start
scs
__scs_entry_jumppad:
0x0: {  	(pc) =	sbr.rel $0x88, $3  }
0x1: {  	(tag) =	ssettag $0x0;
	lr =	simm.s32 $0x1  }
0x2: {  	[smem:$0x3F9F] =	sst lr;
	_ =	strace $0xD0000000  }
0x3: {  	_ = 	snop  }
0x4: {  	_ = 	snop  }
0x5: {  	_ = 	snop  }
0x6: {  	_ = 	snop  }
0x7: {  	_ = 	snop  }
__scs_overlays_trampoline_lowered:
0x8: {  	[smem:$0x3FAE] =	sst s0  }
0x9: {  	[smem:$0x3FAF] =	sst s1  }
0xa: {  	[smem:$0x3FB0] =	sst s2  }
0xb: {  	[smem:$0x3FB1] =	sst s3  }
0xc: {  	[smem:$0x3FB2] =	sst s4  }
0xd: {  	[smem:$0x3FB3] =	sst s5  }
0xe: {  	[smem:$0x3FB4] =	sst s6  }
0xf: {  	[smem:$0x3FB5] =	sst s7  }
0x10: {  	[smem:$0x3FB6] =	sst s8  }
0x11: {  	[smem:$0x3FB7] =	sst s9;
	s0 =	simm.s32 @!p0 $0x0  }
0x12: {  	s1 =	sld [smem:$0x3F9D];
	s0 =	simm.s32 @p0 $0x1  }
0x13: {  	[smem:$0x3FB8] =	sst s0;
	s0 =	simm.s32 @!p1 $0x0  }
0x14: {  	s2 =	sld [smem:$0x3F9C];
	s0 =	simm.s32 @p1 $0x1  }
0x15: {  	[smem:$0x3FB9] =	sst s0;
	s0 =	simm.s32 @!p2 $0x0  }
0x16: {  	s3 =	sld [smem:$0x3FDB];
	s0 =	simm.s32 @p2 $0x1  }
0x17: {  	s4 =	simm.s32 $0x1BF5;
	[smem:$0x3FBB] =	sst s0  }
0x18: {  	s0 =	sld [smem:$0x3F9E];
	_ =	swait.ge [sflag:s4], $0x0  }
0x19: {  	s7 =	sld [smem:$0x3F9F]  }
0x1a: {  	s8 =	sadd.s32 $0xFFFFE003, lr  }
0x1b: {  	s9 =	sadd.s32 $0xFFFFFEF7, lr;
	s5 =	simm.s32 $0xFFFFFFFF;
	p2 =	slt.u32 s8, $0xFFFFF086  }
0x1c: {  	p1 =	slt.u32 s9, $0xF7A;
	s5 =	simm.s32 @!p2 $0x0  }
0x1d: {  	s5 =	simm.s32 @p1 $0x1;
	p0 =	seq.s32 s7, s2  }
0x1e: {  	s7 =	smul.u32 @!p0 $0xF7A, s2;
	p2 =	seq.s32 @!p0 s5, $0x0  }
0x1f: {  	s9 =	smul.u32 $0xF7A, s1;
	s8 =	simm.s32 @!p0 $0x1BF5;
	p2 =	por !p2, p0  }
0x20: {  	[sflag:s8] =	ssyncset.s32 @!p0 $0xFFFFF086;
	s6 =	sadd.s32 @!p0 s3, s7;
	s7 =	simm.s32 @!p0 $0x108  }
0x21: {  	s3 =	sadd.s32 s3, s9;
	s6 =	sadd.s32 @!p0 $0x88, s6;
	s7 =	simm.s32 @p2 $0x1082  }
0x22: {  	[simem:s7], [sflag:s8] =	dma.local @!p0 [hbm:s6], $0xF7A  }
0x23: {  	s9 =	sor.u32 $0xD0000000, s2;
	s6 =	simm.s32 $0x108;
	_ =	swait.ge @!p0 [sflag:s8], $0x0  }
0x24: {  	s3 =	sadd.s32 $0x88, s3;
	s6 =	simm.s32 @!p1 $0x1082;
	[sflag:s4] =	ssyncset.s32 $0xFFFFF086  }
0x25: {  	[simem:s6], [sflag:s4] =	dma.local [hbm:s3], $0xF7A  }
0x26: {  	[smem:$0x3F9F] =	sst s1;
	(tag) =	ssettag s2;
	_ =	strace s9  }
0x27: {  	s1 =	sld [smem:$0x3FAF]  }
0x28: {  	s2 =	sld [smem:$0x3FB0]  }
0x29: {  	s4 =	sld [smem:$0x3FB2]  }
0x2a: {  	p0 =	seq.s32 s5, $0x0;
	s5 =	sld [smem:$0x3FB3]  }
0x2b: {  	s6 =	sld [smem:$0x3FB4]  }
0x2c: {  	s7 =	sld [smem:$0x3FB5]  }
0x2d: {  	s3 =	simm.s32 $0x108;
	s8 =	sld [smem:$0x3FB6]  }
0x2e: {  	s3 =	simm.s32 @!p0 $0x1082;
	s9 =	sld [smem:$0x3FB7]  }
0x2f: {  	lr =	sadd.s32 s0, s3;
	s0 =	sld [smem:$0x3FAE]  }
0x30: {  	s3 =	sld [smem:$0x3FB1]  }
0x31: {  	[smem:$0x3FBA] =	sst s10  }
0x32: {  	s10 =	sld [smem:$0x3FB8];
	_ =	sdelay $0x3  }
0x33: {  	p0 =	seq.s32 s10, $0x1;
	s10 =	sld [smem:$0x3FBA];
	_ =	sdelay $0x3  }
0x34: {  	[smem:$0x3FBA] =	sst s10  }
0x35: {  	s10 =	sld [smem:$0x3FB9];
	_ =	sdelay $0x3  }
0x36: {  	p1 =	seq.s32 s10, $0x1;
	s10 =	sld [smem:$0x3FBA];
	_ =	sdelay $0x3  }
0x37: {  	[smem:$0x3FBA] =	sst s10  }
0x38: {  	s10 =	sld [smem:$0x3FBB]  }
0x39: {  	_ = 	snop;
	(pc) =	sbr.ind lr, $3  }
0x3a: {  	_ = 	snop  }
0x3b: {  	_ = 	snop  }
0x3c: {  	p2 =	seq.s32 s10, $0x1;
	s10 =	sld [smem:$0x3FBA]  }
0x3d: {  	_ =	shalt  }
0x3e: {  	_ =	shalt  }
0x3f: {  	_ =	shalt  }
0x40: {  	_ =	shalt  }
0x41: {  	_ =	shalt  }
0x42: {  	_ =	shalt  }
0x43: {  	_ =	shalt  }
0x44: {  	_ =	shalt  }
0x45: {  	_ =	shalt  }
0x46: {  	_ =	shalt  }
0x47: {  	_ =	shalt  }
0x48: {  	_ =	shalt  }
0x49: {  	_ =	shalt  }
0x4a: {  	_ =	shalt  }
0x4b: {  	_ =	shalt  }
0x4c: {  	_ =	shalt  }
0x4d: {  	_ =	shalt  }
0x4e: {  	_ =	shalt  }
0x4f: {  	_ =	shalt  }
0x50: {  	_ =	shalt  }
0x51: {  	_ =	shalt  }
0x52: {  	_ =	shalt  }
0x53: {  	_ =	shalt  }
0x54: {  	_ =	shalt  }
0x55: {  	_ =	shalt  }
0x56: {  	_ =	shalt  }
0x57: {  	_ =	shalt  }
0x58: {  	_ =	shalt  }
0x59: {  	_ =	shalt  }
0x5a: {  	_ =	shalt  }
0x5b: {  	_ =	shalt  }
0x5c: {  	_ =	shalt  }
0x5d: {  	_ =	shalt  }
0x5e: {  	_ =	shalt  }
0x5f: {  	_ =	shalt  }
0x60: {  	_ =	shalt  }
0x61: {  	_ =	shalt  }
0x62: {  	_ =	shalt  }
0x63: {  	_ =	shalt  }
0x64: {  	_ =	shalt  }
0x65: {  	_ =	shalt  }
0x66: {  	_ =	shalt  }
0x67: {  	_ =	shalt  }
0x68: {  	_ =	shalt  }
0x69: {  	_ =	shalt  }
0x6a: {  	_ =	shalt  }
0x6b: {  	_ =	shalt  }
0x6c: {  	_ =	shalt  }
0x6d: {  	_ =	shalt  }
0x6e: {  	_ =	shalt  }
0x6f: {  	_ =	shalt  }
0x70: {  	_ =	shalt  }
0x71: {  	_ =	shalt  }
0x72: {  	_ =	shalt  }
0x73: {  	_ =	shalt  }
0x74: {  	_ =	shalt  }
0x75: {  	_ =	shalt  }
0x76: {  	_ =	shalt  }
0x77: {  	_ =	shalt  }
0x78: {  	_ =	shalt  }
0x79: {  	_ =	shalt  }
0x7a: {  	_ =	shalt  }
0x7b: {  	_ =	shalt  }
0x7c: {  	_ =	shalt  }
0x7d: {  	_ =	shalt  }
0x7e: {  	_ =	shalt  }
0x7f: {  	_ =	shalt  }
0x80: {  	_ =	shalt  }
0x81: {  	_ =	shalt  }
0x82: {  	_ =	shalt  }
0x83: {  	_ =	shalt  }
0x84: {  	_ =	shalt  }
0x85: {  	_ =	shalt  }
0x86: {  	_ =	shalt  }
0x87: {  	_ =	shalt  }
.Lfunc_end0:
.L_simem_size_0:
called_computation_lowered:
.L_overlay_start_0:
0x88: {  	s2 =	sld [smem:$0x3FD9]  }
0x89: {  	s3 =	sld [smem:$0x3FFE];
	_ =	sdelay $0x1  }
0x8a: {  	s1 =	srdreg.scid  }
0x8b: {  	s0 =	sand.u32 $0x1, s1  }
0x8c: {  	s17 =	sshll.u32 s0, $0xA;
	s2 =	sadd.s32 s3, s2  }
0x8d: {  	s2 =	sadd.s32 s2, s17  }
0x8e: {  	[smem:$0x3FC6] =	sst s2  }
0x8f: {  	_ = 	snop  }
0x90: {  	s2 =	sld [smem:$0x3FD0];
	(tm) =	ssettm $0x1  }
0x91: {  	s18 =	sld [smem:$0x3FFB];
	_ =	sdelay $0x3  }
0x92: {  	_ =	strace s18  }
0x93: {  	s3 =	sld [smem:$0x3FFC];
	_ =	sdelay $0x3  }
0x94: {  	_ =	strace s3  }
0x95: {  	s3 =	sld [smem:$0x3FFD];
	_ =	sdelay $0x3  }
0x96: {  	_ =	strace s3  }
0x97: {  	_ =	strace $0x8FFFFFFF  }
0x98: {  	s19 =	sld [smem:$0x3FDB];
	_ =	sdelay $0x1  }
0x99: {  	s4 =	simm.s32 $_scs_section_size  }
0x9a: {  	s5 =	simm.s32 $_size__tile_overlayer_lowered;
	s6 =	simm.s32 $_tile_overlayer_lowered  }
0x9b: {  	s22 =	simm.s32 $0x1BFF;
	s21 =	sshll.u32 s6, $0x1;
	s3 =	sadd.s32 s4, s19  }
0x9c: {  	s7 =	simm.s32 $0x0;
	s20 =	sshll.u32 s5, $0x1;
	s5 =	sadd.s32 s21, s3  }
0x9d: {  	[timem:s7], [sflag:s22] =	dma.local [hbm:s5], s20  }
0x9e: {  	_ =	swait.ge [sflag:s22], s20  }
0x9f: {  	s4 =	ssub.s32 $0x0, s20;
	[sflag:s22] =	ssyncset.done $0x0  }
0xa0: {  	[sflag:s22] =	ssyncadd.s32 s4;
	_ =	sdelay $0x1  }
0xa1: {  	s23 =	simm.s32 $0x1B8B  }
0xa2: {  	_ =	swait.ge [sflag:s23], $0x1  }
0xa3: {  	[sflag:s23] =	ssyncset.done $0x0  }
0xa4: {  	s25 =	simm.s32 $0x1B8E;
	s24 =	sld [smem:$0x3FFE];
	[sflag:s23] =	ssyncadd.s32 $0xFFFFFFFF  }
0xa5: {  	s26 =	simm.s32 $execute0_lowered;
	[smem:$0x3FD2] =	sst s25  }
0xa6: {  	s5 =	sshll.u32 s26, $0x1;
	_ =	strace $0x80000046;
	[dreg:$0x1] =	wrdreg $0xFFFFFFFF  }
0xa7: {  	s28 =	simm.s32 $_size_execute0_lowered;
	s3 =	sadd.s32 s3, s5;
	[dreg:$0x0] =	wrdreg $0x0  }
0xa8: {  	s5 =	sshll.u32 s28, $0x1;
	[dreg:$0x2] =	wrdreg s3  }
0xa9: {  	[dreg:$0x3] =	wrdreg s5  }
0xaa: {  	[dreg:$0x4] =	wrdreg $0xC0  }
0xab: {  	_ =	task [dreg:s7], $0x5FFFF  }
0xac: {  	[dreg:$0x1] =	wrdreg $0xFFFFFFFF  }
0xad: {  	[dreg:$0x0] =	wrdreg $0x60  }
0xae: {  	[dreg:$0x2] =	wrdreg s24  }
0xaf: {  	[dreg:$0x3] =	wrdreg s2  }
0xb0: {  	[dreg:$0x4] =	wrdreg $0x9  }
0xb1: {  	_ =	task.clear_ibuf [dreg:s7], $0x5FFFF;
	_ =	strace $0x90000046  }
0xb2: {  	s29 =	simm.s32 $0x9;
	_ =	strace $0x80000048  }
0xb3: {  	_ =	swait.ge [sflag:s29], $0x1  }
0xb4: {  	[sflag:s29] =	ssyncadd.s32 $0xFFFFFFFF  }
0xb5: {  	_ =	strace $0x90000048  }
0xb6: {  	_ =	sfence  }
0xb7: {  	s30 =	sld [smem:$0x0];
	_ =	sdelay $0x2  }
0xb8: {  	s31 =	sshll.u32 s1, $0xD;
	s1 =	sshrl.u32 s1, $0x2  }
0xb9: {  	s3 =	sand.u32 $0x4000, s31;
	s1 =	sadd.s32 s1, s30  }
0xba: {  	s0 =	sor.u32 s3, s0;
	s1 =	sshll.u32 s1, $0x11  }
0xbb: {  	s0 =	sor.u32 s1, s0  }
0xbc: {  	s0 =	sadd.s32 $0x8F2B, s0  }
0xbd: {  	[sflag:s0] =	ssyncadd.remote.s32 $0x1  }
0xbe: {  	_ =	sfence.sel $0xFFFF  }
0xbf: {  	[dreg:$0x0] =	wrdreg $0xFFFFFFFF;
	(pc) =	sbr.abs _section_cstart, $3  }
0xc0: {  	[dreg:$0x1] =	wrdreg $0xFFFFFFFF  }
0xc1: {  	_ =	task.clear_ibuf [dreg:s7], $0x2FFFF;
	_ =	strace $0x9FFFFFFF  }
0xc2: {  	(tm) =	ssettm $0x7FFFFFFF  }
0xc3: {  	_ =	shalt  }
tec
execute0_lowered:
.L_overlay_start_1:
0x0: {  	(tag) =	ssettag $0x1  }
0x1: {  	s0 =	rddreg [dreg:$0x0]  }
0x2: {  	s21 =	rddreg [dreg:$0x1];
	s1 =	srdreg.scid;
	v0 =	vlaneseq.u32  }
0x3: {  	s2 =	stileid.u32;
	s3 =	simm.s32 $0x0;
	s29 =	simm.s32 $0x1;
	v0 =	vmul.u32 $0x88, v0  }
0x4: {  	s30 =	simm.s32 $0xE400;
	s23 =	simm.s32 $0x2;
	s25 =	simm.s32 $0x10600;
	v1 =	vimm.s32 $0x0;
	vm0 =	vcmask $0x300  }
0x5: {  	s22 =	simm.s32 $0x12778;
	s1 =	sand.u32 $0x1, s1;
	s2 =	sshll.u32 s2, $0x1;
	v1 =	vsel vm0, $0x3, v1;
	v2 =	vadd.s32 $0x880, v0  }
0x6: {  	[smem:$0x7FF] =	sst s3;
	s7 =	sadd.s32 $0x1000, s21;
	s8 =	sadd.s32 $0x2000, s21;
	v3 =	vadd.s32 $0x1100, v0;
	v4 =	vadd.s32 $0x1980, v0;
	v5 =	vor.u32 $0x1, v0  }
0x7: {  	s9 =	sadd.s32 $0x3000, s21;
	s10 =	sadd.s32 $0x4000, s21;
	s11 =	sadd.s32 $0x5000, s21;
	v6 =	vadd.s32 $0x881, v0;
	v7 =	vadd.s32 $0x1101, v0;
	v8 =	vadd.s32 $0x1981, v0  }
0x8: {  	s12 =	sadd.s32 $0x6000, s21;
	s13 =	sadd.s32 $0x7000, s21;
	s14 =	sadd.s32 $0x8000, s21;
	v9 =	vor.u32 $0x2, v0;
	v10 =	vadd.s32 $0x882, v0;
	v11 =	vadd.s32 $0x1102, v0  }
0x9: {  	s15 =	sadd.s32 $0x9000, s21;
	s16 =	sadd.s32 $0xA000, s21;
	s17 =	sadd.s32 $0xB000, s21;
	v12 =	vadd.s32 $0x1982, v0;
	v13 =	vor.u32 $0x3, v0;
	v14 =	vadd.s32 $0x883, v0  }
0xa: {  	s18 =	sadd.s32 $0xC000, s21;
	s19 =	sadd.s32 $0xD000, s21;
	s2 =	sor.u32 s1, s2;
	v15 =	vadd.s32 $0x1103, v0;
	v16 =	vadd.s32 $0x1983, v0;
	v17 =	vor.u32 $0x4, v0  }
0xb: {  	s20 =	sadd.s32 $0xE000, s21;
	s1 =	ssub.s32 $0x2, s1;
	s4 =	sshll.u32 s2, $0x4;
	v18 =	vadd.s32 $0x884, v0;
	v19 =	vadd.s32 $0x1104, v0;
	v20 =	vadd.s32 $0x1984, v0  }
0xc: {  	s21 =	sadd.s32 $0xF000, s21;
	s5 =	sshrl.u32 s1, $0x1;
	v21 =	vor.u32 $0x5, v0;
	v22 =	vadd.s32 $0x885, v0;
	v23 =	vadd.s32 $0x1105, v0;
	s6 =	sadd.s32 s4, s0  }
0xd: {  	_ =	strace $0x80000047;
	v24 =	vadd.s32 $0x1985, v0;
	v25 =	vor.u32 $0x6, v0;
	v26 =	vadd.s32 $0x886, v0;
	s28 =	ssub.s32 s1, s5;
	s31 =	sadd.s32 $0x400, s6  }
0xe: {  	v27 =	vadd.s32 $0x1106, v0;
	v28 =	vadd.s32 $0x1986, v0;
	v29 =	vor.u32 $0x7, v0;
	s4 =	sadd.s32 $0x19400, s0;
	s0 =	smax.u32 s28, $0x1;
	[dreg:$0x3] =	wrdreg s31  }
0xf: {  	v30 =	vadd.s32 $0x887, v0;
	v31 =	vadd.s32 $0x1107, v0;
	v32 =	vadd.s32 $0x1987, v0;
	s6 =	sshll.u32 s2, $0x7;
	s2 =	simm.s32 $0x0;
	[dreg:$0x4] =	wrdreg s0  }
.LBB2_1:
0x10: {  	[dreg:$0x5] =	wrdreg s2  }
0x11: {  	s0 =	rddreg [dreg:$0x3]  }
0x12: {  	s1 =	simm.s32 $0x80;
	s24 =	simm.s32 $0x1000;
	s26 =	simm.s32 $0x5  }
0x13: {  	[tilespmem:s3], [sflag:$0x5] =	stream.strided.gather [hbm4b:s0+s1], $0x6400, s24, s1, $0x38;
	[tilespmem:$0x12800] =	vst v63  }
0x14: {  	_ =	swait.ge [sflag:s26], $0x6400  }
0x15: {  	[sflag:s26] =	ssyncset.done $0x0  }
0x16: {  	s28 =	simm.s32 $0x6400;
	[sflag:s26] =	ssyncadd.s32 $0xFFFF9C00  }
0x17: {  	[tilespmem:s28], [sflag:$0x1] =	stream.indirect.gather [hbm4b:s4+s1], $0x80, s3, s1, $0xb8;
	[tilespmem:$0x12800] =	vst v63  }
0x18: {  	s31 =	simm.s32 $0xA400;
	s2 =	simm.s32 $0x0  }
0x19: {  	[tilespmem:s31], [sflag:$0x2] =	stream.indirect.gather [hbm4b:s4+s1], $0x80, s1, s1, $0xb8;
	[tilespmem:$0x12800] =	vst v63  }
.LBB2_2:
0x1a: {  	_ =	swait.ge [sflag:s29], $0x4000  }
0x1b: {  	p0 =	seq.s32 s2, $0x0;
	[sflag:s29] =	ssyncset.done $0x0  }
0x1c: {  	s0 =	simm.s32 @!p0 $0x3;
	[sflag:s29] =	ssyncadd.s32 $0xFFFFC000  }
0x1d: {  	_ =	swait.ge @!p0 [sflag:s0], $0x400  }
0x1e: {  	[sflag:s0] =	ssyncset.done @!p0 $0x0  }
0x1f: {  	[sflag:s0] =	ssyncadd.s32 @!p0 $0xFFFFFC00  }
0x20: {  	_ =	swait.ge @!p0 [sflag:s0], $0x400  }
0x21: {  	[sflag:s0] =	ssyncset.done @!p0 $0x0  }
0x22: {  	[sflag:s0] =	ssyncadd.s32 @!p0 $0xFFFFFC00  }
0x23: {  	_ =	swait.ge @!p0 [sflag:s0], $0x400  }
0x24: {  	[sflag:s0] =	ssyncset.done @!p0 $0x0  }
0x25: {  	[sflag:s0] =	ssyncadd.s32 @!p0 $0xFFFFFC00  }
0x26: {  	_ =	swait.ge @!p0 [sflag:s0], $0x400  }
0x27: {  	[sflag:s0] =	ssyncset.done @!p0 $0x0  }
0x28: {  	[sflag:s0] =	ssyncadd.s32 @!p0 $0xFFFFFC00  }
0x29: {  	_ =	swait.ge @!p0 [sflag:s0], $0x400  }
0x2a: {  	[sflag:s0] =	ssyncset.done @!p0 $0x0  }
0x2b: {  	[sflag:s0] =	ssyncadd.s32 @!p0 $0xFFFFFC00  }
0x2c: {  	_ =	swait.ge @!p0 [sflag:s0], $0x400  }
0x2d: {  	[sflag:s0] =	ssyncset.done @!p0 $0x0  }
0x2e: {  	[sflag:s0] =	ssyncadd.s32 @!p0 $0xFFFFFC00  }
0x2f: {  	s1 =	simm.s32 $0x0;
	_ =	swait.ge @!p0 [sflag:s0], $0x400  }
0x30: {  	v33 =	vmov s1;
	[sflag:s0] =	ssyncset.done @!p0 $0x0  }
0x31: {  	v33 =	vshrl.u32 v33, $0x3;
	[sflag:s0] =	ssyncadd.s32 @!p0 $0xFFFFFC00  }
0x32: {  	v33 =	vshll.u32 v33, v1;
	_ =	swait.ge @!p0 [sflag:s0], $0x400  }
0x33: {  	v33 =	vbroadcast v33, $0x0;
	[sflag:s0] =	ssyncset.done @!p0 $0x0  }
0x34: {  	s31 =	simm.s32 $0x6600;
	[sflag:s0] =	ssyncadd.s32 @!p0 $0xFFFFFC00  }
0x35: {  	v35 =	vadd.s32 v0, v33;
	v34 =	vld [tilespmem:s31+$0xFFFFFE00];
	_ =	sdelay $0x4  }
0x36: {  	[tilespmem:v35+s30+$0x0] =	vst.idx.msk $0xffff, v34  }
0x37: {  	v56 =	vadd.s32 v2, v33;
	v34 =	vld [tilespmem:s31+$0xFFFFFE10];
	_ =	sdelay $0x4  }
0x38: {  	[tilespmem:v56+s30+$0x0] =	vst.idx.msk $0xffff, v34  }
0x39: {  	v57 =	vadd.s32 v3, v33;
	v34 =	vld [tilespmem:s31+$0xFFFFFE20];
	_ =	sdelay $0x4  }
0x3a: {  	[tilespmem:v57+s30+$0x0] =	vst.idx.msk $0xffff, v34  }
0x3b: {  	s26 =	simm.s32 $0x1;
	v33 =	vadd.s32 v4, v33;
	v34 =	vld [tilespmem:s31+$0xFFFFFE30]  }
0x3c: {  	v58 =	vmov s26  }
0x3d: {  	v35 =	vshrl.u32 v58, $0x3  }
0x3e: {  	v35 =	vshll.u32 v35, v1  }
0x3f: {  	v35 =	vbroadcast v35, $0x0  }
0x40: {  	[tilespmem:v33+s30+$0x0] =	vst.idx.msk $0xffff, v34  }
0x41: {  	v59 =	vadd.s32 v5, v35;
	v33 =	vld [tilespmem:s31+$0xFFFFFE80];
	_ =	sdelay $0x4  }
0x42: {  	[tilespmem:v59+s30+$0x0] =	vst.idx.msk $0xffff, v33  }
0x43: {  	v60 =	vadd.s32 v6, v35;
	v33 =	vld [tilespmem:s31+$0xFFFFFE90];
	_ =	sdelay $0x4  }
0x44: {  	[tilespmem:v60+s30+$0x0] =	vst.idx.msk $0xffff, v33  }
0x45: {  	v61 =	vadd.s32 v7, v35;
	v33 =	vld [tilespmem:s31+$0xFFFFFEA0];
	_ =	sdelay $0x4  }
0x46: {  	[tilespmem:v61+s30+$0x0] =	vst.idx.msk $0xffff, v33  }
0x47: {  	s28 =	simm.s32 $0x2;
	v62 =	vadd.s32 v8, v35;
	v33 =	vld [tilespmem:s31+$0xFFFFFEB0]  }
0x48: {  	v63 =	vmov s28  }
0x49: {  	v35 =	vshrl.u32 v63, $0x3  }
0x4a: {  	v35 =	vshll.u32 v35, v1  }
0x4b: {  	v35 =	vbroadcast v35, $0x0  }
0x4c: {  	[tilespmem:v62+s30+$0x0] =	vst.idx.msk $0xffff, v33  }
0x4d: {  	v36 =	vadd.s32 v9, v35;
	v33 =	vld [tilespmem:s31+$0xFFFFFF00];
	_ =	sdelay $0x4  }
0x4e: {  	[tilespmem:v36+s30+$0x0] =	vst.idx.msk $0xffff, v33  }
0x4f: {  	v37 =	vadd.s32 v10, v35;
	v33 =	vld [tilespmem:s31+$0xFFFFFF10];
	_ =	sdelay $0x4  }
0x50: {  	[tilespmem:v37+s30+$0x0] =	vst.idx.msk $0xffff, v33  }
0x51: {  	v38 =	vadd.s32 v11, v35;
	v33 =	vld [tilespmem:s31+$0xFFFFFF20];
	_ =	sdelay $0x4  }
0x52: {  	[tilespmem:v38+s30+$0x0] =	vst.idx.msk $0xffff, v33  }
0x53: {  	s1 =	simm.s32 $0x3;
	v39 =	vadd.s32 v12, v35;
	v33 =	vld [tilespmem:s31+$0xFFFFFF30]  }
0x54: {  	v40 =	vmov s1  }
0x55: {  	v35 =	vshrl.u32 v40, $0x3  }
0x56: {  	v35 =	vshll.u32 v35, v1  }
0x57: {  	v35 =	vbroadcast v35, $0x0  }
0x58: {  	[tilespmem:v39+s30+$0x0] =	vst.idx.msk $0xffff, v33  }
0x59: {  	v41 =	vadd.s32 v13, v35;
	v33 =	vld [tilespmem:s31+$0xFFFFFF80];
	_ =	sdelay $0x4  }
0x5a: {  	[tilespmem:v41+s30+$0x0] =	vst.idx.msk $0xffff, v33  }
0x5b: {  	v42 =	vadd.s32 v14, v35;
	v33 =	vld [tilespmem:s31+$0xFFFFFF90];
	_ =	sdelay $0x4  }
0x5c: {  	[tilespmem:v42+s30+$0x0] =	vst.idx.msk $0xffff, v33  }
0x5d: {  	v43 =	vadd.s32 v15, v35;
	v33 =	vld [tilespmem:s31+$0xFFFFFFA0];
	_ =	sdelay $0x4  }
0x5e: {  	[tilespmem:v43+s30+$0x0] =	vst.idx.msk $0xffff, v33  }
0x5f: {  	s5 =	simm.s32 $0x4;
	v44 =	vadd.s32 v16, v35;
	v33 =	vld [tilespmem:s31+$0xFFFFFFB0]  }
0x60: {  	v45 =	vmov s5  }
0x61: {  	v35 =	vshrl.u32 v45, $0x3  }
0x62: {  	v35 =	vshll.u32 v35, v1  }
0x63: {  	v35 =	vbroadcast v35, $0x0  }
0x64: {  	[tilespmem:v44+s30+$0x0] =	vst.idx.msk $0xffff, v33  }
0x65: {  	v46 =	vadd.s32 v17, v35;
	v33 =	vld [tilespmem:s31+$0x0];
	_ =	sdelay $0x4  }
0x66: {  	[tilespmem:v46+s30+$0x0] =	vst.idx.msk $0xffff, v33  }
0x67: {  	v47 =	vadd.s32 v18, v35;
	v33 =	vld [tilespmem:s31+$0x10];
	_ =	sdelay $0x4  }
0x68: {  	[tilespmem:v47+s30+$0x0] =	vst.idx.msk $0xffff, v33  }
0x69: {  	v48 =	vadd.s32 v19, v35;
	v33 =	vld [tilespmem:s31+$0x20];
	_ =	sdelay $0x4  }
0x6a: {  	[tilespmem:v48+s30+$0x0] =	vst.idx.msk $0xffff, v33  }
0x6b: {  	s24 =	simm.s32 $0x5;
	v49 =	vadd.s32 v20, v35;
	v33 =	vld [tilespmem:s31+$0x30]  }
0x6c: {  	v50 =	vmov s24  }
0x6d: {  	v35 =	vshrl.u32 v50, $0x3  }
0x6e: {  	v35 =	vshll.u32 v35, v1  }
0x6f: {  	v35 =	vbroadcast v35, $0x0  }
0x70: {  	[tilespmem:v49+s30+$0x0] =	vst.idx.msk $0xffff, v33  }
0x71: {  	v51 =	vadd.s32 v21, v35;
	v33 =	vld [tilespmem:s31+$0x80];
	_ =	sdelay $0x4  }
0x72: {  	[tilespmem:v51+s30+$0x0] =	vst.idx.msk $0xffff, v33  }
0x73: {  	v52 =	vadd.s32 v22, v35;
	v33 =	vld [tilespmem:s31+$0x90];
	_ =	sdelay $0x4  }
0x74: {  	[tilespmem:v52+s30+$0x0] =	vst.idx.msk $0xffff, v33  }
0x75: {  	v53 =	vadd.s32 v23, v35;
	v33 =	vld [tilespmem:s31+$0xA0];
	_ =	sdelay $0x4  }
0x76: {  	[tilespmem:v53+s30+$0x0] =	vst.idx.msk $0xffff, v33  }
0x77: {  	s26 =	simm.s32 $0x6;
	v54 =	vadd.s32 v24, v35;
	v33 =	vld [tilespmem:s31+$0xB0]  }
0x78: {  	v55 =	vmov s26  }
0x79: {  	v35 =	vshrl.u32 v55, $0x3  }
0x7a: {  	v35 =	vshll.u32 v35, v1  }
0x7b: {  	v35 =	vbroadcast v35, $0x0  }
0x7c: {  	[tilespmem:v54+s30+$0x0] =	vst.idx.msk $0xffff, v33  }
0x7d: {  	v56 =	vadd.s32 v25, v35;
	v33 =	vld [tilespmem:s31+$0x100];
	_ =	sdelay $0x4  }
0x7e: {  	[tilespmem:v56+s30+$0x0] =	vst.idx.msk $0xffff, v33  }
0x7f: {  	v57 =	vadd.s32 v26, v35;
	v33 =	vld [tilespmem:s31+$0x110];
	_ =	sdelay $0x4  }
0x80: {  	[tilespmem:v57+s30+$0x0] =	vst.idx.msk $0xffff, v33  }
0x81: {  	v58 =	vadd.s32 v27, v35;
	v33 =	vld [tilespmem:s31+$0x120];
	_ =	sdelay $0x4  }
0x82: {  	[tilespmem:v58+s30+$0x0] =	vst.idx.msk $0xffff, v33  }
0x83: {  	s28 =	simm.s32 $0x7;
	v59 =	vadd.s32 v28, v35;
	v33 =	vld [tilespmem:s31+$0x130]  }
0x84: {  	v60 =	vmov s28  }
0x85: {  	v35 =	vshrl.u32 v60, $0x3  }
0x86: {  	v35 =	vshll.u32 v35, v1  }
0x87: {  	v35 =	vbroadcast v35, $0x0  }
0x88: {  	[tilespmem:v59+s30+$0x0] =	vst.idx.msk $0xffff, v33  }
0x89: {  	v61 =	vadd.s32 v29, v35;
	v33 =	vld [tilespmem:s31+$0x180];
	_ =	sdelay $0x4  }
0x8a: {  	[tilespmem:v61+s30+$0x0] =	vst.idx.msk $0xffff, v33  }
0x8b: {  	v62 =	vadd.s32 v30, v35;
	v33 =	vld [tilespmem:s31+$0x190];
	_ =	sdelay $0x4  }
0x8c: {  	[tilespmem:v62+s30+$0x0] =	vst.idx.msk $0xffff, v33  }
0x8d: {  	v63 =	vadd.s32 v31, v35;
	v33 =	vld [tilespmem:s31+$0x1A0];
	_ =	sdelay $0x4  }
0x8e: {  	s24 =	simm.s32 $0x17;
	[tilespmem:v63+s30+$0x0] =	vst.idx.msk $0xffff, v33  }
0x8f: {  	s1 =	simm.s32 $0xF;
	s26 =	simm.s32 $0x8;
	s0 =	sshll.u32 s2, $0xA;
	v34 =	vadd.s32 v32, v35;
	v33 =	vld [tilespmem:s31+$0x1B0]  }
.LBB2_3:
0x90: {  	p1 =	sne.s32 s24, $0x7F;
	v35 =	vmov s26  }
0x91: {  	v35 =	vshrl.u32 v35, $0x3  }
0x92: {  	v35 =	vshll.u32 v35, v1  }
0x93: {  	v35 =	vbroadcast v35, $0x0  }
0x94: {  	s31 =	sadd.s32 $0x400, s31;
	[tilespmem:v34+s30+$0x0] =	vst.idx.msk $0xffff, v33  }
0x95: {  	v33 =	vld [tilespmem:s31+$0xFFFFFE00];
	v34 =	vadd.s32 v0, v35;
	_ =	sdelay $0x4  }
0x96: {  	[tilespmem:v34+s30+$0x0] =	vst.idx.msk $0xffff, v33  }
0x97: {  	v34 =	vadd.s32 v2, v35;
	v33 =	vld [tilespmem:s31+$0xFFFFFE10];
	_ =	sdelay $0x4  }
0x98: {  	[tilespmem:v34+s30+$0x0] =	vst.idx.msk $0xffff, v33  }
0x99: {  	v34 =	vadd.s32 v3, v35;
	v33 =	vld [tilespmem:s31+$0xFFFFFE20];
	_ =	sdelay $0x4  }
0x9a: {  	[tilespmem:v34+s30+$0x0] =	vst.idx.msk $0xffff, v33  }
0x9b: {  	s5 =	sadd.s32 $0xFFFFFFFA, s1;
	v34 =	vadd.s32 v4, v35;
	v33 =	vld [tilespmem:s31+$0xFFFFFE30]  }
0x9c: {  	v35 =	vmov s5  }
0x9d: {  	v35 =	vshrl.u32 v35, $0x3  }
0x9e: {  	v35 =	vshll.u32 v35, v1  }
0x9f: {  	v35 =	vbroadcast v35, $0x0  }
0xa0: {  	[tilespmem:v34+s30+$0x0] =	vst.idx.msk $0xffff, v33  }
0xa1: {  	v34 =	vadd.s32 v5, v35;
	v33 =	vld [tilespmem:s31+$0xFFFFFE80];
	_ =	sdelay $0x4  }
0xa2: {  	[tilespmem:v34+s30+$0x0] =	vst.idx.msk $0xffff, v33  }
0xa3: {  	v34 =	vadd.s32 v6, v35;
	v33 =	vld [tilespmem:s31+$0xFFFFFE90];
	_ =	sdelay $0x4  }
0xa4: {  	[tilespmem:v34+s30+$0x0] =	vst.idx.msk $0xffff, v33  }
0xa5: {  	v34 =	vadd.s32 v7, v35;
	v33 =	vld [tilespmem:s31+$0xFFFFFEA0];
	_ =	sdelay $0x4  }
0xa6: {  	[tilespmem:v34+s30+$0x0] =	vst.idx.msk $0xffff, v33  }
0xa7: {  	s5 =	sadd.s32 $0xFFFFFFFB, s1;
	v34 =	vadd.s32 v8, v35;
	v33 =	vld [tilespmem:s31+$0xFFFFFEB0]  }
0xa8: {  	v35 =	vmov s5  }
0xa9: {  	v35 =	vshrl.u32 v35, $0x3  }
0xaa: {  	v35 =	vshll.u32 v35, v1  }
0xab: {  	v35 =	vbroadcast v35, $0x0  }
0xac: {  	[tilespmem:v34+s30+$0x0] =	vst.idx.msk $0xffff, v33  }
0xad: {  	v34 =	vadd.s32 v9, v35;
	v33 =	vld [tilespmem:s31+$0xFFFFFF00];
	_ =	sdelay $0x4  }
0xae: {  	[tilespmem:v34+s30+$0x0] =	vst.idx.msk $0xffff, v33  }
0xaf: {  	v34 =	vadd.s32 v10, v35;
	v33 =	vld [tilespmem:s31+$0xFFFFFF10];
	_ =	sdelay $0x4  }
0xb0: {  	[tilespmem:v34+s30+$0x0] =	vst.idx.msk $0xffff, v33  }
0xb1: {  	v34 =	vadd.s32 v11, v35;
	v33 =	vld [tilespmem:s31+$0xFFFFFF20];
	_ =	sdelay $0x4  }
0xb2: {  	[tilespmem:v34+s30+$0x0] =	vst.idx.msk $0xffff, v33  }
0xb3: {  	s5 =	sadd.s32 $0xFFFFFFFC, s1;
	v34 =	vadd.s32 v12, v35;
	v33 =	vld [tilespmem:s31+$0xFFFFFF30]  }
0xb4: {  	v35 =	vmov s5  }
0xb5: {  	v35 =	vshrl.u32 v35, $0x3  }
0xb6: {  	v35 =	vshll.u32 v35, v1  }
0xb7: {  	v35 =	vbroadcast v35, $0x0  }
0xb8: {  	[tilespmem:v34+s30+$0x0] =	vst.idx.msk $0xffff, v33  }
0xb9: {  	v34 =	vadd.s32 v13, v35;
	v33 =	vld [tilespmem:s31+$0xFFFFFF80];
	_ =	sdelay $0x4  }
0xba: {  	[tilespmem:v34+s30+$0x0] =	vst.idx.msk $0xffff, v33  }
0xbb: {  	v34 =	vadd.s32 v14, v35;
	v33 =	vld [tilespmem:s31+$0xFFFFFF90];
	_ =	sdelay $0x4  }
0xbc: {  	[tilespmem:v34+s30+$0x0] =	vst.idx.msk $0xffff, v33  }
0xbd: {  	v34 =	vadd.s32 v15, v35;
	v33 =	vld [tilespmem:s31+$0xFFFFFFA0];
	_ =	sdelay $0x4  }
0xbe: {  	[tilespmem:v34+s30+$0x0] =	vst.idx.msk $0xffff, v33  }
0xbf: {  	s5 =	sadd.s32 $0xFFFFFFFD, s1;
	v34 =	vadd.s32 v16, v35;
	v33 =	vld [tilespmem:s31+$0xFFFFFFB0]  }
0xc0: {  	v35 =	vmov s5  }
0xc1: {  	v35 =	vshrl.u32 v35, $0x3  }
0xc2: {  	v35 =	vshll.u32 v35, v1  }
0xc3: {  	v35 =	vbroadcast v35, $0x0  }
0xc4: {  	[tilespmem:v34+s30+$0x0] =	vst.idx.msk $0xffff, v33  }
0xc5: {  	v34 =	vadd.s32 v17, v35;
	v33 =	vld [tilespmem:s31+$0x0];
	_ =	sdelay $0x4  }
0xc6: {  	[tilespmem:v34+s30+$0x0] =	vst.idx.msk $0xffff, v33  }
0xc7: {  	v34 =	vadd.s32 v18, v35;
	v33 =	vld [tilespmem:s31+$0x10];
	_ =	sdelay $0x4  }
0xc8: {  	[tilespmem:v34+s30+$0x0] =	vst.idx.msk $0xffff, v33  }
0xc9: {  	v34 =	vadd.s32 v19, v35;
	v33 =	vld [tilespmem:s31+$0x20];
	_ =	sdelay $0x4  }
0xca: {  	[tilespmem:v34+s30+$0x0] =	vst.idx.msk $0xffff, v33  }
0xcb: {  	s5 =	sadd.s32 $0xFFFFFFFE, s1;
	v34 =	vadd.s32 v20, v35;
	v33 =	vld [tilespmem:s31+$0x30]  }
0xcc: {  	v35 =	vmov s5  }
0xcd: {  	v35 =	vshrl.u32 v35, $0x3  }
0xce: {  	v35 =	vshll.u32 v35, v1  }
0xcf: {  	v35 =	vbroadcast v35, $0x0  }
0xd0: {  	[tilespmem:v34+s30+$0x0] =	vst.idx.msk $0xffff, v33  }
0xd1: {  	v34 =	vadd.s32 v21, v35;
	v33 =	vld [tilespmem:s31+$0x80];
	_ =	sdelay $0x4  }
0xd2: {  	[tilespmem:v34+s30+$0x0] =	vst.idx.msk $0xffff, v33  }
0xd3: {  	v34 =	vadd.s32 v22, v35;
	v33 =	vld [tilespmem:s31+$0x90];
	_ =	sdelay $0x4  }
0xd4: {  	[tilespmem:v34+s30+$0x0] =	vst.idx.msk $0xffff, v33  }
0xd5: {  	v34 =	vadd.s32 v23, v35;
	v33 =	vld [tilespmem:s31+$0xA0];
	_ =	sdelay $0x4  }
0xd6: {  	[tilespmem:v34+s30+$0x0] =	vst.idx.msk $0xffff, v33  }
0xd7: {  	s5 =	sadd.s32 $0xFFFFFFFF, s1;
	v34 =	vadd.s32 v24, v35;
	v33 =	vld [tilespmem:s31+$0xB0]  }
0xd8: {  	v35 =	vmov s5  }
0xd9: {  	v35 =	vshrl.u32 v35, $0x3  }
0xda: {  	v35 =	vshll.u32 v35, v1  }
0xdb: {  	v35 =	vbroadcast v35, $0x0  }
0xdc: {  	[tilespmem:v34+s30+$0x0] =	vst.idx.msk $0xffff, v33  }
0xdd: {  	v34 =	vadd.s32 v25, v35;
	v33 =	vld [tilespmem:s31+$0x100];
	_ =	sdelay $0x4  }
0xde: {  	[tilespmem:v34+s30+$0x0] =	vst.idx.msk $0xffff, v33  }
0xdf: {  	v34 =	vadd.s32 v26, v35;
	v33 =	vld [tilespmem:s31+$0x110];
	_ =	sdelay $0x4  }
0xe0: {  	[tilespmem:v34+s30+$0x0] =	vst.idx.msk $0xffff, v33  }
0xe1: {  	v34 =	vadd.s32 v27, v35;
	v33 =	vld [tilespmem:s31+$0x120];
	_ =	sdelay $0x4  }
0xe2: {  	[tilespmem:v34+s30+$0x0] =	vst.idx.msk $0xffff, v33  }
0xe3: {  	v34 =	vadd.s32 v28, v35;
	v33 =	vld [tilespmem:s31+$0x130]  }
0xe4: {  	v35 =	vmov s1;
	s1 =	smov.u32 s24  }
0xe5: {  	v35 =	vshrl.u32 v35, $0x3  }
0xe6: {  	v35 =	vshll.u32 v35, v1  }
0xe7: {  	v35 =	vbroadcast v35, $0x0  }
0xe8: {  	[tilespmem:v34+s30+$0x0] =	vst.idx.msk $0xffff, v33  }
0xe9: {  	v34 =	vadd.s32 v29, v35;
	v33 =	vld [tilespmem:s31+$0x180];
	_ =	sdelay $0x4  }
0xea: {  	[tilespmem:v34+s30+$0x0] =	vst.idx.msk $0xffff, v33  }
0xeb: {  	v34 =	vadd.s32 v30, v35;
	v33 =	vld [tilespmem:s31+$0x190];
	_ =	sdelay $0x4  }
0xec: {  	[tilespmem:v34+s30+$0x0] =	vst.idx.msk $0xffff, v33  }
0xed: {  	v34 =	vadd.s32 v31, v35;
	v33 =	vld [tilespmem:s31+$0x1A0];
	_ =	sdelay $0x1  }
.Ltmp0:
0xee: {  	(pc) =	sbr.rel @p1 .LBB2_3-.Ltmp0, $3  }
0xef: {  	_ =	sdelay $0x1  }
0xf0: {  	[tilespmem:v34+s30+$0x0] =	vst.idx.msk $0xffff, v33  }
0xf1: {  	s24 =	sadd.s32 $0x8, s24;
	s26 =	sadd.s32 $0xFFFFFFF9, s1;
	v34 =	vadd.s32 v32, v35;
	v33 =	vld [tilespmem:s31+$0x1B0]  }
0xf2: {  	v35 =	vmov s26  }
0xf3: {  	v35 =	vshrl.u32 v35, $0x3  }
0xf4: {  	v35 =	vshll.u32 v35, v1  }
0xf5: {  	v35 =	vbroadcast v35, $0x0  }
0xf6: {  	s24 =	sadd.s32 $0x400, s31;
	[tilespmem:v34+s30+$0x0] =	vst.idx.msk $0xffff, v33  }
0xf7: {  	v33 =	vld [tilespmem:s24+$0xFFFFFE00];
	v42 =	vadd.s32 v0, v35;
	_ =	sdelay $0x4  }
0xf8: {  	[tilespmem:v42+s30+$0x0] =	vst.idx.msk $0xffff, v33  }
0xf9: {  	v43 =	vadd.s32 v2, v35;
	v33 =	vld [tilespmem:s24+$0xFFFFFE10];
	_ =	sdelay $0x4  }
0xfa: {  	[tilespmem:v43+s30+$0x0] =	vst.idx.msk $0xffff, v33  }
0xfb: {  	v44 =	vadd.s32 v3, v35;
	v33 =	vld [tilespmem:s24+$0xFFFFFE20];
	_ =	sdelay $0x4  }
0xfc: {  	[tilespmem:v44+s30+$0x0] =	vst.idx.msk $0xffff, v33  }
0xfd: {  	s5 =	sadd.s32 $0xFFFFFFFA, s1;
	v45 =	vadd.s32 v4, v35;
	v33 =	vld [tilespmem:s24+$0xFFFFFE30]  }
0xfe: {  	v46 =	vmov s5  }
0xff: {  	v35 =	vshrl.u32 v46, $0x3  }
0x100: {  	v35 =	vshll.u32 v35, v1  }
0x101: {  	v35 =	vbroadcast v35, $0x0  }
0x102: {  	[tilespmem:v45+s30+$0x0] =	vst.idx.msk $0xffff, v33  }
0x103: {  	v47 =	vadd.s32 v5, v35;
	v33 =	vld [tilespmem:s24+$0xFFFFFE80];
	_ =	sdelay $0x4  }
0x104: {  	[tilespmem:v47+s30+$0x0] =	vst.idx.msk $0xffff, v33  }
0x105: {  	v48 =	vadd.s32 v6, v35;
	v33 =	vld [tilespmem:s24+$0xFFFFFE90];
	_ =	sdelay $0x4  }
0x106: {  	[tilespmem:v48+s30+$0x0] =	vst.idx.msk $0xffff, v33  }
0x107: {  	v49 =	vadd.s32 v7, v35;
	v33 =	vld [tilespmem:s24+$0xFFFFFEA0];
	_ =	sdelay $0x4  }
0x108: {  	[tilespmem:v49+s30+$0x0] =	vst.idx.msk $0xffff, v33  }
0x109: {  	s28 =	sadd.s32 $0xFFFFFFFB, s1;
	v50 =	vadd.s32 v8, v35;
	v33 =	vld [tilespmem:s24+$0xFFFFFEB0]  }
0x10a: {  	v51 =	vmov s28  }
0x10b: {  	v35 =	vshrl.u32 v51, $0x3  }
0x10c: {  	v35 =	vshll.u32 v35, v1  }
0x10d: {  	v35 =	vbroadcast v35, $0x0  }
0x10e: {  	[tilespmem:v50+s30+$0x0] =	vst.idx.msk $0xffff, v33  }
0x10f: {  	v52 =	vadd.s32 v9, v35;
	v33 =	vld [tilespmem:s24+$0xFFFFFF00];
	_ =	sdelay $0x4  }
0x110: {  	[tilespmem:v52+s30+$0x0] =	vst.idx.msk $0xffff, v33  }
0x111: {  	v53 =	vadd.s32 v10, v35;
	v33 =	vld [tilespmem:s24+$0xFFFFFF10];
	_ =	sdelay $0x4  }
0x112: {  	[tilespmem:v53+s30+$0x0] =	vst.idx.msk $0xffff, v33  }
0x113: {  	v54 =	vadd.s32 v11, v35;
	v33 =	vld [tilespmem:s24+$0xFFFFFF20];
	_ =	sdelay $0x4  }
0x114: {  	[tilespmem:v54+s30+$0x0] =	vst.idx.msk $0xffff, v33  }
0x115: {  	s26 =	sadd.s32 $0xFFFFFFFC, s1;
	v55 =	vadd.s32 v12, v35;
	v33 =	vld [tilespmem:s24+$0xFFFFFF30]  }
0x116: {  	v56 =	vmov s26  }
0x117: {  	v35 =	vshrl.u32 v56, $0x3  }
0x118: {  	v35 =	vshll.u32 v35, v1  }
0x119: {  	v35 =	vbroadcast v35, $0x0  }
0x11a: {  	[tilespmem:v55+s30+$0x0] =	vst.idx.msk $0xffff, v33  }
0x11b: {  	v57 =	vadd.s32 v13, v35;
	v33 =	vld [tilespmem:s24+$0xFFFFFF80];
	_ =	sdelay $0x4  }
0x11c: {  	[tilespmem:v57+s30+$0x0] =	vst.idx.msk $0xffff, v33  }
0x11d: {  	v58 =	vadd.s32 v14, v35;
	v33 =	vld [tilespmem:s24+$0xFFFFFF90];
	_ =	sdelay $0x4  }
0x11e: {  	[tilespmem:v58+s30+$0x0] =	vst.idx.msk $0xffff, v33  }
0x11f: {  	v59 =	vadd.s32 v15, v35;
	v33 =	vld [tilespmem:s24+$0xFFFFFFA0];
	_ =	sdelay $0x4  }
0x120: {  	[tilespmem:v59+s30+$0x0] =	vst.idx.msk $0xffff, v33  }
0x121: {  	s28 =	sadd.s32 $0xFFFFFFFD, s1;
	v60 =	vadd.s32 v16, v35;
	v33 =	vld [tilespmem:s24+$0xFFFFFFB0]  }
0x122: {  	v61 =	vmov s28  }
0x123: {  	v35 =	vshrl.u32 v61, $0x3  }
0x124: {  	v35 =	vshll.u32 v35, v1  }
0x125: {  	v35 =	vbroadcast v35, $0x0  }
0x126: {  	[tilespmem:v60+s30+$0x0] =	vst.idx.msk $0xffff, v33  }
0x127: {  	v62 =	vadd.s32 v17, v35;
	v33 =	vld [tilespmem:s24+$0x0];
	_ =	sdelay $0x4  }
0x128: {  	[tilespmem:v62+s30+$0x0] =	vst.idx.msk $0xffff, v33  }
0x129: {  	v63 =	vadd.s32 v18, v35;
	v33 =	vld [tilespmem:s24+$0x10];
	_ =	sdelay $0x4  }
0x12a: {  	[tilespmem:v63+s30+$0x0] =	vst.idx.msk $0xffff, v33  }
0x12b: {  	v36 =	vadd.s32 v19, v35;
	v33 =	vld [tilespmem:s24+$0x20];
	_ =	sdelay $0x4  }
0x12c: {  	[tilespmem:v36+s30+$0x0] =	vst.idx.msk $0xffff, v33  }
0x12d: {  	s26 =	sadd.s32 $0xFFFFFFFE, s1;
	v37 =	vadd.s32 v20, v35;
	v33 =	vld [tilespmem:s24+$0x30]  }
0x12e: {  	v38 =	vmov s26  }
0x12f: {  	v35 =	vshrl.u32 v38, $0x3  }
0x130: {  	v35 =	vshll.u32 v35, v1  }
0x131: {  	v35 =	vbroadcast v35, $0x0  }
0x132: {  	[tilespmem:v37+s30+$0x0] =	vst.idx.msk $0xffff, v33  }
0x133: {  	v39 =	vadd.s32 v21, v35;
	v33 =	vld [tilespmem:s24+$0x80];
	_ =	sdelay $0x4  }
0x134: {  	[tilespmem:v39+s30+$0x0] =	vst.idx.msk $0xffff, v33  }
0x135: {  	v40 =	vadd.s32 v22, v35;
	v33 =	vld [tilespmem:s24+$0x90];
	_ =	sdelay $0x4  }
0x136: {  	[tilespmem:v40+s30+$0x0] =	vst.idx.msk $0xffff, v33  }
0x137: {  	v41 =	vadd.s32 v23, v35;
	v33 =	vld [tilespmem:s24+$0xA0];
	_ =	sdelay $0x4  }
0x138: {  	[tilespmem:v41+s30+$0x0] =	vst.idx.msk $0xffff, v33  }
0x139: {  	s28 =	sadd.s32 $0xFFFFFFFF, s1;
	v42 =	vadd.s32 v24, v35;
	v33 =	vld [tilespmem:s24+$0xB0]  }
0x13a: {  	v43 =	vmov s28  }
0x13b: {  	v35 =	vshrl.u32 v43, $0x3  }
0x13c: {  	v35 =	vshll.u32 v35, v1  }
0x13d: {  	v35 =	vbroadcast v35, $0x0  }
0x13e: {  	[tilespmem:v42+s30+$0x0] =	vst.idx.msk $0xffff, v33  }
0x13f: {  	v44 =	vadd.s32 v25, v35;
	v33 =	vld [tilespmem:s24+$0x100];
	_ =	sdelay $0x4  }
0x140: {  	[tilespmem:v44+s30+$0x0] =	vst.idx.msk $0xffff, v33  }
0x141: {  	v45 =	vadd.s32 v26, v35;
	v33 =	vld [tilespmem:s24+$0x110];
	_ =	sdelay $0x4  }
0x142: {  	[tilespmem:v45+s30+$0x0] =	vst.idx.msk $0xffff, v33  }
0x143: {  	v46 =	vadd.s32 v27, v35;
	v33 =	vld [tilespmem:s24+$0x120];
	_ =	sdelay $0x4  }
0x144: {  	[tilespmem:v46+s30+$0x0] =	vst.idx.msk $0xffff, v33  }
0x145: {  	v47 =	vadd.s32 v28, v35;
	v33 =	vld [tilespmem:s24+$0x130]  }
0x146: {  	v48 =	vmov s1  }
0x147: {  	v35 =	vshrl.u32 v48, $0x3  }
0x148: {  	v35 =	vshll.u32 v35, v1  }
0x149: {  	v35 =	vbroadcast v35, $0x0  }
0x14a: {  	[tilespmem:v47+s30+$0x0] =	vst.idx.msk $0xffff, v33  }
0x14b: {  	v49 =	vadd.s32 v29, v35;
	v33 =	vld [tilespmem:s24+$0x180];
	_ =	sdelay $0x4  }
0x14c: {  	[tilespmem:v49+s30+$0x0] =	vst.idx.msk $0xffff, v33  }
0x14d: {  	v50 =	vadd.s32 v30, v35;
	v33 =	vld [tilespmem:s24+$0x190];
	_ =	sdelay $0x4  }
0x14e: {  	[tilespmem:v50+s30+$0x0] =	vst.idx.msk $0xffff, v33  }
0x14f: {  	v51 =	vadd.s32 v31, v35;
	v33 =	vld [tilespmem:s24+$0x1A0];
	_ =	sdelay $0x4  }
0x150: {  	[tilespmem:v51+s30+$0x0] =	vst.idx.msk $0xffff, v33  }
0x151: {  	v52 =	vadd.s32 v32, v35;
	v33 =	vld [tilespmem:s24+$0x1B0];
	_ =	sdelay $0x2  }
0x152: {  	p1 =	seq.s32 s2, $0x63  }
0x153: {  	s0 =	sshrl.u32 @!p1 s0, $0x2  }
0x154: {  	s5 =	simm.s32 @!p1 $0x80;
	s1 =	sadd.s32 @!p1 $0x100, s0;
	s24 =	simm.s32 @!p1 $0x6400;
	[tilespmem:v52+s30+$0x0] =	vst.idx.msk $0xffff, v33  }
0x155: {  	[tilespmem:s24], [sflag:$0x1] =	stream.indirect.gather @!p1 [hbm4b:s4+s5], $0x80, s1, s5, $0xb8;
	[tilespmem:$0x12800] =	vst v63  }
0x156: {  	s5 =	sshll.u32 s2, $0x10  }
0x157: {  	s24 =	rddreg [dreg:$0x1];
	s31 =	sor.u32 s6, s5  }
0x158: {  	s1 =	sadd.s32 s24, s31  }
0x159: {  	[hbm4b:s1+s3] =	stream.linear.scatter [tilespmem:s30], [sflag:$0x3], $0x80, $0x38;
	[tilespmem:$0x12800] =	vst v63  }
0x15a: {  	s28 =	simm.s32 $0xE488;
	s26 =	sadd.s32 $0x10, s1  }
0x15b: {  	[hbm4b:s26+s3] =	stream.linear.scatter [tilespmem:s28], [sflag:$0x3], $0x80, $0x38;
	[tilespmem:$0x12800] =	vst v63  }
0x15c: {  	s26 =	sadd.s32 $0x20, s1;
	s28 =	simm.s32 $0xE510  }
0x15d: {  	[hbm4b:s26+s3] =	stream.linear.scatter [tilespmem:s28], [sflag:$0x3], $0x80, $0x38;
	[tilespmem:$0x12800] =	vst v63  }
0x15e: {  	s26 =	sadd.s32 $0x30, s1;
	s28 =	simm.s32 $0xE598  }
0x15f: {  	[hbm4b:s26+s3] =	stream.linear.scatter [tilespmem:s28], [sflag:$0x3], $0x80, $0x38;
	[tilespmem:$0x12800] =	vst v63  }
0x160: {  	s26 =	sadd.s32 $0x40, s1;
	s28 =	simm.s32 $0xE620  }
0x161: {  	[hbm4b:s26+s3] =	stream.linear.scatter [tilespmem:s28], [sflag:$0x3], $0x80, $0x38;
	[tilespmem:$0x12800] =	vst v63  }
0x162: {  	s26 =	sadd.s32 $0x50, s1;
	s28 =	simm.s32 $0xE6A8  }
0x163: {  	[hbm4b:s26+s3] =	stream.linear.scatter [tilespmem:s28], [sflag:$0x3], $0x80, $0x38;
	[tilespmem:$0x12800] =	vst v63  }
0x164: {  	s24 =	sadd.s32 $0x60, s1;
	s26 =	simm.s32 $0xE730  }
0x165: {  	[hbm4b:s24+s3] =	stream.linear.scatter [tilespmem:s26], [sflag:$0x3], $0x80, $0x38;
	[tilespmem:$0x12800] =	vst v63  }
0x166: {  	s1 =	sadd.s32 $0x70, s1;
	s28 =	simm.s32 $0xE7B8  }
0x167: {  	[hbm4b:s1+s3] =	stream.linear.scatter [tilespmem:s28], [sflag:$0x3], $0x80, $0x38;
	[tilespmem:$0x12800] =	vst v63  }
0x168: {  	s24 =	simm.s32 $0xE840;
	s1 =	sadd.s32 s31, s7  }
0x169: {  	[hbm4b:s1+s3] =	stream.linear.scatter [tilespmem:s24], [sflag:$0x3], $0x80, $0x38;
	[tilespmem:$0x12800] =	vst v63  }
0x16a: {  	s28 =	simm.s32 $0xE8C8;
	s26 =	sadd.s32 $0x10, s1  }
0x16b: {  	[hbm4b:s26+s3] =	stream.linear.scatter [tilespmem:s28], [sflag:$0x3], $0x80, $0x38;
	[tilespmem:$0x12800] =	vst v63  }
0x16c: {  	s26 =	sadd.s32 $0x20, s1;
	s28 =	simm.s32 $0xE950  }
0x16d: {  	[hbm4b:s26+s3] =	stream.linear.scatter [tilespmem:s28], [sflag:$0x3], $0x80, $0x38;
	[tilespmem:$0x12800] =	vst v63  }
0x16e: {  	s26 =	sadd.s32 $0x30, s1;
	s28 =	simm.s32 $0xE9D8  }
0x16f: {  	[hbm4b:s26+s3] =	stream.linear.scatter [tilespmem:s28], [sflag:$0x3], $0x80, $0x38;
	[tilespmem:$0x12800] =	vst v63  }
0x170: {  	s26 =	sadd.s32 $0x40, s1;
	s28 =	simm.s32 $0xEA60  }
0x171: {  	[hbm4b:s26+s3] =	stream.linear.scatter [tilespmem:s28], [sflag:$0x3], $0x80, $0x38;
	[tilespmem:$0x12800] =	vst v63  }
0x172: {  	s26 =	sadd.s32 $0x50, s1;
	s28 =	simm.s32 $0xEAE8  }
0x173: {  	[hbm4b:s26+s3] =	stream.linear.scatter [tilespmem:s28], [sflag:$0x3], $0x80, $0x38;
	[tilespmem:$0x12800] =	vst v63  }
0x174: {  	s24 =	sadd.s32 $0x60, s1;
	s26 =	simm.s32 $0xEB70  }
0x175: {  	[hbm4b:s24+s3] =	stream.linear.scatter [tilespmem:s26], [sflag:$0x3], $0x80, $0x38;
	[tilespmem:$0x12800] =	vst v63  }
0x176: {  	s1 =	sadd.s32 $0x70, s1;
	s28 =	simm.s32 $0xEBF8  }
0x177: {  	[hbm4b:s1+s3] =	stream.linear.scatter [tilespmem:s28], [sflag:$0x3], $0x80, $0x38;
	[tilespmem:$0x12800] =	vst v63  }
0x178: {  	s24 =	simm.s32 $0xEC80;
	s1 =	sadd.s32 s31, s8  }
0x179: {  	[hbm4b:s1+s3] =	stream.linear.scatter [tilespmem:s24], [sflag:$0x3], $0x80, $0x38;
	[tilespmem:$0x12800] =	vst v63  }
0x17a: {  	s28 =	simm.s32 $0xED08;
	s26 =	sadd.s32 $0x10, s1  }
0x17b: {  	[hbm4b:s26+s3] =	stream.linear.scatter [tilespmem:s28], [sflag:$0x3], $0x80, $0x38;
	[tilespmem:$0x12800] =	vst v63  }
0x17c: {  	s26 =	sadd.s32 $0x20, s1;
	s28 =	simm.s32 $0xED90  }
0x17d: {  	[hbm4b:s26+s3] =	stream.linear.scatter [tilespmem:s28], [sflag:$0x3], $0x80, $0x38;
	[tilespmem:$0x12800] =	vst v63  }
0x17e: {  	s26 =	sadd.s32 $0x30, s1;
	s28 =	simm.s32 $0xEE18  }
0x17f: {  	[hbm4b:s26+s3] =	stream.linear.scatter [tilespmem:s28], [sflag:$0x3], $0x80, $0x38;
	[tilespmem:$0x12800] =	vst v63  }
0x180: {  	s26 =	sadd.s32 $0x40, s1;
	s28 =	simm.s32 $0xEEA0  }
0x181: {  	[hbm4b:s26+s3] =	stream.linear.scatter [tilespmem:s28], [sflag:$0x3], $0x80, $0x38;
	[tilespmem:$0x12800] =	vst v63  }
0x182: {  	s26 =	sadd.s32 $0x50, s1;
	s28 =	simm.s32 $0xEF28  }
0x183: {  	[hbm4b:s26+s3] =	stream.linear.scatter [tilespmem:s28], [sflag:$0x3], $0x80, $0x38;
	[tilespmem:$0x12800] =	vst v63  }
0x184: {  	s24 =	sadd.s32 $0x60, s1;
	s26 =	simm.s32 $0xEFB0  }
0x185: {  	[hbm4b:s24+s3] =	stream.linear.scatter [tilespmem:s26], [sflag:$0x3], $0x80, $0x38;
	[tilespmem:$0x12800] =	vst v63  }
0x186: {  	s1 =	sadd.s32 $0x70, s1;
	s28 =	simm.s32 $0xF038  }
0x187: {  	[hbm4b:s1+s3] =	stream.linear.scatter [tilespmem:s28], [sflag:$0x3], $0x80, $0x38;
	[tilespmem:$0x12800] =	vst v63  }
0x188: {  	s24 =	simm.s32 $0xF0C0;
	s1 =	sadd.s32 s31, s9  }
0x189: {  	[hbm4b:s1+s3] =	stream.linear.scatter [tilespmem:s24], [sflag:$0x3], $0x80, $0x38;
	[tilespmem:$0x12800] =	vst v63  }
0x18a: {  	s28 =	simm.s32 $0xF148;
	s26 =	sadd.s32 $0x10, s1  }
0x18b: {  	[hbm4b:s26+s3] =	stream.linear.scatter [tilespmem:s28], [sflag:$0x3], $0x80, $0x38;
	[tilespmem:$0x12800] =	vst v63  }
0x18c: {  	s26 =	sadd.s32 $0x20, s1;
	s28 =	simm.s32 $0xF1D0  }
0x18d: {  	[hbm4b:s26+s3] =	stream.linear.scatter [tilespmem:s28], [sflag:$0x3], $0x80, $0x38;
	[tilespmem:$0x12800] =	vst v63  }
0x18e: {  	s26 =	sadd.s32 $0x30, s1;
	s28 =	simm.s32 $0xF258  }
0x18f: {  	[hbm4b:s26+s3] =	stream.linear.scatter [tilespmem:s28], [sflag:$0x3], $0x80, $0x38;
	[tilespmem:$0x12800] =	vst v63  }
0x190: {  	s26 =	sadd.s32 $0x40, s1;
	s28 =	simm.s32 $0xF2E0  }
0x191: {  	[hbm4b:s26+s3] =	stream.linear.scatter [tilespmem:s28], [sflag:$0x3], $0x80, $0x38;
	[tilespmem:$0x12800] =	vst v63  }
0x192: {  	s26 =	sadd.s32 $0x50, s1;
	s28 =	simm.s32 $0xF368  }
0x193: {  	[hbm4b:s26+s3] =	stream.linear.scatter [tilespmem:s28], [sflag:$0x3], $0x80, $0x38;
	[tilespmem:$0x12800] =	vst v63  }
0x194: {  	s24 =	sadd.s32 $0x60, s1;
	s26 =	simm.s32 $0xF3F0  }
0x195: {  	[hbm4b:s24+s3] =	stream.linear.scatter [tilespmem:s26], [sflag:$0x3], $0x80, $0x38;
	[tilespmem:$0x12800] =	vst v63  }
0x196: {  	s1 =	sadd.s32 $0x70, s1;
	s28 =	simm.s32 $0xF478  }
0x197: {  	[hbm4b:s1+s3] =	stream.linear.scatter [tilespmem:s28], [sflag:$0x3], $0x80, $0x38;
	[tilespmem:$0x12800] =	vst v63  }
0x198: {  	s24 =	simm.s32 $0xF500;
	s1 =	sadd.s32 s31, s10  }
0x199: {  	[hbm4b:s1+s3] =	stream.linear.scatter [tilespmem:s24], [sflag:$0x3], $0x80, $0x38;
	[tilespmem:$0x12800] =	vst v63  }
0x19a: {  	s28 =	simm.s32 $0xF588;
	s26 =	sadd.s32 $0x10, s1  }
0x19b: {  	[hbm4b:s26+s3] =	stream.linear.scatter [tilespmem:s28], [sflag:$0x3], $0x80, $0x38;
	[tilespmem:$0x12800] =	vst v63  }
0x19c: {  	s26 =	sadd.s32 $0x20, s1;
	s28 =	simm.s32 $0xF610  }
0x19d: {  	[hbm4b:s26+s3] =	stream.linear.scatter [tilespmem:s28], [sflag:$0x3], $0x80, $0x38;
	[tilespmem:$0x12800] =	vst v63  }
0x19e: {  	s26 =	sadd.s32 $0x30, s1;
	s28 =	simm.s32 $0xF698  }
0x19f: {  	[hbm4b:s26+s3] =	stream.linear.scatter [tilespmem:s28], [sflag:$0x3], $0x80, $0x38;
	[tilespmem:$0x12800] =	vst v63  }
0x1a0: {  	s26 =	sadd.s32 $0x40, s1;
	s28 =	simm.s32 $0xF720  }
0x1a1: {  	[hbm4b:s26+s3] =	stream.linear.scatter [tilespmem:s28], [sflag:$0x3], $0x80, $0x38;
	[tilespmem:$0x12800] =	vst v63  }
0x1a2: {  	s26 =	sadd.s32 $0x50, s1;
	s28 =	simm.s32 $0xF7A8  }
0x1a3: {  	[hbm4b:s26+s3] =	stream.linear.scatter [tilespmem:s28], [sflag:$0x3], $0x80, $0x38;
	[tilespmem:$0x12800] =	vst v63  }
0x1a4: {  	s24 =	sadd.s32 $0x60, s1;
	s26 =	simm.s32 $0xF830  }
0x1a5: {  	[hbm4b:s24+s3] =	stream.linear.scatter [tilespmem:s26], [sflag:$0x3], $0x80, $0x38;
	[tilespmem:$0x12800] =	vst v63  }
0x1a6: {  	s1 =	sadd.s32 $0x70, s1;
	s28 =	simm.s32 $0xF8B8  }
0x1a7: {  	[hbm4b:s1+s3] =	stream.linear.scatter [tilespmem:s28], [sflag:$0x3], $0x80, $0x38;
	[tilespmem:$0x12800] =	vst v63  }
0x1a8: {  	s24 =	simm.s32 $0xF940;
	s1 =	sadd.s32 s31, s11  }
0x1a9: {  	[hbm4b:s1+s3] =	stream.linear.scatter [tilespmem:s24], [sflag:$0x3], $0x80, $0x38;
	[tilespmem:$0x12800] =	vst v63  }
0x1aa: {  	s28 =	simm.s32 $0xF9C8;
	s26 =	sadd.s32 $0x10, s1  }
0x1ab: {  	[hbm4b:s26+s3] =	stream.linear.scatter [tilespmem:s28], [sflag:$0x3], $0x80, $0x38;
	[tilespmem:$0x12800] =	vst v63  }
0x1ac: {  	s26 =	sadd.s32 $0x20, s1;
	s28 =	simm.s32 $0xFA50  }
0x1ad: {  	[hbm4b:s26+s3] =	stream.linear.scatter [tilespmem:s28], [sflag:$0x3], $0x80, $0x38;
	[tilespmem:$0x12800] =	vst v63  }
0x1ae: {  	s26 =	sadd.s32 $0x30, s1;
	s28 =	simm.s32 $0xFAD8  }
0x1af: {  	[hbm4b:s26+s3] =	stream.linear.scatter [tilespmem:s28], [sflag:$0x3], $0x80, $0x38;
	[tilespmem:$0x12800] =	vst v63  }
0x1b0: {  	s26 =	sadd.s32 $0x40, s1;
	s28 =	simm.s32 $0xFB60  }
0x1b1: {  	[hbm4b:s26+s3] =	stream.linear.scatter [tilespmem:s28], [sflag:$0x3], $0x80, $0x38;
	[tilespmem:$0x12800] =	vst v63  }
0x1b2: {  	s26 =	sadd.s32 $0x50, s1;
	s28 =	simm.s32 $0xFBE8  }
0x1b3: {  	[hbm4b:s26+s3] =	stream.linear.scatter [tilespmem:s28], [sflag:$0x3], $0x80, $0x38;
	[tilespmem:$0x12800] =	vst v63  }
0x1b4: {  	s24 =	sadd.s32 $0x60, s1;
	s26 =	simm.s32 $0xFC70  }
0x1b5: {  	[hbm4b:s24+s3] =	stream.linear.scatter [tilespmem:s26], [sflag:$0x3], $0x80, $0x38;
	[tilespmem:$0x12800] =	vst v63  }
0x1b6: {  	s1 =	sadd.s32 $0x70, s1;
	s28 =	simm.s32 $0xFCF8  }
0x1b7: {  	[hbm4b:s1+s3] =	stream.linear.scatter [tilespmem:s28], [sflag:$0x3], $0x80, $0x38;
	[tilespmem:$0x12800] =	vst v63  }
0x1b8: {  	s24 =	simm.s32 $0xFD80;
	s1 =	sadd.s32 s31, s12  }
0x1b9: {  	[hbm4b:s1+s3] =	stream.linear.scatter [tilespmem:s24], [sflag:$0x3], $0x80, $0x38;
	[tilespmem:$0x12800] =	vst v63  }
0x1ba: {  	s28 =	simm.s32 $0xFE08;
	s26 =	sadd.s32 $0x10, s1  }
0x1bb: {  	[hbm4b:s26+s3] =	stream.linear.scatter [tilespmem:s28], [sflag:$0x3], $0x80, $0x38;
	[tilespmem:$0x12800] =	vst v63  }
0x1bc: {  	s26 =	sadd.s32 $0x20, s1;
	s28 =	simm.s32 $0xFE90  }
0x1bd: {  	[hbm4b:s26+s3] =	stream.linear.scatter [tilespmem:s28], [sflag:$0x3], $0x80, $0x38;
	[tilespmem:$0x12800] =	vst v63  }
0x1be: {  	s26 =	sadd.s32 $0x30, s1;
	s28 =	simm.s32 $0xFF18  }
0x1bf: {  	[hbm4b:s26+s3] =	stream.linear.scatter [tilespmem:s28], [sflag:$0x3], $0x80, $0x38;
	[tilespmem:$0x12800] =	vst v63  }
0x1c0: {  	s26 =	sadd.s32 $0x40, s1;
	s28 =	simm.s32 $0xFFA0  }
0x1c1: {  	[hbm4b:s26+s3] =	stream.linear.scatter [tilespmem:s28], [sflag:$0x3], $0x80, $0x38;
	[tilespmem:$0x12800] =	vst v63  }
0x1c2: {  	s26 =	sadd.s32 $0x50, s1;
	s28 =	simm.s32 $0x10028  }
0x1c3: {  	[hbm4b:s26+s3] =	stream.linear.scatter [tilespmem:s28], [sflag:$0x3], $0x80, $0x38;
	[tilespmem:$0x12800] =	vst v63  }
0x1c4: {  	s24 =	sadd.s32 $0x60, s1;
	s26 =	simm.s32 $0x100B0  }
0x1c5: {  	[hbm4b:s24+s3] =	stream.linear.scatter [tilespmem:s26], [sflag:$0x3], $0x80, $0x38;
	[tilespmem:$0x12800] =	vst v63  }
0x1c6: {  	s1 =	sadd.s32 $0x70, s1;
	s28 =	simm.s32 $0x10138  }
0x1c7: {  	[hbm4b:s1+s3] =	stream.linear.scatter [tilespmem:s28], [sflag:$0x3], $0x80, $0x38;
	[tilespmem:$0x12800] =	vst v63  }
0x1c8: {  	s24 =	simm.s32 $0x101C0;
	s1 =	sadd.s32 s31, s13  }
0x1c9: {  	[hbm4b:s1+s3] =	stream.linear.scatter [tilespmem:s24], [sflag:$0x3], $0x80, $0x38;
	[tilespmem:$0x12800] =	vst v63  }
0x1ca: {  	s28 =	simm.s32 $0x10248;
	s26 =	sadd.s32 $0x10, s1  }
0x1cb: {  	[hbm4b:s26+s3] =	stream.linear.scatter [tilespmem:s28], [sflag:$0x3], $0x80, $0x38;
	[tilespmem:$0x12800] =	vst v63  }
0x1cc: {  	s26 =	sadd.s32 $0x20, s1;
	s28 =	simm.s32 $0x102D0  }
0x1cd: {  	[hbm4b:s26+s3] =	stream.linear.scatter [tilespmem:s28], [sflag:$0x3], $0x80, $0x38;
	[tilespmem:$0x12800] =	vst v63  }
0x1ce: {  	s26 =	sadd.s32 $0x30, s1;
	s28 =	simm.s32 $0x10358  }
0x1cf: {  	[hbm4b:s26+s3] =	stream.linear.scatter [tilespmem:s28], [sflag:$0x3], $0x80, $0x38;
	[tilespmem:$0x12800] =	vst v63  }
0x1d0: {  	s26 =	sadd.s32 $0x40, s1;
	s28 =	simm.s32 $0x103E0  }
0x1d1: {  	[hbm4b:s26+s3] =	stream.linear.scatter [tilespmem:s28], [sflag:$0x3], $0x80, $0x38;
	[tilespmem:$0x12800] =	vst v63  }
0x1d2: {  	s26 =	sadd.s32 $0x50, s1;
	s28 =	simm.s32 $0x10468  }
0x1d3: {  	[hbm4b:s26+s3] =	stream.linear.scatter [tilespmem:s28], [sflag:$0x3], $0x80, $0x38;
	[tilespmem:$0x12800] =	vst v63  }
0x1d4: {  	s26 =	sadd.s32 $0x60, s1;
	s28 =	simm.s32 $0x104F0  }
0x1d5: {  	[hbm4b:s26+s3] =	stream.linear.scatter [tilespmem:s28], [sflag:$0x3], $0x80, $0x38;
	[tilespmem:$0x12800] =	vst v63  }
0x1d6: {  	s24 =	simm.s32 $0x10578;
	s1 =	sadd.s32 $0x70, s1  }
0x1d7: {  	[hbm4b:s1+s3] =	stream.linear.scatter [tilespmem:s24], [sflag:$0x3], $0x80, $0x38;
	[tilespmem:$0x12800] =	vst v63  }
0x1d8: {  	_ =	swait.ge [sflag:s23], $0x4000  }
0x1d9: {  	[sflag:s23] =	ssyncset.done $0x0  }
0x1da: {  	s1 =	simm.s32 @!p0 $0x4;
	[sflag:s23] =	ssyncadd.s32 $0xFFFFC000  }
0x1db: {  	_ =	swait.ge @!p0 [sflag:s1], $0x400  }
0x1dc: {  	[sflag:s1] =	ssyncset.done @!p0 $0x0  }
0x1dd: {  	[sflag:s1] =	ssyncadd.s32 @!p0 $0xFFFFFC00  }
0x1de: {  	_ =	swait.ge @!p0 [sflag:s1], $0x400  }
0x1df: {  	[sflag:s1] =	ssyncset.done @!p0 $0x0  }
0x1e0: {  	[sflag:s1] =	ssyncadd.s32 @!p0 $0xFFFFFC00  }
0x1e1: {  	_ =	swait.ge @!p0 [sflag:s1], $0x400  }
0x1e2: {  	[sflag:s1] =	ssyncset.done @!p0 $0x0  }
0x1e3: {  	[sflag:s1] =	ssyncadd.s32 @!p0 $0xFFFFFC00  }
0x1e4: {  	_ =	swait.ge @!p0 [sflag:s1], $0x400  }
0x1e5: {  	[sflag:s1] =	ssyncset.done @!p0 $0x0  }
0x1e6: {  	[sflag:s1] =	ssyncadd.s32 @!p0 $0xFFFFFC00  }
0x1e7: {  	_ =	swait.ge @!p0 [sflag:s1], $0x400  }
0x1e8: {  	[sflag:s1] =	ssyncset.done @!p0 $0x0  }
0x1e9: {  	[sflag:s1] =	ssyncadd.s32 @!p0 $0xFFFFFC00  }
0x1ea: {  	_ =	swait.ge @!p0 [sflag:s1], $0x400  }
0x1eb: {  	[sflag:s1] =	ssyncset.done @!p0 $0x0  }
0x1ec: {  	[sflag:s1] =	ssyncadd.s32 @!p0 $0xFFFFFC00  }
0x1ed: {  	s26 =	simm.s32 $0x0;
	_ =	swait.ge @!p0 [sflag:s1], $0x400  }
0x1ee: {  	v53 =	vmov s26;
	[sflag:s1] =	ssyncset.done @!p0 $0x0  }
0x1ef: {  	v33 =	vshrl.u32 v53, $0x3;
	[sflag:s1] =	ssyncadd.s32 @!p0 $0xFFFFFC00  }
0x1f0: {  	v33 =	vshll.u32 v33, v1;
	_ =	swait.ge @!p0 [sflag:s1], $0x400  }
0x1f1: {  	v33 =	vbroadcast v33, $0x0;
	[sflag:s1] =	ssyncset.done @!p0 $0x0  }
0x1f2: {  	s26 =	simm.s32 $0x0;
	[sflag:s1] =	ssyncadd.s32 @!p0 $0xFFFFFC00  }
0x1f3: {  	v55 =	vadd.s32 v0, v33;
	v54 =	vld [tilespmem:s26+$0xA400];
	_ =	sdelay $0x4  }
0x1f4: {  	[tilespmem:v55+s25+$0x0] =	vst.idx.msk $0xffff, v54  }
0x1f5: {  	v56 =	vadd.s32 v2, v33;
	v34 =	vld [tilespmem:s26+$0xA410];
	_ =	sdelay $0x4  }
0x1f6: {  	[tilespmem:v56+s25+$0x0] =	vst.idx.msk $0xffff, v34  }
0x1f7: {  	v57 =	vadd.s32 v3, v33;
	v34 =	vld [tilespmem:s26+$0xA420];
	_ =	sdelay $0x4  }
0x1f8: {  	[tilespmem:v57+s25+$0x0] =	vst.idx.msk $0xffff, v34  }
0x1f9: {  	s28 =	simm.s32 $0x1;
	v33 =	vadd.s32 v4, v33;
	v34 =	vld [tilespmem:s26+$0xA430]  }
0x1fa: {  	v58 =	vmov s28  }
0x1fb: {  	v35 =	vshrl.u32 v58, $0x3  }
0x1fc: {  	v35 =	vshll.u32 v35, v1  }
0x1fd: {  	v35 =	vbroadcast v35, $0x0  }
0x1fe: {  	[tilespmem:v33+s25+$0x0] =	vst.idx.msk $0xffff, v34  }
0x1ff: {  	v59 =	vadd.s32 v5, v35;
	v33 =	vld [tilespmem:s26+$0xA480];
	_ =	sdelay $0x4  }
0x200: {  	[tilespmem:v59+s25+$0x0] =	vst.idx.msk $0xffff, v33  }
0x201: {  	v60 =	vadd.s32 v6, v35;
	v33 =	vld [tilespmem:s26+$0xA490];
	_ =	sdelay $0x4  }
0x202: {  	[tilespmem:v60+s25+$0x0] =	vst.idx.msk $0xffff, v33  }
0x203: {  	v61 =	vadd.s32 v7, v35;
	v33 =	vld [tilespmem:s26+$0xA4A0];
	_ =	sdelay $0x4  }
0x204: {  	[tilespmem:v61+s25+$0x0] =	vst.idx.msk $0xffff, v33  }
0x205: {  	s5 =	simm.s32 $0x2;
	v62 =	vadd.s32 v8, v35;
	v33 =	vld [tilespmem:s26+$0xA4B0]  }
0x206: {  	v63 =	vmov s5  }
0x207: {  	v35 =	vshrl.u32 v63, $0x3  }
0x208: {  	v35 =	vshll.u32 v35, v1  }
0x209: {  	v35 =	vbroadcast v35, $0x0  }
0x20a: {  	[tilespmem:v62+s25+$0x0] =	vst.idx.msk $0xffff, v33  }
0x20b: {  	v36 =	vadd.s32 v9, v35;
	v33 =	vld [tilespmem:s26+$0xA500];
	_ =	sdelay $0x4  }
0x20c: {  	[tilespmem:v36+s25+$0x0] =	vst.idx.msk $0xffff, v33  }
0x20d: {  	v37 =	vadd.s32 v10, v35;
	v33 =	vld [tilespmem:s26+$0xA510];
	_ =	sdelay $0x4  }
0x20e: {  	[tilespmem:v37+s25+$0x0] =	vst.idx.msk $0xffff, v33  }
0x20f: {  	v38 =	vadd.s32 v11, v35;
	v33 =	vld [tilespmem:s26+$0xA520];
	_ =	sdelay $0x4  }
0x210: {  	[tilespmem:v38+s25+$0x0] =	vst.idx.msk $0xffff, v33  }
0x211: {  	s24 =	simm.s32 $0x3;
	v39 =	vadd.s32 v12, v35;
	v33 =	vld [tilespmem:s26+$0xA530]  }
0x212: {  	v40 =	vmov s24  }
0x213: {  	v35 =	vshrl.u32 v40, $0x3  }
0x214: {  	v35 =	vshll.u32 v35, v1  }
0x215: {  	v35 =	vbroadcast v35, $0x0  }
0x216: {  	[tilespmem:v39+s25+$0x0] =	vst.idx.msk $0xffff, v33  }
0x217: {  	v41 =	vadd.s32 v13, v35;
	v33 =	vld [tilespmem:s26+$0xA580];
	_ =	sdelay $0x4  }
0x218: {  	[tilespmem:v41+s25+$0x0] =	vst.idx.msk $0xffff, v33  }
0x219: {  	v42 =	vadd.s32 v14, v35;
	v33 =	vld [tilespmem:s26+$0xA590];
	_ =	sdelay $0x4  }
0x21a: {  	[tilespmem:v42+s25+$0x0] =	vst.idx.msk $0xffff, v33  }
0x21b: {  	v43 =	vadd.s32 v15, v35;
	v33 =	vld [tilespmem:s26+$0xA5A0];
	_ =	sdelay $0x4  }
0x21c: {  	[tilespmem:v43+s25+$0x0] =	vst.idx.msk $0xffff, v33  }
0x21d: {  	s28 =	simm.s32 $0x4;
	v44 =	vadd.s32 v16, v35;
	v33 =	vld [tilespmem:s26+$0xA5B0]  }
0x21e: {  	v45 =	vmov s28  }
0x21f: {  	v35 =	vshrl.u32 v45, $0x3  }
0x220: {  	v35 =	vshll.u32 v35, v1  }
0x221: {  	v35 =	vbroadcast v35, $0x0  }
0x222: {  	[tilespmem:v44+s25+$0x0] =	vst.idx.msk $0xffff, v33  }
0x223: {  	v46 =	vadd.s32 v17, v35;
	v33 =	vld [tilespmem:s26+$0xA600];
	_ =	sdelay $0x4  }
0x224: {  	[tilespmem:v46+s25+$0x0] =	vst.idx.msk $0xffff, v33  }
0x225: {  	v47 =	vadd.s32 v18, v35;
	v33 =	vld [tilespmem:s26+$0xA610];
	_ =	sdelay $0x4  }
0x226: {  	[tilespmem:v47+s25+$0x0] =	vst.idx.msk $0xffff, v33  }
0x227: {  	v48 =	vadd.s32 v19, v35;
	v33 =	vld [tilespmem:s26+$0xA620];
	_ =	sdelay $0x4  }
0x228: {  	[tilespmem:v48+s25+$0x0] =	vst.idx.msk $0xffff, v33  }
0x229: {  	s5 =	simm.s32 $0x5;
	v49 =	vadd.s32 v20, v35;
	v33 =	vld [tilespmem:s26+$0xA630]  }
0x22a: {  	v50 =	vmov s5  }
0x22b: {  	v35 =	vshrl.u32 v50, $0x3  }
0x22c: {  	v35 =	vshll.u32 v35, v1  }
0x22d: {  	v35 =	vbroadcast v35, $0x0  }
0x22e: {  	[tilespmem:v49+s25+$0x0] =	vst.idx.msk $0xffff, v33  }
0x22f: {  	v51 =	vadd.s32 v21, v35;
	v33 =	vld [tilespmem:s26+$0xA680];
	_ =	sdelay $0x4  }
0x230: {  	[tilespmem:v51+s25+$0x0] =	vst.idx.msk $0xffff, v33  }
0x231: {  	v52 =	vadd.s32 v22, v35;
	v33 =	vld [tilespmem:s26+$0xA690];
	_ =	sdelay $0x4  }
0x232: {  	[tilespmem:v52+s25+$0x0] =	vst.idx.msk $0xffff, v33  }
0x233: {  	v53 =	vadd.s32 v23, v35;
	v33 =	vld [tilespmem:s26+$0xA6A0];
	_ =	sdelay $0x4  }
0x234: {  	[tilespmem:v53+s25+$0x0] =	vst.idx.msk $0xffff, v33  }
0x235: {  	s24 =	simm.s32 $0x6;
	v54 =	vadd.s32 v24, v35;
	v33 =	vld [tilespmem:s26+$0xA6B0]  }
0x236: {  	v55 =	vmov s24  }
0x237: {  	v35 =	vshrl.u32 v55, $0x3  }
0x238: {  	v35 =	vshll.u32 v35, v1  }
0x239: {  	v35 =	vbroadcast v35, $0x0  }
0x23a: {  	[tilespmem:v54+s25+$0x0] =	vst.idx.msk $0xffff, v33  }
0x23b: {  	v56 =	vadd.s32 v25, v35;
	v33 =	vld [tilespmem:s26+$0xA700];
	_ =	sdelay $0x4  }
0x23c: {  	[tilespmem:v56+s25+$0x0] =	vst.idx.msk $0xffff, v33  }
0x23d: {  	v57 =	vadd.s32 v26, v35;
	v33 =	vld [tilespmem:s26+$0xA710];
	_ =	sdelay $0x4  }
0x23e: {  	[tilespmem:v57+s25+$0x0] =	vst.idx.msk $0xffff, v33  }
0x23f: {  	v58 =	vadd.s32 v27, v35;
	v33 =	vld [tilespmem:s26+$0xA720];
	_ =	sdelay $0x4  }
0x240: {  	[tilespmem:v58+s25+$0x0] =	vst.idx.msk $0xffff, v33  }
0x241: {  	s28 =	simm.s32 $0x7;
	v59 =	vadd.s32 v28, v35;
	v33 =	vld [tilespmem:s26+$0xA730]  }
0x242: {  	v60 =	vmov s28  }
0x243: {  	v35 =	vshrl.u32 v60, $0x3  }
0x244: {  	v35 =	vshll.u32 v35, v1  }
0x245: {  	v35 =	vbroadcast v35, $0x0  }
0x246: {  	[tilespmem:v59+s25+$0x0] =	vst.idx.msk $0xffff, v33  }
0x247: {  	v61 =	vadd.s32 v29, v35;
	v33 =	vld [tilespmem:s26+$0xA780];
	_ =	sdelay $0x4  }
0x248: {  	[tilespmem:v61+s25+$0x0] =	vst.idx.msk $0xffff, v33  }
0x249: {  	v62 =	vadd.s32 v30, v35;
	v33 =	vld [tilespmem:s26+$0xA790];
	_ =	sdelay $0x4  }
0x24a: {  	[tilespmem:v62+s25+$0x0] =	vst.idx.msk $0xffff, v33  }
0x24b: {  	v63 =	vadd.s32 v31, v35;
	v33 =	vld [tilespmem:s26+$0xA7A0];
	_ =	sdelay $0x4  }
0x24c: {  	s5 =	simm.s32 $0x8;
	[tilespmem:v63+s25+$0x0] =	vst.idx.msk $0xffff, v33  }
0x24d: {  	s1 =	simm.s32 $0xF;
	s24 =	simm.s32 $0x1000;
	v34 =	vadd.s32 v32, v35;
	v33 =	vld [tilespmem:s26+$0xA7B0];
	s26 =	simm.s32 $0x2000  }
.LBB2_5:
0x24e: {  	p0 =	sne.s32 s26, $0xF000;
	v35 =	vmov s5  }
0x24f: {  	v35 =	vshrl.u32 v35, $0x3  }
0x250: {  	v35 =	vshll.u32 v35, v1  }
0x251: {  	v35 =	vbroadcast v35, $0x0  }
0x252: {  	s28 =	sshra.s32 s24, $0x2;
	s24 =	smov.u32 s26;
	[tilespmem:v34+s25+$0x0] =	vst.idx.msk $0xffff, v33  }
0x253: {  	v33 =	vld [tilespmem:s28+$0xA400];
	v34 =	vadd.s32 v0, v35;
	_ =	sdelay $0x4  }
0x254: {  	[tilespmem:v34+s25+$0x0] =	vst.idx.msk $0xffff, v33  }
0x255: {  	v34 =	vadd.s32 v2, v35;
	v33 =	vld [tilespmem:s28+$0xA410];
	_ =	sdelay $0x4  }
0x256: {  	[tilespmem:v34+s25+$0x0] =	vst.idx.msk $0xffff, v33  }
0x257: {  	v34 =	vadd.s32 v3, v35;
	v33 =	vld [tilespmem:s28+$0xA420];
	_ =	sdelay $0x4  }
0x258: {  	[tilespmem:v34+s25+$0x0] =	vst.idx.msk $0xffff, v33  }
0x259: {  	s5 =	sadd.s32 $0xFFFFFFFA, s1;
	v34 =	vadd.s32 v4, v35;
	v33 =	vld [tilespmem:s28+$0xA430]  }
0x25a: {  	v35 =	vmov s5  }
0x25b: {  	v35 =	vshrl.u32 v35, $0x3  }
0x25c: {  	v35 =	vshll.u32 v35, v1  }
0x25d: {  	v35 =	vbroadcast v35, $0x0  }
0x25e: {  	[tilespmem:v34+s25+$0x0] =	vst.idx.msk $0xffff, v33  }
0x25f: {  	v34 =	vadd.s32 v5, v35;
	v33 =	vld [tilespmem:s28+$0xA480];
	_ =	sdelay $0x4  }
0x260: {  	[tilespmem:v34+s25+$0x0] =	vst.idx.msk $0xffff, v33  }
0x261: {  	v34 =	vadd.s32 v6, v35;
	v33 =	vld [tilespmem:s28+$0xA490];
	_ =	sdelay $0x4  }
0x262: {  	[tilespmem:v34+s25+$0x0] =	vst.idx.msk $0xffff, v33  }
0x263: {  	v34 =	vadd.s32 v7, v35;
	v33 =	vld [tilespmem:s28+$0xA4A0];
	_ =	sdelay $0x4  }
0x264: {  	[tilespmem:v34+s25+$0x0] =	vst.idx.msk $0xffff, v33  }
0x265: {  	s5 =	sadd.s32 $0xFFFFFFFB, s1;
	v34 =	vadd.s32 v8, v35;
	v33 =	vld [tilespmem:s28+$0xA4B0]  }
0x266: {  	v35 =	vmov s5  }
0x267: {  	v35 =	vshrl.u32 v35, $0x3  }
0x268: {  	v35 =	vshll.u32 v35, v1  }
0x269: {  	v35 =	vbroadcast v35, $0x0  }
0x26a: {  	[tilespmem:v34+s25+$0x0] =	vst.idx.msk $0xffff, v33  }
0x26b: {  	v34 =	vadd.s32 v9, v35;
	v33 =	vld [tilespmem:s28+$0xA500];
	_ =	sdelay $0x4  }
0x26c: {  	[tilespmem:v34+s25+$0x0] =	vst.idx.msk $0xffff, v33  }
0x26d: {  	v34 =	vadd.s32 v10, v35;
	v33 =	vld [tilespmem:s28+$0xA510];
	_ =	sdelay $0x4  }
0x26e: {  	[tilespmem:v34+s25+$0x0] =	vst.idx.msk $0xffff, v33  }
0x26f: {  	v34 =	vadd.s32 v11, v35;
	v33 =	vld [tilespmem:s28+$0xA520];
	_ =	sdelay $0x4  }
0x270: {  	[tilespmem:v34+s25+$0x0] =	vst.idx.msk $0xffff, v33  }
0x271: {  	s5 =	sadd.s32 $0xFFFFFFFC, s1;
	v34 =	vadd.s32 v12, v35;
	v33 =	vld [tilespmem:s28+$0xA530]  }
0x272: {  	v35 =	vmov s5  }
0x273: {  	v35 =	vshrl.u32 v35, $0x3  }
0x274: {  	v35 =	vshll.u32 v35, v1  }
0x275: {  	v35 =	vbroadcast v35, $0x0  }
0x276: {  	[tilespmem:v34+s25+$0x0] =	vst.idx.msk $0xffff, v33  }
0x277: {  	v34 =	vadd.s32 v13, v35;
	v33 =	vld [tilespmem:s28+$0xA580];
	_ =	sdelay $0x4  }
0x278: {  	[tilespmem:v34+s25+$0x0] =	vst.idx.msk $0xffff, v33  }
0x279: {  	v34 =	vadd.s32 v14, v35;
	v33 =	vld [tilespmem:s28+$0xA590];
	_ =	sdelay $0x4  }
0x27a: {  	[tilespmem:v34+s25+$0x0] =	vst.idx.msk $0xffff, v33  }
0x27b: {  	v34 =	vadd.s32 v15, v35;
	v33 =	vld [tilespmem:s28+$0xA5A0];
	_ =	sdelay $0x4  }
0x27c: {  	[tilespmem:v34+s25+$0x0] =	vst.idx.msk $0xffff, v33  }
0x27d: {  	s5 =	sadd.s32 $0xFFFFFFFD, s1;
	v34 =	vadd.s32 v16, v35;
	v33 =	vld [tilespmem:s28+$0xA5B0]  }
0x27e: {  	v35 =	vmov s5  }
0x27f: {  	v35 =	vshrl.u32 v35, $0x3  }
0x280: {  	v35 =	vshll.u32 v35, v1  }
0x281: {  	v35 =	vbroadcast v35, $0x0  }
0x282: {  	[tilespmem:v34+s25+$0x0] =	vst.idx.msk $0xffff, v33  }
0x283: {  	v34 =	vadd.s32 v17, v35;
	v33 =	vld [tilespmem:s28+$0xA600];
	_ =	sdelay $0x4  }
0x284: {  	[tilespmem:v34+s25+$0x0] =	vst.idx.msk $0xffff, v33  }
0x285: {  	v34 =	vadd.s32 v18, v35;
	v33 =	vld [tilespmem:s28+$0xA610];
	_ =	sdelay $0x4  }
0x286: {  	[tilespmem:v34+s25+$0x0] =	vst.idx.msk $0xffff, v33  }
0x287: {  	v34 =	vadd.s32 v19, v35;
	v33 =	vld [tilespmem:s28+$0xA620];
	_ =	sdelay $0x4  }
0x288: {  	[tilespmem:v34+s25+$0x0] =	vst.idx.msk $0xffff, v33  }
0x289: {  	s5 =	sadd.s32 $0xFFFFFFFE, s1;
	v34 =	vadd.s32 v20, v35;
	v33 =	vld [tilespmem:s28+$0xA630]  }
0x28a: {  	v35 =	vmov s5  }
0x28b: {  	v35 =	vshrl.u32 v35, $0x3  }
0x28c: {  	v35 =	vshll.u32 v35, v1  }
0x28d: {  	v35 =	vbroadcast v35, $0x0  }
0x28e: {  	[tilespmem:v34+s25+$0x0] =	vst.idx.msk $0xffff, v33  }
0x28f: {  	v34 =	vadd.s32 v21, v35;
	v33 =	vld [tilespmem:s28+$0xA680];
	_ =	sdelay $0x4  }
0x290: {  	[tilespmem:v34+s25+$0x0] =	vst.idx.msk $0xffff, v33  }
0x291: {  	v34 =	vadd.s32 v22, v35;
	v33 =	vld [tilespmem:s28+$0xA690];
	_ =	sdelay $0x4  }
0x292: {  	[tilespmem:v34+s25+$0x0] =	vst.idx.msk $0xffff, v33  }
0x293: {  	v34 =	vadd.s32 v23, v35;
	v33 =	vld [tilespmem:s28+$0xA6A0];
	_ =	sdelay $0x4  }
0x294: {  	[tilespmem:v34+s25+$0x0] =	vst.idx.msk $0xffff, v33  }
0x295: {  	s5 =	sadd.s32 $0xFFFFFFFF, s1;
	v34 =	vadd.s32 v24, v35;
	v33 =	vld [tilespmem:s28+$0xA6B0]  }
0x296: {  	v35 =	vmov s5  }
0x297: {  	v35 =	vshrl.u32 v35, $0x3  }
0x298: {  	v35 =	vshll.u32 v35, v1  }
0x299: {  	v35 =	vbroadcast v35, $0x0  }
0x29a: {  	[tilespmem:v34+s25+$0x0] =	vst.idx.msk $0xffff, v33  }
0x29b: {  	v34 =	vadd.s32 v25, v35;
	v33 =	vld [tilespmem:s28+$0xA700];
	_ =	sdelay $0x4  }
0x29c: {  	[tilespmem:v34+s25+$0x0] =	vst.idx.msk $0xffff, v33  }
0x29d: {  	v34 =	vadd.s32 v26, v35;
	v33 =	vld [tilespmem:s28+$0xA710];
	_ =	sdelay $0x4  }
0x29e: {  	[tilespmem:v34+s25+$0x0] =	vst.idx.msk $0xffff, v33  }
0x29f: {  	v34 =	vadd.s32 v27, v35;
	v33 =	vld [tilespmem:s28+$0xA720];
	_ =	sdelay $0x4  }
0x2a0: {  	[tilespmem:v34+s25+$0x0] =	vst.idx.msk $0xffff, v33  }
0x2a1: {  	v34 =	vadd.s32 v28, v35;
	v33 =	vld [tilespmem:s28+$0xA730]  }
0x2a2: {  	v35 =	vmov s1  }
0x2a3: {  	v35 =	vshrl.u32 v35, $0x3  }
0x2a4: {  	v35 =	vshll.u32 v35, v1  }
0x2a5: {  	v35 =	vbroadcast v35, $0x0  }
0x2a6: {  	[tilespmem:v34+s25+$0x0] =	vst.idx.msk $0xffff, v33  }
0x2a7: {  	v34 =	vadd.s32 v29, v35;
	v33 =	vld [tilespmem:s28+$0xA780];
	_ =	sdelay $0x4  }
0x2a8: {  	[tilespmem:v34+s25+$0x0] =	vst.idx.msk $0xffff, v33  }
0x2a9: {  	v34 =	vadd.s32 v30, v35;
	v33 =	vld [tilespmem:s28+$0xA790];
	_ =	sdelay $0x4  }
0x2aa: {  	[tilespmem:v34+s25+$0x0] =	vst.idx.msk $0xffff, v33  }
0x2ab: {  	v34 =	vadd.s32 v31, v35;
	v33 =	vld [tilespmem:s28+$0xA7A0];
	_ =	sdelay $0x1  }
.Ltmp1:
0x2ac: {  	(pc) =	sbr.rel @p0 .LBB2_5-.Ltmp1, $3  }
0x2ad: {  	_ =	sdelay $0x1  }
0x2ae: {  	s1 =	sadd.s32 $0x8, s1;
	[tilespmem:v34+s25+$0x0] =	vst.idx.msk $0xffff, v33  }
0x2af: {  	s26 =	sadd.s32 $0x1000, s26;
	s5 =	sadd.s32 $0xFFFFFFF9, s1;
	v34 =	vadd.s32 v32, v35;
	v33 =	vld [tilespmem:s28+$0xA7B0]  }
0x2b0: {  	v35 =	vmov s5  }
0x2b1: {  	v35 =	vshrl.u32 v35, $0x3  }
0x2b2: {  	v35 =	vshll.u32 v35, v1  }
0x2b3: {  	v35 =	vbroadcast v35, $0x0  }
0x2b4: {  	s24 =	sshra.s32 s24, $0x2;
	[tilespmem:v34+s25+$0x0] =	vst.idx.msk $0xffff, v33  }
0x2b5: {  	v33 =	vld [tilespmem:s24+$0xA400];
	v53 =	vadd.s32 v0, v35;
	_ =	sdelay $0x4  }
0x2b6: {  	[tilespmem:v53+s25+$0x0] =	vst.idx.msk $0xffff, v33  }
0x2b7: {  	v54 =	vadd.s32 v2, v35;
	v33 =	vld [tilespmem:s24+$0xA410];
	_ =	sdelay $0x4  }
0x2b8: {  	[tilespmem:v54+s25+$0x0] =	vst.idx.msk $0xffff, v33  }
0x2b9: {  	v55 =	vadd.s32 v3, v35;
	v33 =	vld [tilespmem:s24+$0xA420];
	_ =	sdelay $0x4  }
0x2ba: {  	[tilespmem:v55+s25+$0x0] =	vst.idx.msk $0xffff, v33  }
0x2bb: {  	s26 =	sadd.s32 $0xFFFFFFFA, s1;
	v56 =	vadd.s32 v4, v35;
	v33 =	vld [tilespmem:s24+$0xA430]  }
0x2bc: {  	v57 =	vmov s26  }
0x2bd: {  	v35 =	vshrl.u32 v57, $0x3  }
0x2be: {  	v35 =	vshll.u32 v35, v1  }
0x2bf: {  	v35 =	vbroadcast v35, $0x0  }
0x2c0: {  	[tilespmem:v56+s25+$0x0] =	vst.idx.msk $0xffff, v33  }
0x2c1: {  	v58 =	vadd.s32 v5, v35;
	v33 =	vld [tilespmem:s24+$0xA480];
	_ =	sdelay $0x4  }
0x2c2: {  	[tilespmem:v58+s25+$0x0] =	vst.idx.msk $0xffff, v33  }
0x2c3: {  	v59 =	vadd.s32 v6, v35;
	v33 =	vld [tilespmem:s24+$0xA490];
	_ =	sdelay $0x4  }
0x2c4: {  	[tilespmem:v59+s25+$0x0] =	vst.idx.msk $0xffff, v33  }
0x2c5: {  	v60 =	vadd.s32 v7, v35;
	v33 =	vld [tilespmem:s24+$0xA4A0];
	_ =	sdelay $0x4  }
0x2c6: {  	[tilespmem:v60+s25+$0x0] =	vst.idx.msk $0xffff, v33  }
0x2c7: {  	s28 =	sadd.s32 $0xFFFFFFFB, s1;
	v61 =	vadd.s32 v8, v35;
	v33 =	vld [tilespmem:s24+$0xA4B0]  }
0x2c8: {  	v62 =	vmov s28  }
0x2c9: {  	v35 =	vshrl.u32 v62, $0x3  }
0x2ca: {  	v35 =	vshll.u32 v35, v1  }
0x2cb: {  	v35 =	vbroadcast v35, $0x0  }
0x2cc: {  	[tilespmem:v61+s25+$0x0] =	vst.idx.msk $0xffff, v33  }
0x2cd: {  	v63 =	vadd.s32 v9, v35;
	v33 =	vld [tilespmem:s24+$0xA500];
	_ =	sdelay $0x4  }
0x2ce: {  	[tilespmem:v63+s25+$0x0] =	vst.idx.msk $0xffff, v33  }
0x2cf: {  	v36 =	vadd.s32 v10, v35;
	v33 =	vld [tilespmem:s24+$0xA510];
	_ =	sdelay $0x4  }
0x2d0: {  	[tilespmem:v36+s25+$0x0] =	vst.idx.msk $0xffff, v33  }
0x2d1: {  	v37 =	vadd.s32 v11, v35;
	v33 =	vld [tilespmem:s24+$0xA520];
	_ =	sdelay $0x4  }
0x2d2: {  	[tilespmem:v37+s25+$0x0] =	vst.idx.msk $0xffff, v33  }
0x2d3: {  	s26 =	sadd.s32 $0xFFFFFFFC, s1;
	v38 =	vadd.s32 v12, v35;
	v33 =	vld [tilespmem:s24+$0xA530]  }
0x2d4: {  	v39 =	vmov s26  }
0x2d5: {  	v35 =	vshrl.u32 v39, $0x3  }
0x2d6: {  	v35 =	vshll.u32 v35, v1  }
0x2d7: {  	v35 =	vbroadcast v35, $0x0  }
0x2d8: {  	[tilespmem:v38+s25+$0x0] =	vst.idx.msk $0xffff, v33  }
0x2d9: {  	v40 =	vadd.s32 v13, v35;
	v33 =	vld [tilespmem:s24+$0xA580];
	_ =	sdelay $0x4  }
0x2da: {  	[tilespmem:v40+s25+$0x0] =	vst.idx.msk $0xffff, v33  }
0x2db: {  	v41 =	vadd.s32 v14, v35;
	v33 =	vld [tilespmem:s24+$0xA590];
	_ =	sdelay $0x4  }
0x2dc: {  	[tilespmem:v41+s25+$0x0] =	vst.idx.msk $0xffff, v33  }
0x2dd: {  	v42 =	vadd.s32 v15, v35;
	v33 =	vld [tilespmem:s24+$0xA5A0];
	_ =	sdelay $0x4  }
0x2de: {  	[tilespmem:v42+s25+$0x0] =	vst.idx.msk $0xffff, v33  }
0x2df: {  	s28 =	sadd.s32 $0xFFFFFFFD, s1;
	v43 =	vadd.s32 v16, v35;
	v33 =	vld [tilespmem:s24+$0xA5B0]  }
0x2e0: {  	v44 =	vmov s28  }
0x2e1: {  	v35 =	vshrl.u32 v44, $0x3  }
0x2e2: {  	v35 =	vshll.u32 v35, v1  }
0x2e3: {  	v35 =	vbroadcast v35, $0x0  }
0x2e4: {  	[tilespmem:v43+s25+$0x0] =	vst.idx.msk $0xffff, v33  }
0x2e5: {  	v45 =	vadd.s32 v17, v35;
	v33 =	vld [tilespmem:s24+$0xA600];
	_ =	sdelay $0x4  }
0x2e6: {  	[tilespmem:v45+s25+$0x0] =	vst.idx.msk $0xffff, v33  }
0x2e7: {  	v46 =	vadd.s32 v18, v35;
	v33 =	vld [tilespmem:s24+$0xA610];
	_ =	sdelay $0x4  }
0x2e8: {  	[tilespmem:v46+s25+$0x0] =	vst.idx.msk $0xffff, v33  }
0x2e9: {  	v47 =	vadd.s32 v19, v35;
	v33 =	vld [tilespmem:s24+$0xA620];
	_ =	sdelay $0x4  }
0x2ea: {  	[tilespmem:v47+s25+$0x0] =	vst.idx.msk $0xffff, v33  }
0x2eb: {  	s26 =	sadd.s32 $0xFFFFFFFE, s1;
	v48 =	vadd.s32 v20, v35;
	v33 =	vld [tilespmem:s24+$0xA630]  }
0x2ec: {  	v49 =	vmov s26  }
0x2ed: {  	v35 =	vshrl.u32 v49, $0x3  }
0x2ee: {  	v35 =	vshll.u32 v35, v1  }
0x2ef: {  	v35 =	vbroadcast v35, $0x0  }
0x2f0: {  	[tilespmem:v48+s25+$0x0] =	vst.idx.msk $0xffff, v33  }
0x2f1: {  	v50 =	vadd.s32 v21, v35;
	v33 =	vld [tilespmem:s24+$0xA680];
	_ =	sdelay $0x4  }
0x2f2: {  	[tilespmem:v50+s25+$0x0] =	vst.idx.msk $0xffff, v33  }
0x2f3: {  	v51 =	vadd.s32 v22, v35;
	v33 =	vld [tilespmem:s24+$0xA690];
	_ =	sdelay $0x4  }
0x2f4: {  	[tilespmem:v51+s25+$0x0] =	vst.idx.msk $0xffff, v33  }
0x2f5: {  	v52 =	vadd.s32 v23, v35;
	v33 =	vld [tilespmem:s24+$0xA6A0];
	_ =	sdelay $0x4  }
0x2f6: {  	[tilespmem:v52+s25+$0x0] =	vst.idx.msk $0xffff, v33  }
0x2f7: {  	s28 =	sadd.s32 $0xFFFFFFFF, s1;
	v53 =	vadd.s32 v24, v35;
	v33 =	vld [tilespmem:s24+$0xA6B0]  }
0x2f8: {  	v54 =	vmov s28  }
0x2f9: {  	v35 =	vshrl.u32 v54, $0x3  }
0x2fa: {  	v35 =	vshll.u32 v35, v1  }
0x2fb: {  	v35 =	vbroadcast v35, $0x0  }
0x2fc: {  	[tilespmem:v53+s25+$0x0] =	vst.idx.msk $0xffff, v33  }
0x2fd: {  	v55 =	vadd.s32 v25, v35;
	v33 =	vld [tilespmem:s24+$0xA700];
	_ =	sdelay $0x4  }
0x2fe: {  	[tilespmem:v55+s25+$0x0] =	vst.idx.msk $0xffff, v33  }
0x2ff: {  	v56 =	vadd.s32 v26, v35;
	v33 =	vld [tilespmem:s24+$0xA710];
	_ =	sdelay $0x4  }
0x300: {  	[tilespmem:v56+s25+$0x0] =	vst.idx.msk $0xffff, v33  }
0x301: {  	v57 =	vadd.s32 v27, v35;
	v33 =	vld [tilespmem:s24+$0xA720];
	_ =	sdelay $0x4  }
0x302: {  	[tilespmem:v57+s25+$0x0] =	vst.idx.msk $0xffff, v33  }
0x303: {  	v58 =	vadd.s32 v28, v35;
	v33 =	vld [tilespmem:s24+$0xA730]  }
0x304: {  	v59 =	vmov s1  }
0x305: {  	v35 =	vshrl.u32 v59, $0x3  }
0x306: {  	v35 =	vshll.u32 v35, v1  }
0x307: {  	v35 =	vbroadcast v35, $0x0  }
0x308: {  	[tilespmem:v58+s25+$0x0] =	vst.idx.msk $0xffff, v33  }
0x309: {  	v60 =	vadd.s32 v29, v35;
	v33 =	vld [tilespmem:s24+$0xA780];
	_ =	sdelay $0x4  }
0x30a: {  	[tilespmem:v60+s25+$0x0] =	vst.idx.msk $0xffff, v33  }
0x30b: {  	v61 =	vadd.s32 v30, v35;
	v33 =	vld [tilespmem:s24+$0xA790];
	_ =	sdelay $0x4  }
0x30c: {  	[tilespmem:v61+s25+$0x0] =	vst.idx.msk $0xffff, v33  }
0x30d: {  	v62 =	vadd.s32 v31, v35;
	v33 =	vld [tilespmem:s24+$0xA7A0];
	_ =	sdelay $0x4  }
0x30e: {  	[tilespmem:v62+s25+$0x0] =	vst.idx.msk $0xffff, v33  }
0x30f: {  	v63 =	vadd.s32 v32, v35;
	v33 =	vld [tilespmem:s24+$0xA7B0];
	_ =	sdelay $0x4  }
0x310: {  	s0 =	sadd.s32 @!p1 $0x180, s0;
	s5 =	simm.s32 @!p1 $0xA400;
	s1 =	simm.s32 @!p1 $0x80;
	[tilespmem:v63+s25+$0x0] =	vst.idx.msk $0xffff, v33  }
0x311: {  	[tilespmem:s5], [sflag:$0x2] =	stream.indirect.gather @!p1 [hbm4b:s4+s1], $0x80, s0, s1, $0xb8;
	[tilespmem:$0x12800] =	vst v63  }
0x312: {  	s0 =	sadd.s32 s31, s14  }
0x313: {  	[hbm4b:s0+s3] =	stream.linear.scatter [tilespmem:s25], [sflag:$0x4], $0x80, $0x38;
	[tilespmem:$0x12800] =	vst v63  }
0x314: {  	s28 =	simm.s32 $0x10688;
	s26 =	sadd.s32 $0x10, s0  }
0x315: {  	[hbm4b:s26+s3] =	stream.linear.scatter [tilespmem:s28], [sflag:$0x4], $0x80, $0x38;
	[tilespmem:$0x12800] =	vst v63  }
0x316: {  	s24 =	simm.s32 $0x10710;
	s5 =	sadd.s32 $0x20, s0  }
0x317: {  	[hbm4b:s5+s3] =	stream.linear.scatter [tilespmem:s24], [sflag:$0x4], $0x80, $0x38;
	[tilespmem:$0x12800] =	vst v63  }
0x318: {  	s26 =	sadd.s32 $0x30, s0;
	s28 =	simm.s32 $0x10798  }
0x319: {  	[hbm4b:s26+s3] =	stream.linear.scatter [tilespmem:s28], [sflag:$0x4], $0x80, $0x38;
	[tilespmem:$0x12800] =	vst v63  }
0x31a: {  	s5 =	sadd.s32 $0x40, s0;
	s24 =	simm.s32 $0x10820  }
0x31b: {  	[hbm4b:s5+s3] =	stream.linear.scatter [tilespmem:s24], [sflag:$0x4], $0x80, $0x38;
	[tilespmem:$0x12800] =	vst v63  }
0x31c: {  	s26 =	sadd.s32 $0x50, s0;
	s28 =	simm.s32 $0x108A8  }
0x31d: {  	[hbm4b:s26+s3] =	stream.linear.scatter [tilespmem:s28], [sflag:$0x4], $0x80, $0x38;
	[tilespmem:$0x12800] =	vst v63  }
0x31e: {  	s5 =	sadd.s32 $0x60, s0;
	s24 =	simm.s32 $0x10930  }
0x31f: {  	[hbm4b:s5+s3] =	stream.linear.scatter [tilespmem:s24], [sflag:$0x4], $0x80, $0x38;
	[tilespmem:$0x12800] =	vst v63  }
0x320: {  	s0 =	sadd.s32 $0x70, s0;
	s26 =	simm.s32 $0x109B8  }
0x321: {  	[hbm4b:s0+s3] =	stream.linear.scatter [tilespmem:s26], [sflag:$0x4], $0x80, $0x38;
	[tilespmem:$0x12800] =	vst v63  }
0x322: {  	s28 =	simm.s32 $0x10A40;
	s0 =	sadd.s32 s31, s15  }
0x323: {  	[hbm4b:s0+s3] =	stream.linear.scatter [tilespmem:s28], [sflag:$0x4], $0x80, $0x38;
	[tilespmem:$0x12800] =	vst v63  }
0x324: {  	s24 =	simm.s32 $0x10AC8;
	s5 =	sadd.s32 $0x10, s0  }
0x325: {  	[hbm4b:s5+s3] =	stream.linear.scatter [tilespmem:s24], [sflag:$0x4], $0x80, $0x38;
	[tilespmem:$0x12800] =	vst v63  }
0x326: {  	s26 =	sadd.s32 $0x20, s0;
	s28 =	simm.s32 $0x10B50  }
0x327: {  	[hbm4b:s26+s3] =	stream.linear.scatter [tilespmem:s28], [sflag:$0x4], $0x80, $0x38;
	[tilespmem:$0x12800] =	vst v63  }
0x328: {  	s5 =	sadd.s32 $0x30, s0;
	s24 =	simm.s32 $0x10BD8  }
0x329: {  	[hbm4b:s5+s3] =	stream.linear.scatter [tilespmem:s24], [sflag:$0x4], $0x80, $0x38;
	[tilespmem:$0x12800] =	vst v63  }
0x32a: {  	s26 =	sadd.s32 $0x40, s0;
	s28 =	simm.s32 $0x10C60  }
0x32b: {  	[hbm4b:s26+s3] =	stream.linear.scatter [tilespmem:s28], [sflag:$0x4], $0x80, $0x38;
	[tilespmem:$0x12800] =	vst v63  }
0x32c: {  	s5 =	sadd.s32 $0x50, s0;
	s24 =	simm.s32 $0x10CE8  }
0x32d: {  	[hbm4b:s5+s3] =	stream.linear.scatter [tilespmem:s24], [sflag:$0x4], $0x80, $0x38;
	[tilespmem:$0x12800] =	vst v63  }
0x32e: {  	s26 =	sadd.s32 $0x60, s0;
	s28 =	simm.s32 $0x10D70  }
0x32f: {  	[hbm4b:s26+s3] =	stream.linear.scatter [tilespmem:s28], [sflag:$0x4], $0x80, $0x38;
	[tilespmem:$0x12800] =	vst v63  }
0x330: {  	s0 =	sadd.s32 $0x70, s0;
	s5 =	simm.s32 $0x10DF8  }
0x331: {  	[hbm4b:s0+s3] =	stream.linear.scatter [tilespmem:s5], [sflag:$0x4], $0x80, $0x38;
	[tilespmem:$0x12800] =	vst v63  }
0x332: {  	s24 =	simm.s32 $0x10E80;
	s0 =	sadd.s32 s31, s16  }
0x333: {  	[hbm4b:s0+s3] =	stream.linear.scatter [tilespmem:s24], [sflag:$0x4], $0x80, $0x38;
	[tilespmem:$0x12800] =	vst v63  }
0x334: {  	s28 =	simm.s32 $0x10F08;
	s26 =	sadd.s32 $0x10, s0  }
0x335: {  	[hbm4b:s26+s3] =	stream.linear.scatter [tilespmem:s28], [sflag:$0x4], $0x80, $0x38;
	[tilespmem:$0x12800] =	vst v63  }
0x336: {  	s5 =	sadd.s32 $0x20, s0;
	s24 =	simm.s32 $0x10F90  }
0x337: {  	[hbm4b:s5+s3] =	stream.linear.scatter [tilespmem:s24], [sflag:$0x4], $0x80, $0x38;
	[tilespmem:$0x12800] =	vst v63  }
0x338: {  	s26 =	sadd.s32 $0x30, s0;
	s28 =	simm.s32 $0x11018  }
0x339: {  	[hbm4b:s26+s3] =	stream.linear.scatter [tilespmem:s28], [sflag:$0x4], $0x80, $0x38;
	[tilespmem:$0x12800] =	vst v63  }
0x33a: {  	s5 =	sadd.s32 $0x40, s0;
	s24 =	simm.s32 $0x110A0  }
0x33b: {  	[hbm4b:s5+s3] =	stream.linear.scatter [tilespmem:s24], [sflag:$0x4], $0x80, $0x38;
	[tilespmem:$0x12800] =	vst v63  }
0x33c: {  	s26 =	sadd.s32 $0x50, s0;
	s28 =	simm.s32 $0x11128  }
0x33d: {  	[hbm4b:s26+s3] =	stream.linear.scatter [tilespmem:s28], [sflag:$0x4], $0x80, $0x38;
	[tilespmem:$0x12800] =	vst v63  }
0x33e: {  	s5 =	sadd.s32 $0x60, s0;
	s24 =	simm.s32 $0x111B0  }
0x33f: {  	[hbm4b:s5+s3] =	stream.linear.scatter [tilespmem:s24], [sflag:$0x4], $0x80, $0x38;
	[tilespmem:$0x12800] =	vst v63  }
0x340: {  	s0 =	sadd.s32 $0x70, s0;
	s26 =	simm.s32 $0x11238  }
0x341: {  	[hbm4b:s0+s3] =	stream.linear.scatter [tilespmem:s26], [sflag:$0x4], $0x80, $0x38;
	[tilespmem:$0x12800] =	vst v63  }
0x342: {  	s28 =	simm.s32 $0x112C0;
	s0 =	sadd.s32 s31, s17  }
0x343: {  	[hbm4b:s0+s3] =	stream.linear.scatter [tilespmem:s28], [sflag:$0x4], $0x80, $0x38;
	[tilespmem:$0x12800] =	vst v63  }
0x344: {  	s24 =	simm.s32 $0x11348;
	s5 =	sadd.s32 $0x10, s0  }
0x345: {  	[hbm4b:s5+s3] =	stream.linear.scatter [tilespmem:s24], [sflag:$0x4], $0x80, $0x38;
	[tilespmem:$0x12800] =	vst v63  }
0x346: {  	s26 =	sadd.s32 $0x20, s0;
	s28 =	simm.s32 $0x113D0  }
0x347: {  	[hbm4b:s26+s3] =	stream.linear.scatter [tilespmem:s28], [sflag:$0x4], $0x80, $0x38;
	[tilespmem:$0x12800] =	vst v63  }
0x348: {  	s5 =	sadd.s32 $0x30, s0;
	s24 =	simm.s32 $0x11458  }
0x349: {  	[hbm4b:s5+s3] =	stream.linear.scatter [tilespmem:s24], [sflag:$0x4], $0x80, $0x38;
	[tilespmem:$0x12800] =	vst v63  }
0x34a: {  	s26 =	sadd.s32 $0x40, s0;
	s28 =	simm.s32 $0x114E0  }
0x34b: {  	[hbm4b:s26+s3] =	stream.linear.scatter [tilespmem:s28], [sflag:$0x4], $0x80, $0x38;
	[tilespmem:$0x12800] =	vst v63  }
0x34c: {  	s5 =	sadd.s32 $0x50, s0;
	s24 =	simm.s32 $0x11568  }
0x34d: {  	[hbm4b:s5+s3] =	stream.linear.scatter [tilespmem:s24], [sflag:$0x4], $0x80, $0x38;
	[tilespmem:$0x12800] =	vst v63  }
0x34e: {  	s26 =	sadd.s32 $0x60, s0;
	s28 =	simm.s32 $0x115F0  }
0x34f: {  	[hbm4b:s26+s3] =	stream.linear.scatter [tilespmem:s28], [sflag:$0x4], $0x80, $0x38;
	[tilespmem:$0x12800] =	vst v63  }
0x350: {  	s0 =	sadd.s32 $0x70, s0;
	s5 =	simm.s32 $0x11678  }
0x351: {  	[hbm4b:s0+s3] =	stream.linear.scatter [tilespmem:s5], [sflag:$0x4], $0x80, $0x38;
	[tilespmem:$0x12800] =	vst v63  }
0x352: {  	s24 =	simm.s32 $0x11700;
	s0 =	sadd.s32 s31, s18  }
0x353: {  	[hbm4b:s0+s3] =	stream.linear.scatter [tilespmem:s24], [sflag:$0x4], $0x80, $0x38;
	[tilespmem:$0x12800] =	vst v63  }
0x354: {  	s28 =	simm.s32 $0x11788;
	s26 =	sadd.s32 $0x10, s0  }
0x355: {  	[hbm4b:s26+s3] =	stream.linear.scatter [tilespmem:s28], [sflag:$0x4], $0x80, $0x38;
	[tilespmem:$0x12800] =	vst v63  }
0x356: {  	s5 =	sadd.s32 $0x20, s0;
	s24 =	simm.s32 $0x11810  }
0x357: {  	[hbm4b:s5+s3] =	stream.linear.scatter [tilespmem:s24], [sflag:$0x4], $0x80, $0x38;
	[tilespmem:$0x12800] =	vst v63  }
0x358: {  	s26 =	sadd.s32 $0x30, s0;
	s28 =	simm.s32 $0x11898  }
0x359: {  	[hbm4b:s26+s3] =	stream.linear.scatter [tilespmem:s28], [sflag:$0x4], $0x80, $0x38;
	[tilespmem:$0x12800] =	vst v63  }
0x35a: {  	s5 =	sadd.s32 $0x40, s0;
	s24 =	simm.s32 $0x11920  }
0x35b: {  	[hbm4b:s5+s3] =	stream.linear.scatter [tilespmem:s24], [sflag:$0x4], $0x80, $0x38;
	[tilespmem:$0x12800] =	vst v63  }
0x35c: {  	s26 =	sadd.s32 $0x50, s0;
	s28 =	simm.s32 $0x119A8  }
0x35d: {  	[hbm4b:s26+s3] =	stream.linear.scatter [tilespmem:s28], [sflag:$0x4], $0x80, $0x38;
	[tilespmem:$0x12800] =	vst v63  }
0x35e: {  	s5 =	sadd.s32 $0x60, s0;
	s24 =	simm.s32 $0x11A30  }
0x35f: {  	[hbm4b:s5+s3] =	stream.linear.scatter [tilespmem:s24], [sflag:$0x4], $0x80, $0x38;
	[tilespmem:$0x12800] =	vst v63  }
0x360: {  	s0 =	sadd.s32 $0x70, s0;
	s26 =	simm.s32 $0x11AB8  }
0x361: {  	[hbm4b:s0+s3] =	stream.linear.scatter [tilespmem:s26], [sflag:$0x4], $0x80, $0x38;
	[tilespmem:$0x12800] =	vst v63  }
0x362: {  	s28 =	simm.s32 $0x11B40;
	s0 =	sadd.s32 s31, s19  }
0x363: {  	[hbm4b:s0+s3] =	stream.linear.scatter [tilespmem:s28], [sflag:$0x4], $0x80, $0x38;
	[tilespmem:$0x12800] =	vst v63  }
0x364: {  	s24 =	simm.s32 $0x11BC8;
	s5 =	sadd.s32 $0x10, s0  }
0x365: {  	[hbm4b:s5+s3] =	stream.linear.scatter [tilespmem:s24], [sflag:$0x4], $0x80, $0x38;
	[tilespmem:$0x12800] =	vst v63  }
0x366: {  	s26 =	sadd.s32 $0x20, s0;
	s28 =	simm.s32 $0x11C50  }
0x367: {  	[hbm4b:s26+s3] =	stream.linear.scatter [tilespmem:s28], [sflag:$0x4], $0x80, $0x38;
	[tilespmem:$0x12800] =	vst v63  }
0x368: {  	s5 =	sadd.s32 $0x30, s0;
	s24 =	simm.s32 $0x11CD8  }
0x369: {  	[hbm4b:s5+s3] =	stream.linear.scatter [tilespmem:s24], [sflag:$0x4], $0x80, $0x38;
	[tilespmem:$0x12800] =	vst v63  }
0x36a: {  	s26 =	sadd.s32 $0x40, s0;
	s28 =	simm.s32 $0x11D60  }
0x36b: {  	[hbm4b:s26+s3] =	stream.linear.scatter [tilespmem:s28], [sflag:$0x4], $0x80, $0x38;
	[tilespmem:$0x12800] =	vst v63  }
0x36c: {  	s5 =	sadd.s32 $0x50, s0;
	s24 =	simm.s32 $0x11DE8  }
0x36d: {  	[hbm4b:s5+s3] =	stream.linear.scatter [tilespmem:s24], [sflag:$0x4], $0x80, $0x38;
	[tilespmem:$0x12800] =	vst v63  }
0x36e: {  	s26 =	sadd.s32 $0x60, s0;
	s28 =	simm.s32 $0x11E70  }
0x36f: {  	[hbm4b:s26+s3] =	stream.linear.scatter [tilespmem:s28], [sflag:$0x4], $0x80, $0x38;
	[tilespmem:$0x12800] =	vst v63  }
0x370: {  	s0 =	sadd.s32 $0x70, s0;
	s5 =	simm.s32 $0x11EF8  }
0x371: {  	[hbm4b:s0+s3] =	stream.linear.scatter [tilespmem:s5], [sflag:$0x4], $0x80, $0x38;
	[tilespmem:$0x12800] =	vst v63  }
0x372: {  	s24 =	simm.s32 $0x11F80;
	s0 =	sadd.s32 s31, s20  }
0x373: {  	[hbm4b:s0+s3] =	stream.linear.scatter [tilespmem:s24], [sflag:$0x4], $0x80, $0x38;
	[tilespmem:$0x12800] =	vst v63  }
0x374: {  	s28 =	simm.s32 $0x12008;
	s26 =	sadd.s32 $0x10, s0  }
0x375: {  	[hbm4b:s26+s3] =	stream.linear.scatter [tilespmem:s28], [sflag:$0x4], $0x80, $0x38;
	[tilespmem:$0x12800] =	vst v63  }
0x376: {  	s5 =	sadd.s32 $0x20, s0;
	s24 =	simm.s32 $0x12090  }
0x377: {  	[hbm4b:s5+s3] =	stream.linear.scatter [tilespmem:s24], [sflag:$0x4], $0x80, $0x38;
	[tilespmem:$0x12800] =	vst v63  }
0x378: {  	s26 =	sadd.s32 $0x30, s0;
	s28 =	simm.s32 $0x12118  }
0x379: {  	[hbm4b:s26+s3] =	stream.linear.scatter [tilespmem:s28], [sflag:$0x4], $0x80, $0x38;
	[tilespmem:$0x12800] =	vst v63  }
0x37a: {  	s5 =	sadd.s32 $0x40, s0;
	s24 =	simm.s32 $0x121A0  }
0x37b: {  	[hbm4b:s5+s3] =	stream.linear.scatter [tilespmem:s24], [sflag:$0x4], $0x80, $0x38;
	[tilespmem:$0x12800] =	vst v63  }
0x37c: {  	s26 =	sadd.s32 $0x50, s0;
	s28 =	simm.s32 $0x12228  }
0x37d: {  	[hbm4b:s26+s3] =	stream.linear.scatter [tilespmem:s28], [sflag:$0x4], $0x80, $0x38;
	[tilespmem:$0x12800] =	vst v63  }
0x37e: {  	s24 =	sadd.s32 $0x60, s0;
	s26 =	simm.s32 $0x122B0  }
0x37f: {  	[hbm4b:s24+s3] =	stream.linear.scatter [tilespmem:s26], [sflag:$0x4], $0x80, $0x38;
	[tilespmem:$0x12800] =	vst v63  }
0x380: {  	s0 =	sadd.s32 $0x70, s0;
	s28 =	simm.s32 $0x12338  }
0x381: {  	[hbm4b:s0+s3] =	stream.linear.scatter [tilespmem:s28], [sflag:$0x4], $0x80, $0x38;
	[tilespmem:$0x12800] =	vst v63  }
0x382: {  	s5 =	simm.s32 $0x123C0;
	s0 =	sadd.s32 s31, s21  }
0x383: {  	[hbm4b:s0+s3] =	stream.linear.scatter [tilespmem:s5], [sflag:$0x4], $0x80, $0x38;
	[tilespmem:$0x12800] =	vst v63  }
0x384: {  	s26 =	simm.s32 $0x12448;
	s24 =	sadd.s32 $0x10, s0  }
0x385: {  	[hbm4b:s24+s3] =	stream.linear.scatter [tilespmem:s26], [sflag:$0x4], $0x80, $0x38;
	[tilespmem:$0x12800] =	vst v63  }
0x386: {  	s31 =	simm.s32 $0x124D0;
	s28 =	sadd.s32 $0x20, s0  }
0x387: {  	[hbm4b:s28+s3] =	stream.linear.scatter [tilespmem:s31], [sflag:$0x4], $0x80, $0x38;
	[tilespmem:$0x12800] =	vst v63  }
0x388: {  	s24 =	sadd.s32 $0x30, s0;
	s26 =	simm.s32 $0x12558  }
0x389: {  	[hbm4b:s24+s3] =	stream.linear.scatter [tilespmem:s26], [sflag:$0x4], $0x80, $0x38;
	[tilespmem:$0x12800] =	vst v63  }
0x38a: {  	s2 =	sadd.s32 $0x1, s2;
	s28 =	sadd.s32 $0x40, s0;
	s31 =	simm.s32 $0x125E0  }
0x38b: {  	[hbm4b:s28+s3] =	stream.linear.scatter [tilespmem:s31], [sflag:$0x4], $0x80, $0x38;
	[tilespmem:$0x12800] =	vst v63  }
0x38c: {  	p0 =	sne.s32 s2, $0x64;
	s24 =	sadd.s32 $0x50, s0;
	s26 =	simm.s32 $0x12668  }
0x38d: {  	[hbm4b:s24+s3] =	stream.linear.scatter [tilespmem:s26], [sflag:$0x4], $0x80, $0x38;
	[tilespmem:$0x12800] =	vst v63  }
.Ltmp2:
0x38e: {  	_ = 	snop;
	(pc) =	sbr.rel @p0 .LBB2_2-.Ltmp2, $4  }
0x38f: {  	s28 =	sadd.s32 $0x60, s0;
	s31 =	simm.s32 $0x126F0  }
0x390: {  	[hbm4b:s28+s3] =	stream.linear.scatter [tilespmem:s31], [sflag:$0x4], $0x80, $0x38;
	[tilespmem:$0x12800] =	vst v63  }
0x391: {  	s0 =	sadd.s32 $0x70, s0  }
0x392: {  	[hbm4b:s0+s3] =	stream.linear.scatter [tilespmem:s22], [sflag:$0x4], $0x80, $0x38;
	[tilespmem:$0x12800] =	vst v63  }
0x393: {  	s0 =	simm.s32 $0x3  }
0x394: {  	_ =	swait.ge [sflag:s0], $0x400  }
0x395: {  	[sflag:s0] =	ssyncset.done $0x0  }
0x396: {  	[sflag:s0] =	ssyncadd.s32 $0xFFFFFC00  }
0x397: {  	_ =	swait.ge [sflag:s0], $0x400  }
0x398: {  	[sflag:s0] =	ssyncset.done $0x0  }
0x399: {  	[sflag:s0] =	ssyncadd.s32 $0xFFFFFC00  }
0x39a: {  	_ =	swait.ge [sflag:s0], $0x400  }
0x39b: {  	[sflag:s0] =	ssyncset.done $0x0  }
0x39c: {  	[sflag:s0] =	ssyncadd.s32 $0xFFFFFC00  }
0x39d: {  	_ =	swait.ge [sflag:s0], $0x400  }
0x39e: {  	[sflag:s0] =	ssyncset.done $0x0  }
0x39f: {  	[sflag:s0] =	ssyncadd.s32 $0xFFFFFC00  }
0x3a0: {  	_ =	swait.ge [sflag:s0], $0x400  }
0x3a1: {  	[sflag:s0] =	ssyncset.done $0x0  }
0x3a2: {  	[sflag:s0] =	ssyncadd.s32 $0xFFFFFC00  }
0x3a3: {  	_ =	swait.ge [sflag:s0], $0x400  }
0x3a4: {  	[sflag:s0] =	ssyncset.done $0x0  }
0x3a5: {  	[sflag:s0] =	ssyncadd.s32 $0xFFFFFC00  }
0x3a6: {  	_ =	swait.ge [sflag:s0], $0x400  }
0x3a7: {  	[sflag:s0] =	ssyncset.done $0x0  }
0x3a8: {  	[sflag:s0] =	ssyncadd.s32 $0xFFFFFC00  }
0x3a9: {  	_ =	swait.ge [sflag:s0], $0x400  }
0x3aa: {  	[sflag:s0] =	ssyncset.done $0x0  }
0x3ab: {  	s1 =	simm.s32 $0x4;
	[sflag:s0] =	ssyncadd.s32 $0xFFFFFC00  }
0x3ac: {  	_ =	swait.ge [sflag:s1], $0x400  }
0x3ad: {  	[sflag:s1] =	ssyncset.done $0x0  }
0x3ae: {  	[sflag:s1] =	ssyncadd.s32 $0xFFFFFC00  }
0x3af: {  	_ =	swait.ge [sflag:s1], $0x400  }
0x3b0: {  	[sflag:s1] =	ssyncset.done $0x0  }
0x3b1: {  	[sflag:s1] =	ssyncadd.s32 $0xFFFFFC00  }
0x3b2: {  	_ =	swait.ge [sflag:s1], $0x400  }
0x3b3: {  	[sflag:s1] =	ssyncset.done $0x0  }
0x3b4: {  	[sflag:s1] =	ssyncadd.s32 $0xFFFFFC00  }
0x3b5: {  	_ =	swait.ge [sflag:s1], $0x400  }
0x3b6: {  	[sflag:s1] =	ssyncset.done $0x0  }
0x3b7: {  	[sflag:s1] =	ssyncadd.s32 $0xFFFFFC00  }
0x3b8: {  	_ =	swait.ge [sflag:s1], $0x400  }
0x3b9: {  	[sflag:s1] =	ssyncset.done $0x0  }
0x3ba: {  	[sflag:s1] =	ssyncadd.s32 $0xFFFFFC00  }
0x3bb: {  	_ =	swait.ge [sflag:s1], $0x400  }
0x3bc: {  	[sflag:s1] =	ssyncset.done $0x0  }
0x3bd: {  	[sflag:s1] =	ssyncadd.s32 $0xFFFFFC00  }
0x3be: {  	_ =	swait.ge [sflag:s1], $0x400  }
0x3bf: {  	[sflag:s1] =	ssyncset.done $0x0  }
0x3c0: {  	[sflag:s1] =	ssyncadd.s32 $0xFFFFFC00  }
0x3c1: {  	_ =	swait.ge [sflag:s1], $0x400  }
0x3c2: {  	s2 =	rddreg [dreg:$0x5]  }
0x3c3: {  	s31 =	rddreg [dreg:$0x4];
	s2 =	sadd.s32 $0x1, s2  }
0x3c4: {  	p0 =	sne.s32 s2, s31  }
.Ltmp3:
0x3c5: {  	_ = 	snop;
	(pc) =	sbr.rel @p0 .LBB2_1-.Ltmp3, $3  }
0x3c6: {  	_ =	sdelay $0x1  }
0x3c7: {  	[sflag:s1] =	ssyncset.done $0x0  }
0x3c8: {  	[sflag:s1] =	ssyncadd.s32 $0xFFFFFC00  }
0x3c9: {  	_ =	sfence.sel $0x180000  }
0x3ca: {  	[bflag:$0x0] =	sbarrier.arrive $0xFFFF  }
0x3cb: {  	_ =	strace $0x90000047  }
0x3cc: {  	s0 =	stileid.u32;
	[bflag:$0x2] =	sbarrier.arrive $0xFFFF  }
0x3cd: {  	p0 =	sne.s32 s0, $0x0;
	s0 =	rddreg [dreg:$0x2]  }
0x3ce: {  	s0 =	sadd.s32 @!p0 $0x100000, s0  }
0x3cf: {  	[sflag:s0] =	ssyncadd.tile.s32 @!p0 $0x1;
	_ =	shalt  }
.Lfunc_end2:
_tile_overlayer_lowered:
.L_overlay_start_2:
0x3d0: {  	(tag) =	ssettag $0x2  }
0x3d1: {  	s0 =	rddreg [dreg:$0x0];
	s2 =	stileid.u32  }
0x3d2: {  	s1 =	rddreg [dreg:$0x1];
	p0 =	sne.s32 s2, $0x0  }
0x3d3: {  	s3 =	rddreg [dreg:$0x2];
	[bflag:$0x3] =	sbarrier.arrive $0xFFFF;
	s2 =	simm.s32 @!p0 $0x1C05  }
0x3d4: {  	[timem:s3], [sflag:s2] =	dma.local @!p0 [hbm:s0], s1  }
0x3d5: {  	s0 =	simm.s32 @!p0 $0x5  }
0x3d6: {  	_ =	swait.ge @!p0 [sflag:s0], s1  }
0x3d7: {  	s1 =	ssub.s32 @!p0 $0x0, s1;
	[sflag:s0] =	ssyncset.done @!p0 $0x0  }
0x3d8: {  	[sflag:s0] =	ssyncadd.s32 @!p0 s1  }
0x3d9: {  	[bflag:$0x3] =	sbarrier.arrive $0xFFFF  }
0x3da: {  	_ =	shalt  }

</sc_bundles>
